<compile_context>
chip_gen: v7x
topology: tpu7x:2x2x1
jax: 0.10.2.dev20260603
libtpu: 0.0.44.dev20260713+nightly
codegen_flags: <defaults>
</compile_context>

<pallas_src>
import jax
import jax.numpy as jnp
from jax import lax
from jax.experimental import pallas as pl
from jax.experimental.pallas import tpu as pltpu
from jax.experimental.pallas import tpu_sc as plsc

B, D, V, K1 = 1024, 128, 1000000, 512
T = 0.07
L = 16
NW = 32
B_PER_W = B // NW
C_ROWS = 256
N_CHUNKS = B_PER_W * 2
G_PER_C = C_ROWS // L
NC = D // L


def _fire(mem_hbm, idx_all, rows_v, chunk, buf, sem):
    for r in range(2):
        pltpu.async_copy(
            mem_hbm.at[idx_all.at[chunk * 2 + r]],
            rows_v.at[pl.ds(buf * C_ROWS + r * 128, 128)],
            sem,
        )


def _wait(mem_hbm, idx_all, rows_v, chunk, buf, sem):
    for r in range(2):
        pltpu.make_async_copy(
            mem_hbm.at[idx_all.at[chunk * 2 + r]],
            rows_v.at[pl.ds(buf * C_ROWS + r * 128, 128)],
            sem,
        ).wait()


def _body(x_hbm, idx_hbm, mem_hbm, out_hbm, idx_all, rows_v, out_v, xall_v,
          sem0, sem1):
    wid = lax.axis_index("s") * 2 + lax.axis_index("c")
    b0 = wid * B_PER_W
    iota = lax.iota(jnp.int32, L)
    inv_t = jnp.float32(1.0 / T)

    pltpu.sync_copy(idx_hbm.at[pl.ds(b0 * 4, B_PER_W * 4)], idx_all)
    pltpu.sync_copy(x_hbm.at[pl.ds(b0, B_PER_W)], xall_v)

    _fire(mem_hbm, idx_all, rows_v, 0, 0, sem0)

    def per_chunk(t, _):
        p = t & 1
        a = t >> 1

        @pl.when(p == 0)
        def _():
            @pl.when(t < N_CHUNKS - 1)
            def _():
                _fire(mem_hbm, idx_all, rows_v, t + 1, 1, sem1)
            _wait(mem_hbm, idx_all, rows_v, t, 0, sem0)

        @pl.when(p == 1)
        def _():
            @pl.when(t < N_CHUNKS - 1)
            def _():
                _fire(mem_hbm, idx_all, rows_v, t + 1, 0, sem0)
            _wait(mem_hbm, idx_all, rows_v, t, 1, sem1)

        row_base = p * C_ROWS

        NG = 4

        def per_gquad(g, _):
            row_ids_h = [row_base + g * (NG * L) + h * L + iota
                         for h in range(NG)]
            xvs = [xall_v[a, pl.ds(c * L, L)] for c in range(NC)]

            def rbody(r, carry):
                rot = carry[0]
                accs = list(carry[1:])
                for c in range(NC):
                    cidx = rot + c * L
                    xs = xvs[c].at[rot].get(mode="promise_in_bounds")
                    for h in range(NG):
                        col = plsc.load_gather(rows_v, [row_ids_h[h], cidx])
                        accs[h * NC + c] = accs[h * NC + c] + col * xs
                return ((rot + 1) & (L - 1),) + tuple(accs)

            z = jnp.zeros((L,), jnp.float32)
            res = lax.fori_loop(0, L, rbody, (iota,) + (z,) * (NG * NC),
                                unroll=8)
            accs = res[1:]
            for h in range(NG):
                aa = accs[h * NC:(h + 1) * NC]
                s01 = aa[0] + aa[1]
                s23 = aa[2] + aa[3]
                s45 = aa[4] + aa[5]
                s67 = aa[6] + aa[7]
                out_v[pl.ds(t * C_ROWS + g * NG * L + h * L, L)] = (
                    (s01 + s23) + (s45 + s67)) * inv_t
            return 0

        lax.fori_loop(0, G_PER_C // NG, per_gquad, 0)
        return 0

    lax.fori_loop(0, N_CHUNKS, per_chunk, 0)
    pltpu.sync_copy(out_v, out_hbm.at[pl.ds(b0 * K1, B_PER_W * K1)])


@jax.jit
def _run(x, idx2, memory):
    kfn = pl.kernel(
        _body,
        out_type=jax.ShapeDtypeStruct((B * K1,), jnp.float32),
        mesh=plsc.VectorSubcoreMesh(core_axis_name="c", subcore_axis_name="s"),
        compiler_params=pltpu.CompilerParams(needs_layout_passes=False),
        scratch_types=[
            pltpu.VMEM((B_PER_W * 4, 128), jnp.int32),
            pltpu.VMEM((2 * C_ROWS, D), jnp.float32),
            pltpu.VMEM((B_PER_W * K1,), jnp.float32),
            pltpu.VMEM((B_PER_W, D), jnp.float32),
            pltpu.SemaphoreType.DMA,
            pltpu.SemaphoreType.DMA,
        ],
    )
    return kfn(x, idx2, memory)


def kernel(x, y, idx, memory):
    del y
    idx2 = idx.reshape(B * 4, 128)
    return _run(x, idx2, memory).reshape(B, K1)

# --- scband reference (transcript-rebuilt; emitter-appended) ---
"""Pipeline reference for scband-memory-ins-dis-3083786519080 (READ-ONLY COPY).

The authoritative reference and input builder live on the scoring server;
editing this copy changes nothing except your own understanding.
"""

import jax, jax.numpy as jnp
import numpy as np

B, D, V, K = 1024, 128, 1000000, 511
T = 0.07
MOMENTUM = 0.5


def setup_inputs(seed: int = 0) -> dict:
    key = jax.random.key(seed)
    k1, k2, k3, k4 = jax.random.split(key, 4)
    x = jax.random.normal(k1, (B, D), dtype=jnp.float32)
    y = jax.random.randint(k2, (B,), 0, V, dtype=jnp.int32)
    idx = jax.random.randint(k3, (B, K + 1), 0, V, dtype=jnp.int32)
    stdv = 1.0 / np.sqrt(D / 3.0)
    memory = jax.random.uniform(k4, (V, D), dtype=jnp.float32) * (2.0 * stdv) - stdv
    return {"x": x, "y": y, "idx": idx, "memory": memory}


def reference(x, y, idx, memory):
    batchSize = x.shape[0]
    inputSize = memory.shape[1]
    # gather K+1 memory rows per anchor: weight = memory[idx]
    weight = jnp.take(memory, idx.reshape(-1), axis=0).reshape(batchSize, K + 1, inputSize)
    # bmm(weight, x.view(B, D, 1)) -> [B, K+1, 1]
    out = jnp.einsum('bkd,bd->bk', weight, x)
    # use_softmax=True branch: divide by temperature and squeeze
    out = out / T
    # memory update side effect (no_grad in torch): computed for faithfulness
    weight_pos = jnp.take(memory, y, axis=0)
    weight_pos = weight_pos * MOMENTUM + x * (1.0 - MOMENTUM)
    weight_norm = jnp.power(jnp.sum(jnp.power(weight_pos, 2), axis=1, keepdims=True), 0.5)
    updated_weight = weight_pos / weight_norm
    _ = memory.at[y].set(updated_weight)
    return out

if __name__ == "__main__":
    import jax
    _d = setup_inputs()
    print(jax.jit(kernel)(*tuple(_d.values())))

</pallas_src>

<mosaic_0001>
#map = affine_map<(d0, d1) -> (0, 0)>
#map1 = affine_map<(d0, d1) -> (0)>
module attributes {stable_mosaic.version = 14 : i64} {
  func.func @_body(%arg0: i32, %arg1: i32, %arg2: memref<1024x128xf32, #tpu.memory_space<hbm>>, %arg3: memref<4096x128xi32, #tpu.memory_space<hbm>>, %arg4: memref<1000000x128xf32, #tpu.memory_space<hbm>>, %arg5: memref<524288xf32, #tpu.memory_space<hbm>>, %arg6: memref<128x128xi32, #tpu.memory_space<vmem>>, %arg7: memref<512x128xf32, #tpu.memory_space<vmem>>, %arg8: memref<16384xf32, #tpu.memory_space<vmem>>, %arg9: memref<32x128xf32, #tpu.memory_space<vmem>>, %arg10: memref<!tpu.dma_semaphore, #tpu.memory_space<semaphore_mem>>, %arg11: memref<!tpu.dma_semaphore, #tpu.memory_space<semaphore_mem>>) attributes {dimension_semantics = [#tpu.dimension_semantics<core_parallel>, #tpu.dimension_semantics<subcore_parallel>], iteration_bounds = array<i64: 2, 16>, scalar_prefetch = 0 : i64, scratch_operands = 6 : i64, tpu.core_type = #tpu.core_type<sc_vector_subcore>, window_params = [{transform_indices = #map}, {transform_indices = #map}, {transform_indices = #map}, {transform_indices = #map1}]} {
    %mul3A = arith.constant 2 : i32
    %mul3A_0 = arith.muli %arg1, %mul3A : i32
    %add3A = arith.addi %mul3A_0, %arg0 : i32
    %mul3A_1 = arith.constant 32 : i32
    %mul3A_2 = arith.muli %add3A, %mul3A_1 : i32
    %iota3A = tpu.iota {dimensions = array<i32: 0>} : vector<16xi32>
    %mul3A_3 = arith.constant 4 : i32
    %mul3A_4 = arith.muli %mul3A_2, %mul3A_3 : i32
    "tpu.region"() ({
      %run_scoped3A = tpu.sem_alloc : memref<!tpu.dma_semaphore, #tpu.memory_space<semaphore_mem>>
      %dma_start3A_33 = arith.constant 0 : i32
      %dma_start3A_34 = tpu.memref_slice %arg3[%mul3A_4, %dma_start3A_33] : memref<4096x128xi32, #tpu.memory_space<hbm>> -> memref<128x128xi32, #tpu.memory_space<hbm>>
      %dma_start3A_35 = arith.constant 0 : i32
      %dma_start3A_36 = tpu.memref_slice %arg3[%mul3A_4, %dma_start3A_35] : memref<4096x128xi32, #tpu.memory_space<hbm>> -> memref<128x128xi32, #tpu.memory_space<hbm>>
      tpu.enqueue_dma source(%dma_start3A_36 : memref<128x128xi32, #tpu.memory_space<hbm>>) target(%arg6 : memref<128x128xi32, #tpu.memory_space<vmem>>) target_semaphore(%run_scoped3A : memref<!tpu.dma_semaphore, #tpu.memory_space<semaphore_mem>>)
      %dma_wait3A = arith.constant 0 : i32
      %dma_wait3A_37 = tpu.memref_slice %arg3[%mul3A_4, %dma_wait3A] : memref<4096x128xi32, #tpu.memory_space<hbm>> -> memref<128x128xi32, #tpu.memory_space<hbm>>
      %dma_wait3A_38 = arith.constant 0 : i32
      %dma_wait3A_39 = tpu.memref_slice %arg3[%mul3A_4, %dma_wait3A_38] : memref<4096x128xi32, #tpu.memory_space<hbm>> -> memref<128x128xi32, #tpu.memory_space<hbm>>
      tpu.wait_dma2 semaphore(%run_scoped3A : memref<!tpu.dma_semaphore, #tpu.memory_space<semaphore_mem>>) src(%dma_wait3A_39 : memref<128x128xi32, #tpu.memory_space<hbm>>) dst(%arg6 : memref<128x128xi32, #tpu.memory_space<vmem>>)
      tpu.yield
    }) : () -> ()
    "tpu.region"() ({
      %run_scoped3A = tpu.sem_alloc : memref<!tpu.dma_semaphore, #tpu.memory_space<semaphore_mem>>
      %dma_start3A_33 = arith.constant 0 : i32
      %dma_start3A_34 = tpu.memref_slice %arg2[%mul3A_2, %dma_start3A_33] : memref<1024x128xf32, #tpu.memory_space<hbm>> -> memref<32x128xf32, #tpu.memory_space<hbm>>
      %dma_start3A_35 = arith.constant 0 : i32
      %dma_start3A_36 = tpu.memref_slice %arg2[%mul3A_2, %dma_start3A_35] : memref<1024x128xf32, #tpu.memory_space<hbm>> -> memref<32x128xf32, #tpu.memory_space<hbm>>
      tpu.enqueue_dma source(%dma_start3A_36 : memref<32x128xf32, #tpu.memory_space<hbm>>) target(%arg9 : memref<32x128xf32, #tpu.memory_space<vmem>>) target_semaphore(%run_scoped3A : memref<!tpu.dma_semaphore, #tpu.memory_space<semaphore_mem>>)
      %dma_wait3A = arith.constant 0 : i32
      %dma_wait3A_37 = tpu.memref_slice %arg2[%mul3A_2, %dma_wait3A] : memref<1024x128xf32, #tpu.memory_space<hbm>> -> memref<32x128xf32, #tpu.memory_space<hbm>>
      %dma_wait3A_38 = arith.constant 0 : i32
      %dma_wait3A_39 = tpu.memref_slice %arg2[%mul3A_2, %dma_wait3A_38] : memref<1024x128xf32, #tpu.memory_space<hbm>> -> memref<32x128xf32, #tpu.memory_space<hbm>>
      tpu.wait_dma2 semaphore(%run_scoped3A : memref<!tpu.dma_semaphore, #tpu.memory_space<semaphore_mem>>) src(%dma_wait3A_39 : memref<32x128xf32, #tpu.memory_space<hbm>>) dst(%arg9 : memref<32x128xf32, #tpu.memory_space<vmem>>)
      tpu.yield
    }) : () -> ()
    %dma_start3A = arith.constant 0 : i32
    %dma_start3A_5 = arith.constant 0 : i32
    %dma_start3A_6 = arith.constant 0 : i32
    %dma_start3A_7 = tpu.memref_slice %arg7[%dma_start3A_5, %dma_start3A_6] : memref<512x128xf32, #tpu.memory_space<vmem>> -> memref<128x128xf32, #tpu.memory_space<vmem>>
    %dma_start3A_8 = arith.constant 0 : i32
    %dma_start3A_9 = tpu.memref_slice %arg6[%dma_start3A, %dma_start3A_8] : memref<128x128xi32, #tpu.memory_space<vmem>> -> memref<1x128xi32, #tpu.memory_space<vmem>>
    %dma_start3A_10 = tpu.memref_squeeze %dma_start3A_9 : memref<1x128xi32, #tpu.memory_space<vmem>> -> memref<128xi32, #tpu.memory_space<vmem>>
    %dma_start3A_11 = arith.constant 0 : i32
    %dma_start3A_12 = arith.constant 0 : i32
    %dma_start3A_13 = tpu.memref_slice %arg4[%dma_start3A_11, %dma_start3A_12] : memref<1000000x128xf32, #tpu.memory_space<hbm>> -> memref<1000000x128xf32, #tpu.memory_space<hbm>>
    tpu.enqueue_indirect_dma source(%dma_start3A_13 : memref<1000000x128xf32, #tpu.memory_space<hbm>>) target(%dma_start3A_7 : memref<128x128xf32, #tpu.memory_space<vmem>>) offsets(%dma_start3A_10 : memref<128xi32, #tpu.memory_space<vmem>>) semaphore(%arg10 : memref<!tpu.dma_semaphore, #tpu.memory_space<semaphore_mem>>)
    %dma_start3A_14 = arith.constant 1 : i32
    %dma_start3A_15 = arith.constant 128 : i32
    %dma_start3A_16 = arith.constant 0 : i32
    %dma_start3A_17 = tpu.memref_slice %arg7[%dma_start3A_15, %dma_start3A_16] : memref<512x128xf32, #tpu.memory_space<vmem>> -> memref<128x128xf32, #tpu.memory_space<vmem>>
    %dma_start3A_18 = arith.constant 0 : i32
    %dma_start3A_19 = tpu.memref_slice %arg6[%dma_start3A_14, %dma_start3A_18] : memref<128x128xi32, #tpu.memory_space<vmem>> -> memref<1x128xi32, #tpu.memory_space<vmem>>
    %dma_start3A_20 = tpu.memref_squeeze %dma_start3A_19 : memref<1x128xi32, #tpu.memory_space<vmem>> -> memref<128xi32, #tpu.memory_space<vmem>>
    %dma_start3A_21 = arith.constant 0 : i32
    %dma_start3A_22 = arith.constant 0 : i32
    %dma_start3A_23 = tpu.memref_slice %arg4[%dma_start3A_21, %dma_start3A_22] : memref<1000000x128xf32, #tpu.memory_space<hbm>> -> memref<1000000x128xf32, #tpu.memory_space<hbm>>
    tpu.enqueue_indirect_dma source(%dma_start3A_23 : memref<1000000x128xf32, #tpu.memory_space<hbm>>) target(%dma_start3A_17 : memref<128x128xf32, #tpu.memory_space<vmem>>) offsets(%dma_start3A_20 : memref<128xi32, #tpu.memory_space<vmem>>) semaphore(%arg10 : memref<!tpu.dma_semaphore, #tpu.memory_space<semaphore_mem>>)
    %scan3A = arith.constant 14.2857141 : f32
    %scan3A_24 = arith.constant 0 : i32
    %scan3A_25 = arith.constant 0 : i32
    %scan3A_26 = arith.constant 64 : i32
    %scan3A_27 = arith.addi %scan3A_25, %scan3A_26 : i32
    %scan3A_28 = arith.constant 1 : i32
    %scan3A_29 = scf.for %scan3A_33 = %scan3A_25 to %scan3A_27 step %scan3A_28 iter_args(%scan3A_34 = %scan3A_24) -> (i32)  : i32 {
      %and3A = arith.constant 1 : i32
      %and3A_35 = arith.andi %scan3A_33, %and3A : i32
      %shift_right_arithmetic3A = arith.constant 1 : i32
      %shift_right_arithmetic3A_36 = arith.shrsi %scan3A_33, %shift_right_arithmetic3A : i32
      %eq3A = arith.constant 0 : i32
      %eq3A_37 = arith.cmpi eq, %and3A_35, %eq3A : i32
      %convert_element_type3A = arith.extui %eq3A_37 : i1 to i32
      %cond3A = arith.constant 0 : i32
      %cond3A_38 = arith.cmpi ne, %convert_element_type3A, %cond3A : i32
      scf.if %cond3A_38 {
        %lt3A = arith.constant 63 : i32
        %lt3A_54 = arith.cmpi slt, %scan3A_33, %lt3A : i32
        %convert_element_type3A_55 = arith.extui %lt3A_54 : i1 to i32
        %cond3A_56 = arith.constant 0 : i32
        %cond3A_57 = arith.cmpi ne, %convert_element_type3A_55, %cond3A_56 : i32
        scf.if %cond3A_57 {
          %add3A_83 = arith.constant 1 : i32
          %add3A_84 = arith.addi %scan3A_33, %add3A_83 : i32
          %mul3A_85 = arith.constant 2 : i32
          %mul3A_86 = arith.muli %add3A_84, %mul3A_85 : i32
          %add3A_87 = arith.constant 0 : i32
          %add3A_88 = arith.addi %mul3A_86, %add3A_87 : i32
          %dma_start3A_89 = arith.constant 256 : i32
          %dma_start3A_90 = arith.constant 0 : i32
          %dma_start3A_91 = tpu.memref_slice %arg7[%dma_start3A_89, %dma_start3A_90] : memref<512x128xf32, #tpu.memory_space<vmem>> -> memref<128x128xf32, #tpu.memory_space<vmem>>
          %dma_start3A_92 = arith.constant 0 : i32
          %dma_start3A_93 = tpu.memref_slice %arg6[%add3A_88, %dma_start3A_92] : memref<128x128xi32, #tpu.memory_space<vmem>> -> memref<1x128xi32, #tpu.memory_space<vmem>>
          %dma_start3A_94 = tpu.memref_squeeze %dma_start3A_93 : memref<1x128xi32, #tpu.memory_space<vmem>> -> memref<128xi32, #tpu.memory_space<vmem>>
          %dma_start3A_95 = arith.constant 0 : i32
          %dma_start3A_96 = arith.constant 0 : i32
          %dma_start3A_97 = tpu.memref_slice %arg4[%dma_start3A_95, %dma_start3A_96] : memref<1000000x128xf32, #tpu.memory_space<hbm>> -> memref<1000000x128xf32, #tpu.memory_space<hbm>>
          tpu.enqueue_indirect_dma source(%dma_start3A_97 : memref<1000000x128xf32, #tpu.memory_space<hbm>>) target(%dma_start3A_91 : memref<128x128xf32, #tpu.memory_space<vmem>>) offsets(%dma_start3A_94 : memref<128xi32, #tpu.memory_space<vmem>>) semaphore(%arg11 : memref<!tpu.dma_semaphore, #tpu.memory_space<semaphore_mem>>)
          %mul3A_98 = arith.constant 2 : i32
          %mul3A_99 = arith.muli %add3A_84, %mul3A_98 : i32
          %add3A_100 = arith.constant 1 : i32
          %add3A_101 = arith.addi %mul3A_99, %add3A_100 : i32
          %dma_start3A_102 = arith.constant 384 : i32
          %dma_start3A_103 = arith.constant 0 : i32
          %dma_start3A_104 = tpu.memref_slice %arg7[%dma_start3A_102, %dma_start3A_103] : memref<512x128xf32, #tpu.memory_space<vmem>> -> memref<128x128xf32, #tpu.memory_space<vmem>>
          %dma_start3A_105 = arith.constant 0 : i32
          %dma_start3A_106 = tpu.memref_slice %arg6[%add3A_101, %dma_start3A_105] : memref<128x128xi32, #tpu.memory_space<vmem>> -> memref<1x128xi32, #tpu.memory_space<vmem>>
          %dma_start3A_107 = tpu.memref_squeeze %dma_start3A_106 : memref<1x128xi32, #tpu.memory_space<vmem>> -> memref<128xi32, #tpu.memory_space<vmem>>
          %dma_start3A_108 = arith.constant 0 : i32
          %dma_start3A_109 = arith.constant 0 : i32
          %dma_start3A_110 = tpu.memref_slice %arg4[%dma_start3A_108, %dma_start3A_109] : memref<1000000x128xf32, #tpu.memory_space<hbm>> -> memref<1000000x128xf32, #tpu.memory_space<hbm>>
          tpu.enqueue_indirect_dma source(%dma_start3A_110 : memref<1000000x128xf32, #tpu.memory_space<hbm>>) target(%dma_start3A_104 : memref<128x128xf32, #tpu.memory_space<vmem>>) offsets(%dma_start3A_107 : memref<128xi32, #tpu.memory_space<vmem>>) semaphore(%arg11 : memref<!tpu.dma_semaphore, #tpu.memory_space<semaphore_mem>>)
        } else {
        }
        %mul3A_58 = arith.constant 2 : i32
        %mul3A_59 = arith.muli %scan3A_33, %mul3A_58 : i32
        %add3A_60 = arith.constant 0 : i32
        %add3A_61 = arith.addi %mul3A_59, %add3A_60 : i32
        %dma_wait3A = arith.constant 0 : i32
        %dma_wait3A_62 = arith.constant 0 : i32
        %dma_wait3A_63 = tpu.memref_slice %arg7[%dma_wait3A, %dma_wait3A_62] : memref<512x128xf32, #tpu.memory_space<vmem>> -> memref<128x128xf32, #tpu.memory_space<vmem>>
        %dma_wait3A_64 = arith.constant 0 : i32
        %dma_wait3A_65 = tpu.memref_slice %arg6[%add3A_61, %dma_wait3A_64] : memref<128x128xi32, #tpu.memory_space<vmem>> -> memref<1x128xi32, #tpu.memory_space<vmem>>
        %dma_wait3A_66 = tpu.memref_squeeze %dma_wait3A_65 : memref<1x128xi32, #tpu.memory_space<vmem>> -> memref<128xi32, #tpu.memory_space<vmem>>
        %dma_wait3A_67 = arith.constant 0 : i32
        %dma_wait3A_68 = arith.constant 0 : i32
        %dma_wait3A_69 = tpu.memref_slice %arg4[%dma_wait3A_67, %dma_wait3A_68] : memref<1000000x128xf32, #tpu.memory_space<hbm>> -> memref<1000000x128xf32, #tpu.memory_space<hbm>>
        tpu.wait_indirect_dma semaphore(%arg10 : memref<!tpu.dma_semaphore, #tpu.memory_space<semaphore_mem>>) src(%dma_wait3A_69 : memref<1000000x128xf32, #tpu.memory_space<hbm>>) dst(%dma_wait3A_63 : memref<128x128xf32, #tpu.memory_space<vmem>>)
        %mul3A_70 = arith.constant 2 : i32
        %mul3A_71 = arith.muli %scan3A_33, %mul3A_70 : i32
        %add3A_72 = arith.constant 1 : i32
        %add3A_73 = arith.addi %mul3A_71, %add3A_72 : i32
        %dma_wait3A_74 = arith.constant 128 : i32
        %dma_wait3A_75 = arith.constant 0 : i32
        %dma_wait3A_76 = tpu.memref_slice %arg7[%dma_wait3A_74, %dma_wait3A_75] : memref<512x128xf32, #tpu.memory_space<vmem>> -> memref<128x128xf32, #tpu.memory_space<vmem>>
        %dma_wait3A_77 = arith.constant 0 : i32
        %dma_wait3A_78 = tpu.memref_slice %arg6[%add3A_73, %dma_wait3A_77] : memref<128x128xi32, #tpu.memory_space<vmem>> -> memref<1x128xi32, #tpu.memory_space<vmem>>
        %dma_wait3A_79 = tpu.memref_squeeze %dma_wait3A_78 : memref<1x128xi32, #tpu.memory_space<vmem>> -> memref<128xi32, #tpu.memory_space<vmem>>
        %dma_wait3A_80 = arith.constant 0 : i32
        %dma_wait3A_81 = arith.constant 0 : i32
        %dma_wait3A_82 = tpu.memref_slice %arg4[%dma_wait3A_80, %dma_wait3A_81] : memref<1000000x128xf32, #tpu.memory_space<hbm>> -> memref<1000000x128xf32, #tpu.memory_space<hbm>>
        tpu.wait_indirect_dma semaphore(%arg10 : memref<!tpu.dma_semaphore, #tpu.memory_space<semaphore_mem>>) src(%dma_wait3A_82 : memref<1000000x128xf32, #tpu.memory_space<hbm>>) dst(%dma_wait3A_76 : memref<128x128xf32, #tpu.memory_space<vmem>>)
      } else {
      }
      %eq3A_39 = arith.constant 1 : i32
      %eq3A_40 = arith.cmpi eq, %and3A_35, %eq3A_39 : i32
      %convert_element_type3A_41 = arith.extui %eq3A_40 : i1 to i32
      %cond3A_42 = arith.constant 0 : i32
      %cond3A_43 = arith.cmpi ne, %convert_element_type3A_41, %cond3A_42 : i32
      scf.if %cond3A_43 {
        %lt3A = arith.constant 63 : i32
        %lt3A_54 = arith.cmpi slt, %scan3A_33, %lt3A : i32
        %convert_element_type3A_55 = arith.extui %lt3A_54 : i1 to i32
        %cond3A_56 = arith.constant 0 : i32
        %cond3A_57 = arith.cmpi ne, %convert_element_type3A_55, %cond3A_56 : i32
        scf.if %cond3A_57 {
          %add3A_83 = arith.constant 1 : i32
          %add3A_84 = arith.addi %scan3A_33, %add3A_83 : i32
          %mul3A_85 = arith.constant 2 : i32
          %mul3A_86 = arith.muli %add3A_84, %mul3A_85 : i32
          %add3A_87 = arith.constant 0 : i32
          %add3A_88 = arith.addi %mul3A_86, %add3A_87 : i32
          %dma_start3A_89 = arith.constant 0 : i32
          %dma_start3A_90 = arith.constant 0 : i32
          %dma_start3A_91 = tpu.memref_slice %arg7[%dma_start3A_89, %dma_start3A_90] : memref<512x128xf32, #tpu.memory_space<vmem>> -> memref<128x128xf32, #tpu.memory_space<vmem>>
          %dma_start3A_92 = arith.constant 0 : i32
          %dma_start3A_93 = tpu.memref_slice %arg6[%add3A_88, %dma_start3A_92] : memref<128x128xi32, #tpu.memory_space<vmem>> -> memref<1x128xi32, #tpu.memory_space<vmem>>
          %dma_start3A_94 = tpu.memref_squeeze %dma_start3A_93 : memref<1x128xi32, #tpu.memory_space<vmem>> -> memref<128xi32, #tpu.memory_space<vmem>>
          %dma_start3A_95 = arith.constant 0 : i32
          %dma_start3A_96 = arith.constant 0 : i32
          %dma_start3A_97 = tpu.memref_slice %arg4[%dma_start3A_95, %dma_start3A_96] : memref<1000000x128xf32, #tpu.memory_space<hbm>> -> memref<1000000x128xf32, #tpu.memory_space<hbm>>
          tpu.enqueue_indirect_dma source(%dma_start3A_97 : memref<1000000x128xf32, #tpu.memory_space<hbm>>) target(%dma_start3A_91 : memref<128x128xf32, #tpu.memory_space<vmem>>) offsets(%dma_start3A_94 : memref<128xi32, #tpu.memory_space<vmem>>) semaphore(%arg10 : memref<!tpu.dma_semaphore, #tpu.memory_space<semaphore_mem>>)
          %mul3A_98 = arith.constant 2 : i32
          %mul3A_99 = arith.muli %add3A_84, %mul3A_98 : i32
          %add3A_100 = arith.constant 1 : i32
          %add3A_101 = arith.addi %mul3A_99, %add3A_100 : i32
          %dma_start3A_102 = arith.constant 128 : i32
          %dma_start3A_103 = arith.constant 0 : i32
          %dma_start3A_104 = tpu.memref_slice %arg7[%dma_start3A_102, %dma_start3A_103] : memref<512x128xf32, #tpu.memory_space<vmem>> -> memref<128x128xf32, #tpu.memory_space<vmem>>
          %dma_start3A_105 = arith.constant 0 : i32
          %dma_start3A_106 = tpu.memref_slice %arg6[%add3A_101, %dma_start3A_105] : memref<128x128xi32, #tpu.memory_space<vmem>> -> memref<1x128xi32, #tpu.memory_space<vmem>>
          %dma_start3A_107 = tpu.memref_squeeze %dma_start3A_106 : memref<1x128xi32, #tpu.memory_space<vmem>> -> memref<128xi32, #tpu.memory_space<vmem>>
          %dma_start3A_108 = arith.constant 0 : i32
          %dma_start3A_109 = arith.constant 0 : i32
          %dma_start3A_110 = tpu.memref_slice %arg4[%dma_start3A_108, %dma_start3A_109] : memref<1000000x128xf32, #tpu.memory_space<hbm>> -> memref<1000000x128xf32, #tpu.memory_space<hbm>>
          tpu.enqueue_indirect_dma source(%dma_start3A_110 : memref<1000000x128xf32, #tpu.memory_space<hbm>>) target(%dma_start3A_104 : memref<128x128xf32, #tpu.memory_space<vmem>>) offsets(%dma_start3A_107 : memref<128xi32, #tpu.memory_space<vmem>>) semaphore(%arg10 : memref<!tpu.dma_semaphore, #tpu.memory_space<semaphore_mem>>)
        } else {
        }
        %mul3A_58 = arith.constant 2 : i32
        %mul3A_59 = arith.muli %scan3A_33, %mul3A_58 : i32
        %add3A_60 = arith.constant 0 : i32
        %add3A_61 = arith.addi %mul3A_59, %add3A_60 : i32
        %dma_wait3A = arith.constant 256 : i32
        %dma_wait3A_62 = arith.constant 0 : i32
        %dma_wait3A_63 = tpu.memref_slice %arg7[%dma_wait3A, %dma_wait3A_62] : memref<512x128xf32, #tpu.memory_space<vmem>> -> memref<128x128xf32, #tpu.memory_space<vmem>>
        %dma_wait3A_64 = arith.constant 0 : i32
        %dma_wait3A_65 = tpu.memref_slice %arg6[%add3A_61, %dma_wait3A_64] : memref<128x128xi32, #tpu.memory_space<vmem>> -> memref<1x128xi32, #tpu.memory_space<vmem>>
        %dma_wait3A_66 = tpu.memref_squeeze %dma_wait3A_65 : memref<1x128xi32, #tpu.memory_space<vmem>> -> memref<128xi32, #tpu.memory_space<vmem>>
        %dma_wait3A_67 = arith.constant 0 : i32
        %dma_wait3A_68 = arith.constant 0 : i32
        %dma_wait3A_69 = tpu.memref_slice %arg4[%dma_wait3A_67, %dma_wait3A_68] : memref<1000000x128xf32, #tpu.memory_space<hbm>> -> memref<1000000x128xf32, #tpu.memory_space<hbm>>
        tpu.wait_indirect_dma semaphore(%arg11 : memref<!tpu.dma_semaphore, #tpu.memory_space<semaphore_mem>>) src(%dma_wait3A_69 : memref<1000000x128xf32, #tpu.memory_space<hbm>>) dst(%dma_wait3A_63 : memref<128x128xf32, #tpu.memory_space<vmem>>)
        %mul3A_70 = arith.constant 2 : i32
        %mul3A_71 = arith.muli %scan3A_33, %mul3A_70 : i32
        %add3A_72 = arith.constant 1 : i32
        %add3A_73 = arith.addi %mul3A_71, %add3A_72 : i32
        %dma_wait3A_74 = arith.constant 384 : i32
        %dma_wait3A_75 = arith.constant 0 : i32
        %dma_wait3A_76 = tpu.memref_slice %arg7[%dma_wait3A_74, %dma_wait3A_75] : memref<512x128xf32, #tpu.memory_space<vmem>> -> memref<128x128xf32, #tpu.memory_space<vmem>>
        %dma_wait3A_77 = arith.constant 0 : i32
        %dma_wait3A_78 = tpu.memref_slice %arg6[%add3A_73, %dma_wait3A_77] : memref<128x128xi32, #tpu.memory_space<vmem>> -> memref<1x128xi32, #tpu.memory_space<vmem>>
        %dma_wait3A_79 = tpu.memref_squeeze %dma_wait3A_78 : memref<1x128xi32, #tpu.memory_space<vmem>> -> memref<128xi32, #tpu.memory_space<vmem>>
        %dma_wait3A_80 = arith.constant 0 : i32
        %dma_wait3A_81 = arith.constant 0 : i32
        %dma_wait3A_82 = tpu.memref_slice %arg4[%dma_wait3A_80, %dma_wait3A_81] : memref<1000000x128xf32, #tpu.memory_space<hbm>> -> memref<1000000x128xf32, #tpu.memory_space<hbm>>
        tpu.wait_indirect_dma semaphore(%arg11 : memref<!tpu.dma_semaphore, #tpu.memory_space<semaphore_mem>>) src(%dma_wait3A_82 : memref<1000000x128xf32, #tpu.memory_space<hbm>>) dst(%dma_wait3A_76 : memref<128x128xf32, #tpu.memory_space<vmem>>)
      } else {
      }
      %mul3A_44 = arith.constant 256 : i32
      %mul3A_45 = arith.muli %and3A_35, %mul3A_44 : i32
      %scan3A_46 = arith.constant 0 : i32
      %scan3A_47 = arith.constant 0 : i32
      %scan3A_48 = arith.constant 4 : i32
      %scan3A_49 = arith.addi %scan3A_47, %scan3A_48 : i32
      %scan3A_50 = arith.constant 1 : i32
      %scan3A_51 = scf.for %scan3A_54 = %scan3A_47 to %scan3A_49 step %scan3A_50 iter_args(%scan3A_55 = %scan3A_46) -> (i32)  : i32 {
        %mul3A_56 = arith.constant 64 : i32
        %mul3A_57 = arith.muli %scan3A_54, %mul3A_56 : i32
        %add3A_58 = arith.addi %mul3A_45, %mul3A_57 : i32
        %add3A_59 = arith.constant 0 : i32
        %add3A_60 = arith.addi %add3A_58, %add3A_59 : i32
        %add3A_61 = vector.broadcast %add3A_60 : i32 to vector<16xi32>
        %add3A_62 = arith.addi %add3A_61, %iota3A : vector<16xi32>
        %mul3A_63 = arith.constant 64 : i32
        %mul3A_64 = arith.muli %scan3A_54, %mul3A_63 : i32
        %add3A_65 = arith.addi %mul3A_45, %mul3A_64 : i32
        %add3A_66 = arith.constant 16 : i32
        %add3A_67 = arith.addi %add3A_65, %add3A_66 : i32
        %add3A_68 = vector.broadcast %add3A_67 : i32 to vector<16xi32>
        %add3A_69 = arith.addi %add3A_68, %iota3A : vector<16xi32>
        %mul3A_70 = arith.constant 64 : i32
        %mul3A_71 = arith.muli %scan3A_54, %mul3A_70 : i32
        %add3A_72 = arith.addi %mul3A_45, %mul3A_71 : i32
        %add3A_73 = arith.constant 32 : i32
        %add3A_74 = arith.addi %add3A_72, %add3A_73 : i32
        %add3A_75 = vector.broadcast %add3A_74 : i32 to vector<16xi32>
        %add3A_76 = arith.addi %add3A_75, %iota3A : vector<16xi32>
        %mul3A_77 = arith.constant 64 : i32
        %mul3A_78 = arith.muli %scan3A_54, %mul3A_77 : i32
        %add3A_79 = arith.addi %mul3A_45, %mul3A_78 : i32
        %add3A_80 = arith.constant 48 : i32
        %add3A_81 = arith.addi %add3A_79, %add3A_80 : i32
        %add3A_82 = vector.broadcast %add3A_81 : i32 to vector<16xi32>
        %add3A_83 = arith.addi %add3A_82, %iota3A : vector<16xi32>
        %get3A = arith.index_cast %shift_right_arithmetic3A_36 : i32 to index
        %get3A_84 = arith.constant 0 : index
        %get3A_85 = tpu.vector_load %arg9[%get3A, %get3A_84] {strides = array<i32>} : memref<32x128xf32, #tpu.memory_space<vmem>>, vector<16xf32>,
        %get3A_86 = arith.index_cast %shift_right_arithmetic3A_36 : i32 to index
        %get3A_87 = arith.constant 16 : index
        %get3A_88 = tpu.vector_load %arg9[%get3A_86, %get3A_87] {strides = array<i32>} : memref<32x128xf32, #tpu.memory_space<vmem>>, vector<16xf32>,
        %get3A_89 = arith.index_cast %shift_right_arithmetic3A_36 : i32 to index
        %get3A_90 = arith.constant 32 : index
        %get3A_91 = tpu.vector_load %arg9[%get3A_89, %get3A_90] {strides = array<i32>} : memref<32x128xf32, #tpu.memory_space<vmem>>, vector<16xf32>,
        %get3A_92 = arith.index_cast %shift_right_arithmetic3A_36 : i32 to index
        %get3A_93 = arith.constant 48 : index
        %get3A_94 = tpu.vector_load %arg9[%get3A_92, %get3A_93] {strides = array<i32>} : memref<32x128xf32, #tpu.memory_space<vmem>>, vector<16xf32>,
        %get3A_95 = arith.index_cast %shift_right_arithmetic3A_36 : i32 to index
        %get3A_96 = arith.constant 64 : index
        %get3A_97 = tpu.vector_load %arg9[%get3A_95, %get3A_96] {strides = array<i32>} : memref<32x128xf32, #tpu.memory_space<vmem>>, vector<16xf32>,
        %get3A_98 = arith.index_cast %shift_right_arithmetic3A_36 : i32 to index
        %get3A_99 = arith.constant 80 : index
        %get3A_100 = tpu.vector_load %arg9[%get3A_98, %get3A_99] {strides = array<i32>} : memref<32x128xf32, #tpu.memory_space<vmem>>, vector<16xf32>,
        %get3A_101 = arith.index_cast %shift_right_arithmetic3A_36 : i32 to index
        %get3A_102 = arith.constant 96 : index
        %get3A_103 = tpu.vector_load %arg9[%get3A_101, %get3A_102] {strides = array<i32>} : memref<32x128xf32, #tpu.memory_space<vmem>>, vector<16xf32>,
        %get3A_104 = arith.index_cast %shift_right_arithmetic3A_36 : i32 to index
        %get3A_105 = arith.constant 112 : index
        %get3A_106 = tpu.vector_load %arg9[%get3A_104, %get3A_105] {strides = array<i32>} : memref<32x128xf32, #tpu.memory_space<vmem>>, vector<16xf32>,
        %broadcast_in_dim3A = arith.constant 0.000000e+00 : f32
        %broadcast_in_dim3A_107 = vector.broadcast %broadcast_in_dim3A : f32 to vector<16xf32>
        %scan3A_108 = arith.constant 0 : i32
        %scan3A_109 = arith.constant 16 : i32
        %scan3A_110 = arith.addi %scan3A_108, %scan3A_109 : i32
        %scan3A_111 = arith.constant 8 : i32
        %scan3A_112:33 = scf.for %scan3A_194 = %scan3A_108 to %scan3A_110 step %scan3A_111 iter_args(%scan3A_195 = %iota3A, %scan3A_196 = %broadcast_in_dim3A_107, %scan3A_197 = %broadcast_in_dim3A_107, %scan3A_198 = %broadcast_in_dim3A_107, %scan3A_199 = %broadcast_in_dim3A_107, %scan3A_200 = %broadcast_in_dim3A_107, %scan3A_201 = %broadcast_in_dim3A_107, %scan3A_202 = %broadcast_in_dim3A_107, %scan3A_203 = %broadcast_in_dim3A_107, %scan3A_204 = %broadcast_in_dim3A_107, %scan3A_205 = %broadcast_in_dim3A_107, %scan3A_206 = %broadcast_in_dim3A_107, %scan3A_207 = %broadcast_in_dim3A_107, %scan3A_208 = %broadcast_in_dim3A_107, %scan3A_209 = %broadcast_in_dim3A_107, %scan3A_210 = %broadcast_in_dim3A_107, %scan3A_211 = %broadcast_in_dim3A_107, %scan3A_212 = %broadcast_in_dim3A_107, %scan3A_213 = %broadcast_in_dim3A_107, %scan3A_214 = %broadcast_in_dim3A_107, %scan3A_215 = %broadcast_in_dim3A_107, %scan3A_216 = %broadcast_in_dim3A_107, %scan3A_217 = %broadcast_in_dim3A_107, %scan3A_218 = %broadcast_in_dim3A_107, %scan3A_219 = %broadcast_in_dim3A_107, %scan3A_220 = %broadcast_in_dim3A_107, %scan3A_221 = %broadcast_in_dim3A_107, %scan3A_222 = %broadcast_in_dim3A_107, %scan3A_223 = %broadcast_in_dim3A_107, %scan3A_224 = %broadcast_in_dim3A_107, %scan3A_225 = %broadcast_in_dim3A_107, %scan3A_226 = %broadcast_in_dim3A_107, %scan3A_227 = %broadcast_in_dim3A_107) -> (vector<16xi32>, vector<16xf32>, vector<16xf32>, vector<16xf32>, vector<16xf32>, vector<16xf32>, vector<16xf32>, vector<16xf32>, vector<16xf32>, vector<16xf32>, vector<16xf32>, vector<16xf32>, vector<16xf32>, vector<16xf32>, vector<16xf32>, vector<16xf32>, vector<16xf32>, vector<16xf32>, vector<16xf32>, vector<16xf32>, vector<16xf32>, vector<16xf32>, vector<16xf32>, vector<16xf32>, vector<16xf32>, vector<16xf32>, vector<16xf32>, vector<16xf32>, vector<16xf32>, vector<16xf32>, vector<16xf32>, vector<16xf32>, vector<16xf32>)  : i32 {
          %add3A_228 = arith.constant 0 : i32
          %add3A_229 = vector.broadcast %add3A_228 : i32 to vector<16xi32>
          %add3A_230 = arith.addi %scan3A_195, %add3A_229 : vector<16xi32>
          %lt3A = arith.constant 0 : i32
          %lt3A_231 = vector.broadcast %lt3A : i32 to vector<16xi32>
          %lt3A_232 = arith.cmpi slt, %scan3A_195, %lt3A_231 : vector<16xi32>
          %add3A_233 = arith.constant 16 : i32
          %add3A_234 = vector.broadcast %add3A_233 : i32 to vector<16xi32>
          %add3A_235 = arith.addi %scan3A_195, %add3A_234 : vector<16xi32>
          %select_n3A = arith.select %lt3A_232, %add3A_235, %scan3A_195 : vector<16xi1>, vector<16xi32>
          %broadcast_in_dim3A_236 = vector.shape_cast %select_n3A : vector<16xi32> to vector<16x1xi32>
          %gather3A = vector.shape_cast %broadcast_in_dim3A_236 : vector<16x1xi32> to vector<16xi32>
          %gather3A_237 = tpu.dynamic_gather %get3A_85[%gather3A] in [0] : vector<16xf32>, vector<16xi32> -> vector<16xf32>
          %gather3A_238 = tpu.vector_load_idx %arg7[%add3A_62, %add3A_230] : memref<512x128xf32, #tpu.memory_space<vmem>>[vector<16xi32>, vector<16xi32>], vector<16xf32>,
          %mul3A_239 = arith.mulf %gather3A_238, %gather3A_237 : vector<16xf32>
          %add3A_240 = arith.addf %scan3A_196, %mul3A_239 : vector<16xf32>
          %gather3A_241 = tpu.vector_load_idx %arg7[%add3A_69, %add3A_230] : memref<512x128xf32, #tpu.memory_space<vmem>>[vector<16xi32>, vector<16xi32>], vector<16xf32>,
          %mul3A_242 = arith.mulf %gather3A_241, %gather3A_237 : vector<16xf32>
          %add3A_243 = arith.addf %scan3A_204, %mul3A_242 : vector<16xf32>
          %gather3A_244 = tpu.vector_load_idx %arg7[%add3A_76, %add3A_230] : memref<512x128xf32, #tpu.memory_space<vmem>>[vector<16xi32>, vector<16xi32>], vector<16xf32>,
          %mul3A_245 = arith.mulf %gather3A_244, %gather3A_237 : vector<16xf32>
          %add3A_246 = arith.addf %scan3A_212, %mul3A_245 : vector<16xf32>
          %gather3A_247 = tpu.vector_load_idx %arg7[%add3A_83, %add3A_230] : memref<512x128xf32, #tpu.memory_space<vmem>>[vector<16xi32>, vector<16xi32>], vector<16xf32>,
          %mul3A_248 = arith.mulf %gather3A_247, %gather3A_237 : vector<16xf32>
          %add3A_249 = arith.addf %scan3A_220, %mul3A_248 : vector<16xf32>
          %add3A_250 = arith.constant 16 : i32
          %add3A_251 = vector.broadcast %add3A_250 : i32 to vector<16xi32>
          %add3A_252 = arith.addi %scan3A_195, %add3A_251 : vector<16xi32>
          %lt3A_253 = arith.constant 0 : i32
          %lt3A_254 = vector.broadcast %lt3A_253 : i32 to vector<16xi32>
          %lt3A_255 = arith.cmpi slt, %scan3A_195, %lt3A_254 : vector<16xi32>
          %add3A_256 = arith.constant 16 : i32
          %add3A_257 = vector.broadcast %add3A_256 : i32 to vector<16xi32>
          %add3A_258 = arith.addi %scan3A_195, %add3A_257 : vector<16xi32>
          %select_n3A_259 = arith.select %lt3A_255, %add3A_258, %scan3A_195 : vector<16xi1>, vector<16xi32>
          %broadcast_in_dim3A_260 = vector.shape_cast %select_n3A_259 : vector<16xi32> to vector<16x1xi32>
          %gather3A_261 = vector.shape_cast %broadcast_in_dim3A_260 : vector<16x1xi32> to vector<16xi32>
          %gather3A_262 = tpu.dynamic_gather %get3A_88[%gather3A_261] in [0] : vector<16xf32>, vector<16xi32> -> vector<16xf32>
          %gather3A_263 = tpu.vector_load_idx %arg7[%add3A_62, %add3A_252] : memref<512x128xf32, #tpu.memory_space<vmem>>[vector<16xi32>, vector<16xi32>], vector<16xf32>,
          %mul3A_264 = arith.mulf %gather3A_263, %gather3A_262 : vector<16xf32>
          %add3A_265 = arith.addf %scan3A_197, %mul3A_264 : vector<16xf32>
          %gather3A_266 = tpu.vector_load_idx %arg7[%add3A_69, %add3A_252] : memref<512x128xf32, #tpu.memory_space<vmem>>[vector<16xi32>, vector<16xi32>], vector<16xf32>,
          %mul3A_267 = arith.mulf %gather3A_266, %gather3A_262 : vector<16xf32>
          %add3A_268 = arith.addf %scan3A_205, %mul3A_267 : vector<16xf32>
          %gather3A_269 = tpu.vector_load_idx %arg7[%add3A_76, %add3A_252] : memref<512x128xf32, #tpu.memory_space<vmem>>[vector<16xi32>, vector<16xi32>], vector<16xf32>,
          %mul3A_270 = arith.mulf %gather3A_269, %gather3A_262 : vector<16xf32>
          %add3A_271 = arith.addf %scan3A_213, %mul3A_270 : vector<16xf32>
          %gather3A_272 = tpu.vector_load_idx %arg7[%add3A_83, %add3A_252] : memref<512x128xf32, #tpu.memory_space<vmem>>[vector<16xi32>, vector<16xi32>], vector<16xf32>,
          %mul3A_273 = arith.mulf %gather3A_272, %gather3A_262 : vector<16xf32>
          %add3A_274 = arith.addf %scan3A_221, %mul3A_273 : vector<16xf32>
          %add3A_275 = arith.constant 32 : i32
          %add3A_276 = vector.broadcast %add3A_275 : i32 to vector<16xi32>
          %add3A_277 = arith.addi %scan3A_195, %add3A_276 : vector<16xi32>
          %lt3A_278 = arith.constant 0 : i32
          %lt3A_279 = vector.broadcast %lt3A_278 : i32 to vector<16xi32>
          %lt3A_280 = arith.cmpi slt, %scan3A_195, %lt3A_279 : vector<16xi32>
          %add3A_281 = arith.constant 16 : i32
          %add3A_282 = vector.broadcast %add3A_281 : i32 to vector<16xi32>
          %add3A_283 = arith.addi %scan3A_195, %add3A_282 : vector<16xi32>
          %select_n3A_284 = arith.select %lt3A_280, %add3A_283, %scan3A_195 : vector<16xi1>, vector<16xi32>
          %broadcast_in_dim3A_285 = vector.shape_cast %select_n3A_284 : vector<16xi32> to vector<16x1xi32>
          %gather3A_286 = vector.shape_cast %broadcast_in_dim3A_285 : vector<16x1xi32> to vector<16xi32>
          %gather3A_287 = tpu.dynamic_gather %get3A_91[%gather3A_286] in [0] : vector<16xf32>, vector<16xi32> -> vector<16xf32>
          %gather3A_288 = tpu.vector_load_idx %arg7[%add3A_62, %add3A_277] : memref<512x128xf32, #tpu.memory_space<vmem>>[vector<16xi32>, vector<16xi32>], vector<16xf32>,
          %mul3A_289 = arith.mulf %gather3A_288, %gather3A_287 : vector<16xf32>
          %add3A_290 = arith.addf %scan3A_198, %mul3A_289 : vector<16xf32>
          %gather3A_291 = tpu.vector_load_idx %arg7[%add3A_69, %add3A_277] : memref<512x128xf32, #tpu.memory_space<vmem>>[vector<16xi32>, vector<16xi32>], vector<16xf32>,
          %mul3A_292 = arith.mulf %gather3A_291, %gather3A_287 : vector<16xf32>
          %add3A_293 = arith.addf %scan3A_206, %mul3A_292 : vector<16xf32>
          %gather3A_294 = tpu.vector_load_idx %arg7[%add3A_76, %add3A_277] : memref<512x128xf32, #tpu.memory_space<vmem>>[vector<16xi32>, vector<16xi32>], vector<16xf32>,
          %mul3A_295 = arith.mulf %gather3A_294, %gather3A_287 : vector<16xf32>
          %add3A_296 = arith.addf %scan3A_214, %mul3A_295 : vector<16xf32>
          %gather3A_297 = tpu.vector_load_idx %arg7[%add3A_83, %add3A_277] : memref<512x128xf32, #tpu.memory_space<vmem>>[vector<16xi32>, vector<16xi32>], vector<16xf32>,
          %mul3A_298 = arith.mulf %gather3A_297, %gather3A_287 : vector<16xf32>
          %add3A_299 = arith.addf %scan3A_222, %mul3A_298 : vector<16xf32>
          %add3A_300 = arith.constant 48 : i32
          %add3A_301 = vector.broadcast %add3A_300 : i32 to vector<16xi32>
          %add3A_302 = arith.addi %scan3A_195, %add3A_301 : vector<16xi32>
          %lt3A_303 = arith.constant 0 : i32
          %lt3A_304 = vector.broadcast %lt3A_303 : i32 to vector<16xi32>
          %lt3A_305 = arith.cmpi slt, %scan3A_195, %lt3A_304 : vector<16xi32>
          %add3A_306 = arith.constant 16 : i32
          %add3A_307 = vector.broadcast %add3A_306 : i32 to vector<16xi32>
          %add3A_308 = arith.addi %scan3A_195, %add3A_307 : vector<16xi32>
          %select_n3A_309 = arith.select %lt3A_305, %add3A_308, %scan3A_195 : vector<16xi1>, vector<16xi32>
          %broadcast_in_dim3A_310 = vector.shape_cast %select_n3A_309 : vector<16xi32> to vector<16x1xi32>
          %gather3A_311 = vector.shape_cast %broadcast_in_dim3A_310 : vector<16x1xi32> to vector<16xi32>
          %gather3A_312 = tpu.dynamic_gather %get3A_94[%gather3A_311] in [0] : vector<16xf32>, vector<16xi32> -> vector<16xf32>
          %gather3A_313 = tpu.vector_load_idx %arg7[%add3A_62, %add3A_302] : memref<512x128xf32, #tpu.memory_space<vmem>>[vector<16xi32>, vector<16xi32>], vector<16xf32>,
          %mul3A_314 = arith.mulf %gather3A_313, %gather3A_312 : vector<16xf32>
          %add3A_315 = arith.addf %scan3A_199, %mul3A_314 : vector<16xf32>
          %gather3A_316 = tpu.vector_load_idx %arg7[%add3A_69, %add3A_302] : memref<512x128xf32, #tpu.memory_space<vmem>>[vector<16xi32>, vector<16xi32>], vector<16xf32>,
          %mul3A_317 = arith.mulf %gather3A_316, %gather3A_312 : vector<16xf32>
          %add3A_318 = arith.addf %scan3A_207, %mul3A_317 : vector<16xf32>
          %gather3A_319 = tpu.vector_load_idx %arg7[%add3A_76, %add3A_302] : memref<512x128xf32, #tpu.memory_space<vmem>>[vector<16xi32>, vector<16xi32>], vector<16xf32>,
          %mul3A_320 = arith.mulf %gather3A_319, %gather3A_312 : vector<16xf32>
          %add3A_321 = arith.addf %scan3A_215, %mul3A_320 : vector<16xf32>
          %gather3A_322 = tpu.vector_load_idx %arg7[%add3A_83, %add3A_302] : memref<512x128xf32, #tpu.memory_space<vmem>>[vector<16xi32>, vector<16xi32>], vector<16xf32>,
          %mul3A_323 = arith.mulf %gather3A_322, %gather3A_312 : vector<16xf32>
          %add3A_324 = arith.addf %scan3A_223, %mul3A_323 : vector<16xf32>
          %add3A_325 = arith.constant 64 : i32
          %add3A_326 = vector.broadcast %add3A_325 : i32 to vector<16xi32>
          %add3A_327 = arith.addi %scan3A_195, %add3A_326 : vector<16xi32>
          %lt3A_328 = arith.constant 0 : i32
          %lt3A_329 = vector.broadcast %lt3A_328 : i32 to vector<16xi32>
          %lt3A_330 = arith.cmpi slt, %scan3A_195, %lt3A_329 : vector<16xi32>
          %add3A_331 = arith.constant 16 : i32
          %add3A_332 = vector.broadcast %add3A_331 : i32 to vector<16xi32>
          %add3A_333 = arith.addi %scan3A_195, %add3A_332 : vector<16xi32>
          %select_n3A_334 = arith.select %lt3A_330, %add3A_333, %scan3A_195 : vector<16xi1>, vector<16xi32>
          %broadcast_in_dim3A_335 = vector.shape_cast %select_n3A_334 : vector<16xi32> to vector<16x1xi32>
          %gather3A_336 = vector.shape_cast %broadcast_in_dim3A_335 : vector<16x1xi32> to vector<16xi32>
          %gather3A_337 = tpu.dynamic_gather %get3A_97[%gather3A_336] in [0] : vector<16xf32>, vector<16xi32> -> vector<16xf32>
          %gather3A_338 = tpu.vector_load_idx %arg7[%add3A_62, %add3A_327] : memref<512x128xf32, #tpu.memory_space<vmem>>[vector<16xi32>, vector<16xi32>], vector<16xf32>,
          %mul3A_339 = arith.mulf %gather3A_338, %gather3A_337 : vector<16xf32>
          %add3A_340 = arith.addf %scan3A_200, %mul3A_339 : vector<16xf32>
          %gather3A_341 = tpu.vector_load_idx %arg7[%add3A_69, %add3A_327] : memref<512x128xf32, #tpu.memory_space<vmem>>[vector<16xi32>, vector<16xi32>], vector<16xf32>,
          %mul3A_342 = arith.mulf %gather3A_341, %gather3A_337 : vector<16xf32>
          %add3A_343 = arith.addf %scan3A_208, %mul3A_342 : vector<16xf32>
          %gather3A_344 = tpu.vector_load_idx %arg7[%add3A_76, %add3A_327] : memref<512x128xf32, #tpu.memory_space<vmem>>[vector<16xi32>, vector<16xi32>], vector<16xf32>,
          %mul3A_345 = arith.mulf %gather3A_344, %gather3A_337 : vector<16xf32>
          %add3A_346 = arith.addf %scan3A_216, %mul3A_345 : vector<16xf32>
          %gather3A_347 = tpu.vector_load_idx %arg7[%add3A_83, %add3A_327] : memref<512x128xf32, #tpu.memory_space<vmem>>[vector<16xi32>, vector<16xi32>], vector<16xf32>,
          %mul3A_348 = arith.mulf %gather3A_347, %gather3A_337 : vector<16xf32>
          %add3A_349 = arith.addf %scan3A_224, %mul3A_348 : vector<16xf32>
          %add3A_350 = arith.constant 80 : i32
          %add3A_351 = vector.broadcast %add3A_350 : i32 to vector<16xi32>
          %add3A_352 = arith.addi %scan3A_195, %add3A_351 : vector<16xi32>
          %lt3A_353 = arith.constant 0 : i32
          %lt3A_354 = vector.broadcast %lt3A_353 : i32 to vector<16xi32>
          %lt3A_355 = arith.cmpi slt, %scan3A_195, %lt3A_354 : vector<16xi32>
          %add3A_356 = arith.constant 16 : i32
          %add3A_357 = vector.broadcast %add3A_356 : i32 to vector<16xi32>
          %add3A_358 = arith.addi %scan3A_195, %add3A_357 : vector<16xi32>
          %select_n3A_359 = arith.select %lt3A_355, %add3A_358, %scan3A_195 : vector<16xi1>, vector<16xi32>
          %broadcast_in_dim3A_360 = vector.shape_cast %select_n3A_359 : vector<16xi32> to vector<16x1xi32>
          %gather3A_361 = vector.shape_cast %broadcast_in_dim3A_360 : vector<16x1xi32> to vector<16xi32>
          %gather3A_362 = tpu.dynamic_gather %get3A_100[%gather3A_361] in [0] : vector<16xf32>, vector<16xi32> -> vector<16xf32>
          %gather3A_363 = tpu.vector_load_idx %arg7[%add3A_62, %add3A_352] : memref<512x128xf32, #tpu.memory_space<vmem>>[vector<16xi32>, vector<16xi32>], vector<16xf32>,
          %mul3A_364 = arith.mulf %gather3A_363, %gather3A_362 : vector<16xf32>
          %add3A_365 = arith.addf %scan3A_201, %mul3A_364 : vector<16xf32>
          %gather3A_366 = tpu.vector_load_idx %arg7[%add3A_69, %add3A_352] : memref<512x128xf32, #tpu.memory_space<vmem>>[vector<16xi32>, vector<16xi32>], vector<16xf32>,
          %mul3A_367 = arith.mulf %gather3A_366, %gather3A_362 : vector<16xf32>
          %add3A_368 = arith.addf %scan3A_209, %mul3A_367 : vector<16xf32>
          %gather3A_369 = tpu.vector_load_idx %arg7[%add3A_76, %add3A_352] : memref<512x128xf32, #tpu.memory_space<vmem>>[vector<16xi32>, vector<16xi32>], vector<16xf32>,
          %mul3A_370 = arith.mulf %gather3A_369, %gather3A_362 : vector<16xf32>
          %add3A_371 = arith.addf %scan3A_217, %mul3A_370 : vector<16xf32>
          %gather3A_372 = tpu.vector_load_idx %arg7[%add3A_83, %add3A_352] : memref<512x128xf32, #tpu.memory_space<vmem>>[vector<16xi32>, vector<16xi32>], vector<16xf32>,
          %mul3A_373 = arith.mulf %gather3A_372, %gather3A_362 : vector<16xf32>
          %add3A_374 = arith.addf %scan3A_225, %mul3A_373 : vector<16xf32>
          %add3A_375 = arith.constant 96 : i32
          %add3A_376 = vector.broadcast %add3A_375 : i32 to vector<16xi32>
          %add3A_377 = arith.addi %scan3A_195, %add3A_376 : vector<16xi32>
          %lt3A_378 = arith.constant 0 : i32
          %lt3A_379 = vector.broadcast %lt3A_378 : i32 to vector<16xi32>
          %lt3A_380 = arith.cmpi slt, %scan3A_195, %lt3A_379 : vector<16xi32>
          %add3A_381 = arith.constant 16 : i32
          %add3A_382 = vector.broadcast %add3A_381 : i32 to vector<16xi32>
          %add3A_383 = arith.addi %scan3A_195, %add3A_382 : vector<16xi32>
          %select_n3A_384 = arith.select %lt3A_380, %add3A_383, %scan3A_195 : vector<16xi1>, vector<16xi32>
          %broadcast_in_dim3A_385 = vector.shape_cast %select_n3A_384 : vector<16xi32> to vector<16x1xi32>
          %gather3A_386 = vector.shape_cast %broadcast_in_dim3A_385 : vector<16x1xi32> to vector<16xi32>
          %gather3A_387 = tpu.dynamic_gather %get3A_103[%gather3A_386] in [0] : vector<16xf32>, vector<16xi32> -> vector<16xf32>
          %gather3A_388 = tpu.vector_load_idx %arg7[%add3A_62, %add3A_377] : memref<512x128xf32, #tpu.memory_space<vmem>>[vector<16xi32>, vector<16xi32>], vector<16xf32>,
          %mul3A_389 = arith.mulf %gather3A_388, %gather3A_387 : vector<16xf32>
          %add3A_390 = arith.addf %scan3A_202, %mul3A_389 : vector<16xf32>
          %gather3A_391 = tpu.vector_load_idx %arg7[%add3A_69, %add3A_377] : memref<512x128xf32, #tpu.memory_space<vmem>>[vector<16xi32>, vector<16xi32>], vector<16xf32>,
          %mul3A_392 = arith.mulf %gather3A_391, %gather3A_387 : vector<16xf32>
          %add3A_393 = arith.addf %scan3A_210, %mul3A_392 : vector<16xf32>
          %gather3A_394 = tpu.vector_load_idx %arg7[%add3A_76, %add3A_377] : memref<512x128xf32, #tpu.memory_space<vmem>>[vector<16xi32>, vector<16xi32>], vector<16xf32>,
          %mul3A_395 = arith.mulf %gather3A_394, %gather3A_387 : vector<16xf32>
          %add3A_396 = arith.addf %scan3A_218, %mul3A_395 : vector<16xf32>
          %gather3A_397 = tpu.vector_load_idx %arg7[%add3A_83, %add3A_377] : memref<512x128xf32, #tpu.memory_space<vmem>>[vector<16xi32>, vector<16xi32>], vector<16xf32>,
          %mul3A_398 = arith.mulf %gather3A_397, %gather3A_387 : vector<16xf32>
          %add3A_399 = arith.addf %scan3A_226, %mul3A_398 : vector<16xf32>
          %add3A_400 = arith.constant 112 : i32
          %add3A_401 = vector.broadcast %add3A_400 : i32 to vector<16xi32>
          %add3A_402 = arith.addi %scan3A_195, %add3A_401 : vector<16xi32>
          %lt3A_403 = arith.constant 0 : i32
          %lt3A_404 = vector.broadcast %lt3A_403 : i32 to vector<16xi32>
          %lt3A_405 = arith.cmpi slt, %scan3A_195, %lt3A_404 : vector<16xi32>
          %add3A_406 = arith.constant 16 : i32
          %add3A_407 = vector.broadcast %add3A_406 : i32 to vector<16xi32>
          %add3A_408 = arith.addi %scan3A_195, %add3A_407 : vector<16xi32>
          %select_n3A_409 = arith.select %lt3A_405, %add3A_408, %scan3A_195 : vector<16xi1>, vector<16xi32>
          %broadcast_in_dim3A_410 = vector.shape_cast %select_n3A_409 : vector<16xi32> to vector<16x1xi32>
          %gather3A_411 = vector.shape_cast %broadcast_in_dim3A_410 : vector<16x1xi32> to vector<16xi32>
          %gather3A_412 = tpu.dynamic_gather %get3A_106[%gather3A_411] in [0] : vector<16xf32>, vector<16xi32> -> vector<16xf32>
          %gather3A_413 = tpu.vector_load_idx %arg7[%add3A_62, %add3A_402] : memref<512x128xf32, #tpu.memory_space<vmem>>[vector<16xi32>, vector<16xi32>], vector<16xf32>,
          %mul3A_414 = arith.mulf %gather3A_413, %gather3A_412 : vector<16xf32>
          %add3A_415 = arith.addf %scan3A_203, %mul3A_414 : vector<16xf32>
          %gather3A_416 = tpu.vector_load_idx %arg7[%add3A_69, %add3A_402] : memref<512x128xf32, #tpu.memory_space<vmem>>[vector<16xi32>, vector<16xi32>], vector<16xf32>,
          %mul3A_417 = arith.mulf %gather3A_416, %gather3A_412 : vector<16xf32>
          %add3A_418 = arith.addf %scan3A_211, %mul3A_417 : vector<16xf32>
          %gather3A_419 = tpu.vector_load_idx %arg7[%add3A_76, %add3A_402] : memref<512x128xf32, #tpu.memory_space<vmem>>[vector<16xi32>, vector<16xi32>], vector<16xf32>,
          %mul3A_420 = arith.mulf %gather3A_419, %gather3A_412 : vector<16xf32>
          %add3A_421 = arith.addf %scan3A_219, %mul3A_420 : vector<16xf32>
          %gather3A_422 = tpu.vector_load_idx %arg7[%add3A_83, %add3A_402] : memref<512x128xf32, #tpu.memory_space<vmem>>[vector<16xi32>, vector<16xi32>], vector<16xf32>,
          %mul3A_423 = arith.mulf %gather3A_422, %gather3A_412 : vector<16xf32>
          %add3A_424 = arith.addf %scan3A_227, %mul3A_423 : vector<16xf32>
          %add3A_425 = arith.constant 1 : i32
          %add3A_426 = vector.broadcast %add3A_425 : i32 to vector<16xi32>
          %add3A_427 = arith.addi %scan3A_195, %add3A_426 : vector<16xi32>
          %and3A_428 = arith.constant 15 : i32
          %and3A_429 = vector.broadcast %and3A_428 : i32 to vector<16xi32>
          %and3A_430 = arith.andi %add3A_427, %and3A_429 : vector<16xi32>
          %scan3A_431 = arith.constant 1 : i32
          %scan3A_432 = arith.addi %scan3A_194, %scan3A_431 : i32
          %add3A_433 = arith.constant 0 : i32
          %add3A_434 = vector.broadcast %add3A_433 : i32 to vector<16xi32>
          %add3A_435 = arith.addi %and3A_430, %add3A_434 : vector<16xi32>
          %lt3A_436 = arith.constant 0 : i32
          %lt3A_437 = vector.broadcast %lt3A_436 : i32 to vector<16xi32>
          %lt3A_438 = arith.cmpi slt, %and3A_430, %lt3A_437 : vector<16xi32>
          %add3A_439 = arith.constant 16 : i32
          %add3A_440 = vector.broadcast %add3A_439 : i32 to vector<16xi32>
          %add3A_441 = arith.addi %and3A_430, %add3A_440 : vector<16xi32>
          %select_n3A_442 = arith.select %lt3A_438, %add3A_441, %and3A_430 : vector<16xi1>, vector<16xi32>
          %broadcast_in_dim3A_443 = vector.shape_cast %select_n3A_442 : vector<16xi32> to vector<16x1xi32>
          %gather3A_444 = vector.shape_cast %broadcast_in_dim3A_443 : vector<16x1xi32> to vector<16xi32>
          %gather3A_445 = tpu.dynamic_gather %get3A_85[%gather3A_444] in [0] : vector<16xf32>, vector<16xi32> -> vector<16xf32>
          %gather3A_446 = tpu.vector_load_idx %arg7[%add3A_62, %add3A_435] : memref<512x128xf32, #tpu.memory_space<vmem>>[vector<16xi32>, vector<16xi32>], vector<16xf32>,
          %mul3A_447 = arith.mulf %gather3A_446, %gather3A_445 : vector<16xf32>
          %add3A_448 = arith.addf %add3A_240, %mul3A_447 : vector<16xf32>
          %gather3A_449 = tpu.vector_load_idx %arg7[%add3A_69, %add3A_435] : memref<512x128xf32, #tpu.memory_space<vmem>>[vector<16xi32>, vector<16xi32>], vector<16xf32>,
          %mul3A_450 = arith.mulf %gather3A_449, %gather3A_445 : vector<16xf32>
          %add3A_451 = arith.addf %add3A_243, %mul3A_450 : vector<16xf32>
          %gather3A_452 = tpu.vector_load_idx %arg7[%add3A_76, %add3A_435] : memref<512x128xf32, #tpu.memory_space<vmem>>[vector<16xi32>, vector<16xi32>], vector<16xf32>,
          %mul3A_453 = arith.mulf %gather3A_452, %gather3A_445 : vector<16xf32>
          %add3A_454 = arith.addf %add3A_246, %mul3A_453 : vector<16xf32>
          %gather3A_455 = tpu.vector_load_idx %arg7[%add3A_83, %add3A_435] : memref<512x128xf32, #tpu.memory_space<vmem>>[vector<16xi32>, vector<16xi32>], vector<16xf32>,
          %mul3A_456 = arith.mulf %gather3A_455, %gather3A_445 : vector<16xf32>
          %add3A_457 = arith.addf %add3A_249, %mul3A_456 : vector<16xf32>
          %add3A_458 = arith.constant 16 : i32
          %add3A_459 = vector.broadcast %add3A_458 : i32 to vector<16xi32>
          %add3A_460 = arith.addi %and3A_430, %add3A_459 : vector<16xi32>
          %lt3A_461 = arith.constant 0 : i32
          %lt3A_462 = vector.broadcast %lt3A_461 : i32 to vector<16xi32>
          %lt3A_463 = arith.cmpi slt, %and3A_430, %lt3A_462 : vector<16xi32>
          %add3A_464 = arith.constant 16 : i32
          %add3A_465 = vector.broadcast %add3A_464 : i32 to vector<16xi32>
          %add3A_466 = arith.addi %and3A_430, %add3A_465 : vector<16xi32>
          %select_n3A_467 = arith.select %lt3A_463, %add3A_466, %and3A_430 : vector<16xi1>, vector<16xi32>
          %broadcast_in_dim3A_468 = vector.shape_cast %select_n3A_467 : vector<16xi32> to vector<16x1xi32>
          %gather3A_469 = vector.shape_cast %broadcast_in_dim3A_468 : vector<16x1xi32> to vector<16xi32>
          %gather3A_470 = tpu.dynamic_gather %get3A_88[%gather3A_469] in [0] : vector<16xf32>, vector<16xi32> -> vector<16xf32>
          %gather3A_471 = tpu.vector_load_idx %arg7[%add3A_62, %add3A_460] : memref<512x128xf32, #tpu.memory_space<vmem>>[vector<16xi32>, vector<16xi32>], vector<16xf32>,
          %mul3A_472 = arith.mulf %gather3A_471, %gather3A_470 : vector<16xf32>
          %add3A_473 = arith.addf %add3A_265, %mul3A_472 : vector<16xf32>
          %gather3A_474 = tpu.vector_load_idx %arg7[%add3A_69, %add3A_460] : memref<512x128xf32, #tpu.memory_space<vmem>>[vector<16xi32>, vector<16xi32>], vector<16xf32>,
          %mul3A_475 = arith.mulf %gather3A_474, %gather3A_470 : vector<16xf32>
          %add3A_476 = arith.addf %add3A_268, %mul3A_475 : vector<16xf32>
          %gather3A_477 = tpu.vector_load_idx %arg7[%add3A_76, %add3A_460] : memref<512x128xf32, #tpu.memory_space<vmem>>[vector<16xi32>, vector<16xi32>], vector<16xf32>,
          %mul3A_478 = arith.mulf %gather3A_477, %gather3A_470 : vector<16xf32>
          %add3A_479 = arith.addf %add3A_271, %mul3A_478 : vector<16xf32>
          %gather3A_480 = tpu.vector_load_idx %arg7[%add3A_83, %add3A_460] : memref<512x128xf32, #tpu.memory_space<vmem>>[vector<16xi32>, vector<16xi32>], vector<16xf32>,
          %mul3A_481 = arith.mulf %gather3A_480, %gather3A_470 : vector<16xf32>
          %add3A_482 = arith.addf %add3A_274, %mul3A_481 : vector<16xf32>
          %add3A_483 = arith.constant 32 : i32
          %add3A_484 = vector.broadcast %add3A_483 : i32 to vector<16xi32>
          %add3A_485 = arith.addi %and3A_430, %add3A_484 : vector<16xi32>
          %lt3A_486 = arith.constant 0 : i32
          %lt3A_487 = vector.broadcast %lt3A_486 : i32 to vector<16xi32>
          %lt3A_488 = arith.cmpi slt, %and3A_430, %lt3A_487 : vector<16xi32>
          %add3A_489 = arith.constant 16 : i32
          %add3A_490 = vector.broadcast %add3A_489 : i32 to vector<16xi32>
          %add3A_491 = arith.addi %and3A_430, %add3A_490 : vector<16xi32>
          %select_n3A_492 = arith.select %lt3A_488, %add3A_491, %and3A_430 : vector<16xi1>, vector<16xi32>
          %broadcast_in_dim3A_493 = vector.shape_cast %select_n3A_492 : vector<16xi32> to vector<16x1xi32>
          %gather3A_494 = vector.shape_cast %broadcast_in_dim3A_493 : vector<16x1xi32> to vector<16xi32>
          %gather3A_495 = tpu.dynamic_gather %get3A_91[%gather3A_494] in [0] : vector<16xf32>, vector<16xi32> -> vector<16xf32>
          %gather3A_496 = tpu.vector_load_idx %arg7[%add3A_62, %add3A_485] : memref<512x128xf32, #tpu.memory_space<vmem>>[vector<16xi32>, vector<16xi32>], vector<16xf32>,
          %mul3A_497 = arith.mulf %gather3A_496, %gather3A_495 : vector<16xf32>
          %add3A_498 = arith.addf %add3A_290, %mul3A_497 : vector<16xf32>
          %gather3A_499 = tpu.vector_load_idx %arg7[%add3A_69, %add3A_485] : memref<512x128xf32, #tpu.memory_space<vmem>>[vector<16xi32>, vector<16xi32>], vector<16xf32>,
          %mul3A_500 = arith.mulf %gather3A_499, %gather3A_495 : vector<16xf32>
          %add3A_501 = arith.addf %add3A_293, %mul3A_500 : vector<16xf32>
          %gather3A_502 = tpu.vector_load_idx %arg7[%add3A_76, %add3A_485] : memref<512x128xf32, #tpu.memory_space<vmem>>[vector<16xi32>, vector<16xi32>], vector<16xf32>,
          %mul3A_503 = arith.mulf %gather3A_502, %gather3A_495 : vector<16xf32>
          %add3A_504 = arith.addf %add3A_296, %mul3A_503 : vector<16xf32>
          %gather3A_505 = tpu.vector_load_idx %arg7[%add3A_83, %add3A_485] : memref<512x128xf32, #tpu.memory_space<vmem>>[vector<16xi32>, vector<16xi32>], vector<16xf32>,
          %mul3A_506 = arith.mulf %gather3A_505, %gather3A_495 : vector<16xf32>
          %add3A_507 = arith.addf %add3A_299, %mul3A_506 : vector<16xf32>
          %add3A_508 = arith.constant 48 : i32
          %add3A_509 = vector.broadcast %add3A_508 : i32 to vector<16xi32>
          %add3A_510 = arith.addi %and3A_430, %add3A_509 : vector<16xi32>
          %lt3A_511 = arith.constant 0 : i32
          %lt3A_512 = vector.broadcast %lt3A_511 : i32 to vector<16xi32>
          %lt3A_513 = arith.cmpi slt, %and3A_430, %lt3A_512 : vector<16xi32>
          %add3A_514 = arith.constant 16 : i32
          %add3A_515 = vector.broadcast %add3A_514 : i32 to vector<16xi32>
          %add3A_516 = arith.addi %and3A_430, %add3A_515 : vector<16xi32>
          %select_n3A_517 = arith.select %lt3A_513, %add3A_516, %and3A_430 : vector<16xi1>, vector<16xi32>
          %broadcast_in_dim3A_518 = vector.shape_cast %select_n3A_517 : vector<16xi32> to vector<16x1xi32>
          %gather3A_519 = vector.shape_cast %broadcast_in_dim3A_518 : vector<16x1xi32> to vector<16xi32>
          %gather3A_520 = tpu.dynamic_gather %get3A_94[%gather3A_519] in [0] : vector<16xf32>, vector<16xi32> -> vector<16xf32>
          %gather3A_521 = tpu.vector_load_idx %arg7[%add3A_62, %add3A_510] : memref<512x128xf32, #tpu.memory_space<vmem>>[vector<16xi32>, vector<16xi32>], vector<16xf32>,
          %mul3A_522 = arith.mulf %gather3A_521, %gather3A_520 : vector<16xf32>
          %add3A_523 = arith.addf %add3A_315, %mul3A_522 : vector<16xf32>
          %gather3A_524 = tpu.vector_load_idx %arg7[%add3A_69, %add3A_510] : memref<512x128xf32, #tpu.memory_space<vmem>>[vector<16xi32>, vector<16xi32>], vector<16xf32>,
          %mul3A_525 = arith.mulf %gather3A_524, %gather3A_520 : vector<16xf32>
          %add3A_526 = arith.addf %add3A_318, %mul3A_525 : vector<16xf32>
          %gather3A_527 = tpu.vector_load_idx %arg7[%add3A_76, %add3A_510] : memref<512x128xf32, #tpu.memory_space<vmem>>[vector<16xi32>, vector<16xi32>], vector<16xf32>,
          %mul3A_528 = arith.mulf %gather3A_527, %gather3A_520 : vector<16xf32>
          %add3A_529 = arith.addf %add3A_321, %mul3A_528 : vector<16xf32>
          %gather3A_530 = tpu.vector_load_idx %arg7[%add3A_83, %add3A_510] : memref<512x128xf32, #tpu.memory_space<vmem>>[vector<16xi32>, vector<16xi32>], vector<16xf32>,
          %mul3A_531 = arith.mulf %gather3A_530, %gather3A_520 : vector<16xf32>
          %add3A_532 = arith.addf %add3A_324, %mul3A_531 : vector<16xf32>
          %add3A_533 = arith.constant 64 : i32
          %add3A_534 = vector.broadcast %add3A_533 : i32 to vector<16xi32>
          %add3A_535 = arith.addi %and3A_430, %add3A_534 : vector<16xi32>
          %lt3A_536 = arith.constant 0 : i32
          %lt3A_537 = vector.broadcast %lt3A_536 : i32 to vector<16xi32>
          %lt3A_538 = arith.cmpi slt, %and3A_430, %lt3A_537 : vector<16xi32>
          %add3A_539 = arith.constant 16 : i32
          %add3A_540 = vector.broadcast %add3A_539 : i32 to vector<16xi32>
          %add3A_541 = arith.addi %and3A_430, %add3A_540 : vector<16xi32>
          %select_n3A_542 = arith.select %lt3A_538, %add3A_541, %and3A_430 : vector<16xi1>, vector<16xi32>
          %broadcast_in_dim3A_543 = vector.shape_cast %select_n3A_542 : vector<16xi32> to vector<16x1xi32>
          %gather3A_544 = vector.shape_cast %broadcast_in_dim3A_543 : vector<16x1xi32> to vector<16xi32>
          %gather3A_545 = tpu.dynamic_gather %get3A_97[%gather3A_544] in [0] : vector<16xf32>, vector<16xi32> -> vector<16xf32>
          %gather3A_546 = tpu.vector_load_idx %arg7[%add3A_62, %add3A_535] : memref<512x128xf32, #tpu.memory_space<vmem>>[vector<16xi32>, vector<16xi32>], vector<16xf32>,
          %mul3A_547 = arith.mulf %gather3A_546, %gather3A_545 : vector<16xf32>
          %add3A_548 = arith.addf %add3A_340, %mul3A_547 : vector<16xf32>
          %gather3A_549 = tpu.vector_load_idx %arg7[%add3A_69, %add3A_535] : memref<512x128xf32, #tpu.memory_space<vmem>>[vector<16xi32>, vector<16xi32>], vector<16xf32>,
          %mul3A_550 = arith.mulf %gather3A_549, %gather3A_545 : vector<16xf32>
          %add3A_551 = arith.addf %add3A_343, %mul3A_550 : vector<16xf32>
          %gather3A_552 = tpu.vector_load_idx %arg7[%add3A_76, %add3A_535] : memref<512x128xf32, #tpu.memory_space<vmem>>[vector<16xi32>, vector<16xi32>], vector<16xf32>,
          %mul3A_553 = arith.mulf %gather3A_552, %gather3A_545 : vector<16xf32>
          %add3A_554 = arith.addf %add3A_346, %mul3A_553 : vector<16xf32>
          %gather3A_555 = tpu.vector_load_idx %arg7[%add3A_83, %add3A_535] : memref<512x128xf32, #tpu.memory_space<vmem>>[vector<16xi32>, vector<16xi32>], vector<16xf32>,
          %mul3A_556 = arith.mulf %gather3A_555, %gather3A_545 : vector<16xf32>
          %add3A_557 = arith.addf %add3A_349, %mul3A_556 : vector<16xf32>
          %add3A_558 = arith.constant 80 : i32
          %add3A_559 = vector.broadcast %add3A_558 : i32 to vector<16xi32>
          %add3A_560 = arith.addi %and3A_430, %add3A_559 : vector<16xi32>
          %lt3A_561 = arith.constant 0 : i32
          %lt3A_562 = vector.broadcast %lt3A_561 : i32 to vector<16xi32>
          %lt3A_563 = arith.cmpi slt, %and3A_430, %lt3A_562 : vector<16xi32>
          %add3A_564 = arith.constant 16 : i32
          %add3A_565 = vector.broadcast %add3A_564 : i32 to vector<16xi32>
          %add3A_566 = arith.addi %and3A_430, %add3A_565 : vector<16xi32>
          %select_n3A_567 = arith.select %lt3A_563, %add3A_566, %and3A_430 : vector<16xi1>, vector<16xi32>
          %broadcast_in_dim3A_568 = vector.shape_cast %select_n3A_567 : vector<16xi32> to vector<16x1xi32>
          %gather3A_569 = vector.shape_cast %broadcast_in_dim3A_568 : vector<16x1xi32> to vector<16xi32>
          %gather3A_570 = tpu.dynamic_gather %get3A_100[%gather3A_569] in [0] : vector<16xf32>, vector<16xi32> -> vector<16xf32>
          %gather3A_571 = tpu.vector_load_idx %arg7[%add3A_62, %add3A_560] : memref<512x128xf32, #tpu.memory_space<vmem>>[vector<16xi32>, vector<16xi32>], vector<16xf32>,
          %mul3A_572 = arith.mulf %gather3A_571, %gather3A_570 : vector<16xf32>
          %add3A_573 = arith.addf %add3A_365, %mul3A_572 : vector<16xf32>
          %gather3A_574 = tpu.vector_load_idx %arg7[%add3A_69, %add3A_560] : memref<512x128xf32, #tpu.memory_space<vmem>>[vector<16xi32>, vector<16xi32>], vector<16xf32>,
          %mul3A_575 = arith.mulf %gather3A_574, %gather3A_570 : vector<16xf32>
          %add3A_576 = arith.addf %add3A_368, %mul3A_575 : vector<16xf32>
          %gather3A_577 = tpu.vector_load_idx %arg7[%add3A_76, %add3A_560] : memref<512x128xf32, #tpu.memory_space<vmem>>[vector<16xi32>, vector<16xi32>], vector<16xf32>,
          %mul3A_578 = arith.mulf %gather3A_577, %gather3A_570 : vector<16xf32>
          %add3A_579 = arith.addf %add3A_371, %mul3A_578 : vector<16xf32>
          %gather3A_580 = tpu.vector_load_idx %arg7[%add3A_83, %add3A_560] : memref<512x128xf32, #tpu.memory_space<vmem>>[vector<16xi32>, vector<16xi32>], vector<16xf32>,
          %mul3A_581 = arith.mulf %gather3A_580, %gather3A_570 : vector<16xf32>
          %add3A_582 = arith.addf %add3A_374, %mul3A_581 : vector<16xf32>
          %add3A_583 = arith.constant 96 : i32
          %add3A_584 = vector.broadcast %add3A_583 : i32 to vector<16xi32>
          %add3A_585 = arith.addi %and3A_430, %add3A_584 : vector<16xi32>
          %lt3A_586 = arith.constant 0 : i32
          %lt3A_587 = vector.broadcast %lt3A_586 : i32 to vector<16xi32>
          %lt3A_588 = arith.cmpi slt, %and3A_430, %lt3A_587 : vector<16xi32>
          %add3A_589 = arith.constant 16 : i32
          %add3A_590 = vector.broadcast %add3A_589 : i32 to vector<16xi32>
          %add3A_591 = arith.addi %and3A_430, %add3A_590 : vector<16xi32>
          %select_n3A_592 = arith.select %lt3A_588, %add3A_591, %and3A_430 : vector<16xi1>, vector<16xi32>
          %broadcast_in_dim3A_593 = vector.shape_cast %select_n3A_592 : vector<16xi32> to vector<16x1xi32>
          %gather3A_594 = vector.shape_cast %broadcast_in_dim3A_593 : vector<16x1xi32> to vector<16xi32>
          %gather3A_595 = tpu.dynamic_gather %get3A_103[%gather3A_594] in [0] : vector<16xf32>, vector<16xi32> -> vector<16xf32>
          %gather3A_596 = tpu.vector_load_idx %arg7[%add3A_62, %add3A_585] : memref<512x128xf32, #tpu.memory_space<vmem>>[vector<16xi32>, vector<16xi32>], vector<16xf32>,
          %mul3A_597 = arith.mulf %gather3A_596, %gather3A_595 : vector<16xf32>
          %add3A_598 = arith.addf %add3A_390, %mul3A_597 : vector<16xf32>
          %gather3A_599 = tpu.vector_load_idx %arg7[%add3A_69, %add3A_585] : memref<512x128xf32, #tpu.memory_space<vmem>>[vector<16xi32>, vector<16xi32>], vector<16xf32>,
          %mul3A_600 = arith.mulf %gather3A_599, %gather3A_595 : vector<16xf32>
          %add3A_601 = arith.addf %add3A_393, %mul3A_600 : vector<16xf32>
          %gather3A_602 = tpu.vector_load_idx %arg7[%add3A_76, %add3A_585] : memref<512x128xf32, #tpu.memory_space<vmem>>[vector<16xi32>, vector<16xi32>], vector<16xf32>,
          %mul3A_603 = arith.mulf %gather3A_602, %gather3A_595 : vector<16xf32>
          %add3A_604 = arith.addf %add3A_396, %mul3A_603 : vector<16xf32>
          %gather3A_605 = tpu.vector_load_idx %arg7[%add3A_83, %add3A_585] : memref<512x128xf32, #tpu.memory_space<vmem>>[vector<16xi32>, vector<16xi32>], vector<16xf32>,
          %mul3A_606 = arith.mulf %gather3A_605, %gather3A_595 : vector<16xf32>
          %add3A_607 = arith.addf %add3A_399, %mul3A_606 : vector<16xf32>
          %add3A_608 = arith.constant 112 : i32
          %add3A_609 = vector.broadcast %add3A_608 : i32 to vector<16xi32>
          %add3A_610 = arith.addi %and3A_430, %add3A_609 : vector<16xi32>
          %lt3A_611 = arith.constant 0 : i32
          %lt3A_612 = vector.broadcast %lt3A_611 : i32 to vector<16xi32>
          %lt3A_613 = arith.cmpi slt, %and3A_430, %lt3A_612 : vector<16xi32>
          %add3A_614 = arith.constant 16 : i32
          %add3A_615 = vector.broadcast %add3A_614 : i32 to vector<16xi32>
          %add3A_616 = arith.addi %and3A_430, %add3A_615 : vector<16xi32>
          %select_n3A_617 = arith.select %lt3A_613, %add3A_616, %and3A_430 : vector<16xi1>, vector<16xi32>
          %broadcast_in_dim3A_618 = vector.shape_cast %select_n3A_617 : vector<16xi32> to vector<16x1xi32>
          %gather3A_619 = vector.shape_cast %broadcast_in_dim3A_618 : vector<16x1xi32> to vector<16xi32>
          %gather3A_620 = tpu.dynamic_gather %get3A_106[%gather3A_619] in [0] : vector<16xf32>, vector<16xi32> -> vector<16xf32>
          %gather3A_621 = tpu.vector_load_idx %arg7[%add3A_62, %add3A_610] : memref<512x128xf32, #tpu.memory_space<vmem>>[vector<16xi32>, vector<16xi32>], vector<16xf32>,
          %mul3A_622 = arith.mulf %gather3A_621, %gather3A_620 : vector<16xf32>
          %add3A_623 = arith.addf %add3A_415, %mul3A_622 : vector<16xf32>
          %gather3A_624 = tpu.vector_load_idx %arg7[%add3A_69, %add3A_610] : memref<512x128xf32, #tpu.memory_space<vmem>>[vector<16xi32>, vector<16xi32>], vector<16xf32>,
          %mul3A_625 = arith.mulf %gather3A_624, %gather3A_620 : vector<16xf32>
          %add3A_626 = arith.addf %add3A_418, %mul3A_625 : vector<16xf32>
          %gather3A_627 = tpu.vector_load_idx %arg7[%add3A_76, %add3A_610] : memref<512x128xf32, #tpu.memory_space<vmem>>[vector<16xi32>, vector<16xi32>], vector<16xf32>,
          %mul3A_628 = arith.mulf %gather3A_627, %gather3A_620 : vector<16xf32>
          %add3A_629 = arith.addf %add3A_421, %mul3A_628 : vector<16xf32>
          %gather3A_630 = tpu.vector_load_idx %arg7[%add3A_83, %add3A_610] : memref<512x128xf32, #tpu.memory_space<vmem>>[vector<16xi32>, vector<16xi32>], vector<16xf32>,
          %mul3A_631 = arith.mulf %gather3A_630, %gather3A_620 : vector<16xf32>
          %add3A_632 = arith.addf %add3A_424, %mul3A_631 : vector<16xf32>
          %add3A_633 = arith.constant 1 : i32
          %add3A_634 = vector.broadcast %add3A_633 : i32 to vector<16xi32>
          %add3A_635 = arith.addi %and3A_430, %add3A_634 : vector<16xi32>
          %and3A_636 = arith.constant 15 : i32
          %and3A_637 = vector.broadcast %and3A_636 : i32 to vector<16xi32>
          %and3A_638 = arith.andi %add3A_635, %and3A_637 : vector<16xi32>
          %scan3A_639 = arith.constant 2 : i32
          %scan3A_640 = arith.addi %scan3A_194, %scan3A_639 : i32
          %add3A_641 = arith.constant 0 : i32
          %add3A_642 = vector.broadcast %add3A_641 : i32 to vector<16xi32>
          %add3A_643 = arith.addi %and3A_638, %add3A_642 : vector<16xi32>
          %lt3A_644 = arith.constant 0 : i32
          %lt3A_645 = vector.broadcast %lt3A_644 : i32 to vector<16xi32>
          %lt3A_646 = arith.cmpi slt, %and3A_638, %lt3A_645 : vector<16xi32>
          %add3A_647 = arith.constant 16 : i32
          %add3A_648 = vector.broadcast %add3A_647 : i32 to vector<16xi32>
          %add3A_649 = arith.addi %and3A_638, %add3A_648 : vector<16xi32>
          %select_n3A_650 = arith.select %lt3A_646, %add3A_649, %and3A_638 : vector<16xi1>, vector<16xi32>
          %broadcast_in_dim3A_651 = vector.shape_cast %select_n3A_650 : vector<16xi32> to vector<16x1xi32>
          %gather3A_652 = vector.shape_cast %broadcast_in_dim3A_651 : vector<16x1xi32> to vector<16xi32>
          %gather3A_653 = tpu.dynamic_gather %get3A_85[%gather3A_652] in [0] : vector<16xf32>, vector<16xi32> -> vector<16xf32>
          %gather3A_654 = tpu.vector_load_idx %arg7[%add3A_62, %add3A_643] : memref<512x128xf32, #tpu.memory_space<vmem>>[vector<16xi32>, vector<16xi32>], vector<16xf32>,
          %mul3A_655 = arith.mulf %gather3A_654, %gather3A_653 : vector<16xf32>
          %add3A_656 = arith.addf %add3A_448, %mul3A_655 : vector<16xf32>
          %gather3A_657 = tpu.vector_load_idx %arg7[%add3A_69, %add3A_643] : memref<512x128xf32, #tpu.memory_space<vmem>>[vector<16xi32>, vector<16xi32>], vector<16xf32>,
          %mul3A_658 = arith.mulf %gather3A_657, %gather3A_653 : vector<16xf32>
          %add3A_659 = arith.addf %add3A_451, %mul3A_658 : vector<16xf32>
          %gather3A_660 = tpu.vector_load_idx %arg7[%add3A_76, %add3A_643] : memref<512x128xf32, #tpu.memory_space<vmem>>[vector<16xi32>, vector<16xi32>], vector<16xf32>,
          %mul3A_661 = arith.mulf %gather3A_660, %gather3A_653 : vector<16xf32>
          %add3A_662 = arith.addf %add3A_454, %mul3A_661 : vector<16xf32>
          %gather3A_663 = tpu.vector_load_idx %arg7[%add3A_83, %add3A_643] : memref<512x128xf32, #tpu.memory_space<vmem>>[vector<16xi32>, vector<16xi32>], vector<16xf32>,
          %mul3A_664 = arith.mulf %gather3A_663, %gather3A_653 : vector<16xf32>
          %add3A_665 = arith.addf %add3A_457, %mul3A_664 : vector<16xf32>
          %add3A_666 = arith.constant 16 : i32
          %add3A_667 = vector.broadcast %add3A_666 : i32 to vector<16xi32>
          %add3A_668 = arith.addi %and3A_638, %add3A_667 : vector<16xi32>
          %lt3A_669 = arith.constant 0 : i32
          %lt3A_670 = vector.broadcast %lt3A_669 : i32 to vector<16xi32>
          %lt3A_671 = arith.cmpi slt, %and3A_638, %lt3A_670 : vector<16xi32>
          %add3A_672 = arith.constant 16 : i32
          %add3A_673 = vector.broadcast %add3A_672 : i32 to vector<16xi32>
          %add3A_674 = arith.addi %and3A_638, %add3A_673 : vector<16xi32>
          %select_n3A_675 = arith.select %lt3A_671, %add3A_674, %and3A_638 : vector<16xi1>, vector<16xi32>
          %broadcast_in_dim3A_676 = vector.shape_cast %select_n3A_675 : vector<16xi32> to vector<16x1xi32>
          %gather3A_677 = vector.shape_cast %broadcast_in_dim3A_676 : vector<16x1xi32> to vector<16xi32>
          %gather3A_678 = tpu.dynamic_gather %get3A_88[%gather3A_677] in [0] : vector<16xf32>, vector<16xi32> -> vector<16xf32>
          %gather3A_679 = tpu.vector_load_idx %arg7[%add3A_62, %add3A_668] : memref<512x128xf32, #tpu.memory_space<vmem>>[vector<16xi32>, vector<16xi32>], vector<16xf32>,
          %mul3A_680 = arith.mulf %gather3A_679, %gather3A_678 : vector<16xf32>
          %add3A_681 = arith.addf %add3A_473, %mul3A_680 : vector<16xf32>
          %gather3A_682 = tpu.vector_load_idx %arg7[%add3A_69, %add3A_668] : memref<512x128xf32, #tpu.memory_space<vmem>>[vector<16xi32>, vector<16xi32>], vector<16xf32>,
          %mul3A_683 = arith.mulf %gather3A_682, %gather3A_678 : vector<16xf32>
          %add3A_684 = arith.addf %add3A_476, %mul3A_683 : vector<16xf32>
          %gather3A_685 = tpu.vector_load_idx %arg7[%add3A_76, %add3A_668] : memref<512x128xf32, #tpu.memory_space<vmem>>[vector<16xi32>, vector<16xi32>], vector<16xf32>,
          %mul3A_686 = arith.mulf %gather3A_685, %gather3A_678 : vector<16xf32>
          %add3A_687 = arith.addf %add3A_479, %mul3A_686 : vector<16xf32>
          %gather3A_688 = tpu.vector_load_idx %arg7[%add3A_83, %add3A_668] : memref<512x128xf32, #tpu.memory_space<vmem>>[vector<16xi32>, vector<16xi32>], vector<16xf32>,
          %mul3A_689 = arith.mulf %gather3A_688, %gather3A_678 : vector<16xf32>
          %add3A_690 = arith.addf %add3A_482, %mul3A_689 : vector<16xf32>
          %add3A_691 = arith.constant 32 : i32
          %add3A_692 = vector.broadcast %add3A_691 : i32 to vector<16xi32>
          %add3A_693 = arith.addi %and3A_638, %add3A_692 : vector<16xi32>
          %lt3A_694 = arith.constant 0 : i32
          %lt3A_695 = vector.broadcast %lt3A_694 : i32 to vector<16xi32>
          %lt3A_696 = arith.cmpi slt, %and3A_638, %lt3A_695 : vector<16xi32>
          %add3A_697 = arith.constant 16 : i32
          %add3A_698 = vector.broadcast %add3A_697 : i32 to vector<16xi32>
          %add3A_699 = arith.addi %and3A_638, %add3A_698 : vector<16xi32>
          %select_n3A_700 = arith.select %lt3A_696, %add3A_699, %and3A_638 : vector<16xi1>, vector<16xi32>
          %broadcast_in_dim3A_701 = vector.shape_cast %select_n3A_700 : vector<16xi32> to vector<16x1xi32>
          %gather3A_702 = vector.shape_cast %broadcast_in_dim3A_701 : vector<16x1xi32> to vector<16xi32>
          %gather3A_703 = tpu.dynamic_gather %get3A_91[%gather3A_702] in [0] : vector<16xf32>, vector<16xi32> -> vector<16xf32>
          %gather3A_704 = tpu.vector_load_idx %arg7[%add3A_62, %add3A_693] : memref<512x128xf32, #tpu.memory_space<vmem>>[vector<16xi32>, vector<16xi32>], vector<16xf32>,
          %mul3A_705 = arith.mulf %gather3A_704, %gather3A_703 : vector<16xf32>
          %add3A_706 = arith.addf %add3A_498, %mul3A_705 : vector<16xf32>
          %gather3A_707 = tpu.vector_load_idx %arg7[%add3A_69, %add3A_693] : memref<512x128xf32, #tpu.memory_space<vmem>>[vector<16xi32>, vector<16xi32>], vector<16xf32>,
          %mul3A_708 = arith.mulf %gather3A_707, %gather3A_703 : vector<16xf32>
          %add3A_709 = arith.addf %add3A_501, %mul3A_708 : vector<16xf32>
          %gather3A_710 = tpu.vector_load_idx %arg7[%add3A_76, %add3A_693] : memref<512x128xf32, #tpu.memory_space<vmem>>[vector<16xi32>, vector<16xi32>], vector<16xf32>,
          %mul3A_711 = arith.mulf %gather3A_710, %gather3A_703 : vector<16xf32>
          %add3A_712 = arith.addf %add3A_504, %mul3A_711 : vector<16xf32>
          %gather3A_713 = tpu.vector_load_idx %arg7[%add3A_83, %add3A_693] : memref<512x128xf32, #tpu.memory_space<vmem>>[vector<16xi32>, vector<16xi32>], vector<16xf32>,
          %mul3A_714 = arith.mulf %gather3A_713, %gather3A_703 : vector<16xf32>
          %add3A_715 = arith.addf %add3A_507, %mul3A_714 : vector<16xf32>
          %add3A_716 = arith.constant 48 : i32
          %add3A_717 = vector.broadcast %add3A_716 : i32 to vector<16xi32>
          %add3A_718 = arith.addi %and3A_638, %add3A_717 : vector<16xi32>
          %lt3A_719 = arith.constant 0 : i32
          %lt3A_720 = vector.broadcast %lt3A_719 : i32 to vector<16xi32>
          %lt3A_721 = arith.cmpi slt, %and3A_638, %lt3A_720 : vector<16xi32>
          %add3A_722 = arith.constant 16 : i32
          %add3A_723 = vector.broadcast %add3A_722 : i32 to vector<16xi32>
          %add3A_724 = arith.addi %and3A_638, %add3A_723 : vector<16xi32>
          %select_n3A_725 = arith.select %lt3A_721, %add3A_724, %and3A_638 : vector<16xi1>, vector<16xi32>
          %broadcast_in_dim3A_726 = vector.shape_cast %select_n3A_725 : vector<16xi32> to vector<16x1xi32>
          %gather3A_727 = vector.shape_cast %broadcast_in_dim3A_726 : vector<16x1xi32> to vector<16xi32>
          %gather3A_728 = tpu.dynamic_gather %get3A_94[%gather3A_727] in [0] : vector<16xf32>, vector<16xi32> -> vector<16xf32>
          %gather3A_729 = tpu.vector_load_idx %arg7[%add3A_62, %add3A_718] : memref<512x128xf32, #tpu.memory_space<vmem>>[vector<16xi32>, vector<16xi32>], vector<16xf32>,
          %mul3A_730 = arith.mulf %gather3A_729, %gather3A_728 : vector<16xf32>
          %add3A_731 = arith.addf %add3A_523, %mul3A_730 : vector<16xf32>
          %gather3A_732 = tpu.vector_load_idx %arg7[%add3A_69, %add3A_718] : memref<512x128xf32, #tpu.memory_space<vmem>>[vector<16xi32>, vector<16xi32>], vector<16xf32>,
          %mul3A_733 = arith.mulf %gather3A_732, %gather3A_728 : vector<16xf32>
          %add3A_734 = arith.addf %add3A_526, %mul3A_733 : vector<16xf32>
          %gather3A_735 = tpu.vector_load_idx %arg7[%add3A_76, %add3A_718] : memref<512x128xf32, #tpu.memory_space<vmem>>[vector<16xi32>, vector<16xi32>], vector<16xf32>,
          %mul3A_736 = arith.mulf %gather3A_735, %gather3A_728 : vector<16xf32>
          %add3A_737 = arith.addf %add3A_529, %mul3A_736 : vector<16xf32>
          %gather3A_738 = tpu.vector_load_idx %arg7[%add3A_83, %add3A_718] : memref<512x128xf32, #tpu.memory_space<vmem>>[vector<16xi32>, vector<16xi32>], vector<16xf32>,
          %mul3A_739 = arith.mulf %gather3A_738, %gather3A_728 : vector<16xf32>
          %add3A_740 = arith.addf %add3A_532, %mul3A_739 : vector<16xf32>
          %add3A_741 = arith.constant 64 : i32
          %add3A_742 = vector.broadcast %add3A_741 : i32 to vector<16xi32>
          %add3A_743 = arith.addi %and3A_638, %add3A_742 : vector<16xi32>
          %lt3A_744 = arith.constant 0 : i32
          %lt3A_745 = vector.broadcast %lt3A_744 : i32 to vector<16xi32>
          %lt3A_746 = arith.cmpi slt, %and3A_638, %lt3A_745 : vector<16xi32>
          %add3A_747 = arith.constant 16 : i32
          %add3A_748 = vector.broadcast %add3A_747 : i32 to vector<16xi32>
          %add3A_749 = arith.addi %and3A_638, %add3A_748 : vector<16xi32>
          %select_n3A_750 = arith.select %lt3A_746, %add3A_749, %and3A_638 : vector<16xi1>, vector<16xi32>
          %broadcast_in_dim3A_751 = vector.shape_cast %select_n3A_750 : vector<16xi32> to vector<16x1xi32>
          %gather3A_752 = vector.shape_cast %broadcast_in_dim3A_751 : vector<16x1xi32> to vector<16xi32>
          %gather3A_753 = tpu.dynamic_gather %get3A_97[%gather3A_752] in [0] : vector<16xf32>, vector<16xi32> -> vector<16xf32>
          %gather3A_754 = tpu.vector_load_idx %arg7[%add3A_62, %add3A_743] : memref<512x128xf32, #tpu.memory_space<vmem>>[vector<16xi32>, vector<16xi32>], vector<16xf32>,
          %mul3A_755 = arith.mulf %gather3A_754, %gather3A_753 : vector<16xf32>
          %add3A_756 = arith.addf %add3A_548, %mul3A_755 : vector<16xf32>
          %gather3A_757 = tpu.vector_load_idx %arg7[%add3A_69, %add3A_743] : memref<512x128xf32, #tpu.memory_space<vmem>>[vector<16xi32>, vector<16xi32>], vector<16xf32>,
          %mul3A_758 = arith.mulf %gather3A_757, %gather3A_753 : vector<16xf32>
          %add3A_759 = arith.addf %add3A_551, %mul3A_758 : vector<16xf32>
          %gather3A_760 = tpu.vector_load_idx %arg7[%add3A_76, %add3A_743] : memref<512x128xf32, #tpu.memory_space<vmem>>[vector<16xi32>, vector<16xi32>], vector<16xf32>,
          %mul3A_761 = arith.mulf %gather3A_760, %gather3A_753 : vector<16xf32>
          %add3A_762 = arith.addf %add3A_554, %mul3A_761 : vector<16xf32>
          %gather3A_763 = tpu.vector_load_idx %arg7[%add3A_83, %add3A_743] : memref<512x128xf32, #tpu.memory_space<vmem>>[vector<16xi32>, vector<16xi32>], vector<16xf32>,
          %mul3A_764 = arith.mulf %gather3A_763, %gather3A_753 : vector<16xf32>
          %add3A_765 = arith.addf %add3A_557, %mul3A_764 : vector<16xf32>
          %add3A_766 = arith.constant 80 : i32
          %add3A_767 = vector.broadcast %add3A_766 : i32 to vector<16xi32>
          %add3A_768 = arith.addi %and3A_638, %add3A_767 : vector<16xi32>
          %lt3A_769 = arith.constant 0 : i32
          %lt3A_770 = vector.broadcast %lt3A_769 : i32 to vector<16xi32>
          %lt3A_771 = arith.cmpi slt, %and3A_638, %lt3A_770 : vector<16xi32>
          %add3A_772 = arith.constant 16 : i32
          %add3A_773 = vector.broadcast %add3A_772 : i32 to vector<16xi32>
          %add3A_774 = arith.addi %and3A_638, %add3A_773 : vector<16xi32>
          %select_n3A_775 = arith.select %lt3A_771, %add3A_774, %and3A_638 : vector<16xi1>, vector<16xi32>
          %broadcast_in_dim3A_776 = vector.shape_cast %select_n3A_775 : vector<16xi32> to vector<16x1xi32>
          %gather3A_777 = vector.shape_cast %broadcast_in_dim3A_776 : vector<16x1xi32> to vector<16xi32>
          %gather3A_778 = tpu.dynamic_gather %get3A_100[%gather3A_777] in [0] : vector<16xf32>, vector<16xi32> -> vector<16xf32>
          %gather3A_779 = tpu.vector_load_idx %arg7[%add3A_62, %add3A_768] : memref<512x128xf32, #tpu.memory_space<vmem>>[vector<16xi32>, vector<16xi32>], vector<16xf32>,
          %mul3A_780 = arith.mulf %gather3A_779, %gather3A_778 : vector<16xf32>
          %add3A_781 = arith.addf %add3A_573, %mul3A_780 : vector<16xf32>
          %gather3A_782 = tpu.vector_load_idx %arg7[%add3A_69, %add3A_768] : memref<512x128xf32, #tpu.memory_space<vmem>>[vector<16xi32>, vector<16xi32>], vector<16xf32>,
          %mul3A_783 = arith.mulf %gather3A_782, %gather3A_778 : vector<16xf32>
          %add3A_784 = arith.addf %add3A_576, %mul3A_783 : vector<16xf32>
          %gather3A_785 = tpu.vector_load_idx %arg7[%add3A_76, %add3A_768] : memref<512x128xf32, #tpu.memory_space<vmem>>[vector<16xi32>, vector<16xi32>], vector<16xf32>,
          %mul3A_786 = arith.mulf %gather3A_785, %gather3A_778 : vector<16xf32>
          %add3A_787 = arith.addf %add3A_579, %mul3A_786 : vector<16xf32>
          %gather3A_788 = tpu.vector_load_idx %arg7[%add3A_83, %add3A_768] : memref<512x128xf32, #tpu.memory_space<vmem>>[vector<16xi32>, vector<16xi32>], vector<16xf32>,
          %mul3A_789 = arith.mulf %gather3A_788, %gather3A_778 : vector<16xf32>
          %add3A_790 = arith.addf %add3A_582, %mul3A_789 : vector<16xf32>
          %add3A_791 = arith.constant 96 : i32
          %add3A_792 = vector.broadcast %add3A_791 : i32 to vector<16xi32>
          %add3A_793 = arith.addi %and3A_638, %add3A_792 : vector<16xi32>
          %lt3A_794 = arith.constant 0 : i32
          %lt3A_795 = vector.broadcast %lt3A_794 : i32 to vector<16xi32>
          %lt3A_796 = arith.cmpi slt, %and3A_638, %lt3A_795 : vector<16xi32>
          %add3A_797 = arith.constant 16 : i32
          %add3A_798 = vector.broadcast %add3A_797 : i32 to vector<16xi32>
          %add3A_799 = arith.addi %and3A_638, %add3A_798 : vector<16xi32>
          %select_n3A_800 = arith.select %lt3A_796, %add3A_799, %and3A_638 : vector<16xi1>, vector<16xi32>
          %broadcast_in_dim3A_801 = vector.shape_cast %select_n3A_800 : vector<16xi32> to vector<16x1xi32>
          %gather3A_802 = vector.shape_cast %broadcast_in_dim3A_801 : vector<16x1xi32> to vector<16xi32>
          %gather3A_803 = tpu.dynamic_gather %get3A_103[%gather3A_802] in [0] : vector<16xf32>, vector<16xi32> -> vector<16xf32>
          %gather3A_804 = tpu.vector_load_idx %arg7[%add3A_62, %add3A_793] : memref<512x128xf32, #tpu.memory_space<vmem>>[vector<16xi32>, vector<16xi32>], vector<16xf32>,
          %mul3A_805 = arith.mulf %gather3A_804, %gather3A_803 : vector<16xf32>
          %add3A_806 = arith.addf %add3A_598, %mul3A_805 : vector<16xf32>
          %gather3A_807 = tpu.vector_load_idx %arg7[%add3A_69, %add3A_793] : memref<512x128xf32, #tpu.memory_space<vmem>>[vector<16xi32>, vector<16xi32>], vector<16xf32>,
          %mul3A_808 = arith.mulf %gather3A_807, %gather3A_803 : vector<16xf32>
          %add3A_809 = arith.addf %add3A_601, %mul3A_808 : vector<16xf32>
          %gather3A_810 = tpu.vector_load_idx %arg7[%add3A_76, %add3A_793] : memref<512x128xf32, #tpu.memory_space<vmem>>[vector<16xi32>, vector<16xi32>], vector<16xf32>,
          %mul3A_811 = arith.mulf %gather3A_810, %gather3A_803 : vector<16xf32>
          %add3A_812 = arith.addf %add3A_604, %mul3A_811 : vector<16xf32>
          %gather3A_813 = tpu.vector_load_idx %arg7[%add3A_83, %add3A_793] : memref<512x128xf32, #tpu.memory_space<vmem>>[vector<16xi32>, vector<16xi32>], vector<16xf32>,
          %mul3A_814 = arith.mulf %gather3A_813, %gather3A_803 : vector<16xf32>
          %add3A_815 = arith.addf %add3A_607, %mul3A_814 : vector<16xf32>
          %add3A_816 = arith.constant 112 : i32
          %add3A_817 = vector.broadcast %add3A_816 : i32 to vector<16xi32>
          %add3A_818 = arith.addi %and3A_638, %add3A_817 : vector<16xi32>
          %lt3A_819 = arith.constant 0 : i32
          %lt3A_820 = vector.broadcast %lt3A_819 : i32 to vector<16xi32>
          %lt3A_821 = arith.cmpi slt, %and3A_638, %lt3A_820 : vector<16xi32>
          %add3A_822 = arith.constant 16 : i32
          %add3A_823 = vector.broadcast %add3A_822 : i32 to vector<16xi32>
          %add3A_824 = arith.addi %and3A_638, %add3A_823 : vector<16xi32>
          %select_n3A_825 = arith.select %lt3A_821, %add3A_824, %and3A_638 : vector<16xi1>, vector<16xi32>
          %broadcast_in_dim3A_826 = vector.shape_cast %select_n3A_825 : vector<16xi32> to vector<16x1xi32>
          %gather3A_827 = vector.shape_cast %broadcast_in_dim3A_826 : vector<16x1xi32> to vector<16xi32>
          %gather3A_828 = tpu.dynamic_gather %get3A_106[%gather3A_827] in [0] : vector<16xf32>, vector<16xi32> -> vector<16xf32>
          %gather3A_829 = tpu.vector_load_idx %arg7[%add3A_62, %add3A_818] : memref<512x128xf32, #tpu.memory_space<vmem>>[vector<16xi32>, vector<16xi32>], vector<16xf32>,
          %mul3A_830 = arith.mulf %gather3A_829, %gather3A_828 : vector<16xf32>
          %add3A_831 = arith.addf %add3A_623, %mul3A_830 : vector<16xf32>
          %gather3A_832 = tpu.vector_load_idx %arg7[%add3A_69, %add3A_818] : memref<512x128xf32, #tpu.memory_space<vmem>>[vector<16xi32>, vector<16xi32>], vector<16xf32>,
          %mul3A_833 = arith.mulf %gather3A_832, %gather3A_828 : vector<16xf32>
          %add3A_834 = arith.addf %add3A_626, %mul3A_833 : vector<16xf32>
          %gather3A_835 = tpu.vector_load_idx %arg7[%add3A_76, %add3A_818] : memref<512x128xf32, #tpu.memory_space<vmem>>[vector<16xi32>, vector<16xi32>], vector<16xf32>,
          %mul3A_836 = arith.mulf %gather3A_835, %gather3A_828 : vector<16xf32>
          %add3A_837 = arith.addf %add3A_629, %mul3A_836 : vector<16xf32>
          %gather3A_838 = tpu.vector_load_idx %arg7[%add3A_83, %add3A_818] : memref<512x128xf32, #tpu.memory_space<vmem>>[vector<16xi32>, vector<16xi32>], vector<16xf32>,
          %mul3A_839 = arith.mulf %gather3A_838, %gather3A_828 : vector<16xf32>
          %add3A_840 = arith.addf %add3A_632, %mul3A_839 : vector<16xf32>
          %add3A_841 = arith.constant 1 : i32
          %add3A_842 = vector.broadcast %add3A_841 : i32 to vector<16xi32>
          %add3A_843 = arith.addi %and3A_638, %add3A_842 : vector<16xi32>
          %and3A_844 = arith.constant 15 : i32
          %and3A_845 = vector.broadcast %and3A_844 : i32 to vector<16xi32>
          %and3A_846 = arith.andi %add3A_843, %and3A_845 : vector<16xi32>
          %scan3A_847 = arith.constant 3 : i32
          %scan3A_848 = arith.addi %scan3A_194, %scan3A_847 : i32
          %add3A_849 = arith.constant 0 : i32
          %add3A_850 = vector.broadcast %add3A_849 : i32 to vector<16xi32>
          %add3A_851 = arith.addi %and3A_846, %add3A_850 : vector<16xi32>
          %lt3A_852 = arith.constant 0 : i32
          %lt3A_853 = vector.broadcast %lt3A_852 : i32 to vector<16xi32>
          %lt3A_854 = arith.cmpi slt, %and3A_846, %lt3A_853 : vector<16xi32>
          %add3A_855 = arith.constant 16 : i32
          %add3A_856 = vector.broadcast %add3A_855 : i32 to vector<16xi32>
          %add3A_857 = arith.addi %and3A_846, %add3A_856 : vector<16xi32>
          %select_n3A_858 = arith.select %lt3A_854, %add3A_857, %and3A_846 : vector<16xi1>, vector<16xi32>
          %broadcast_in_dim3A_859 = vector.shape_cast %select_n3A_858 : vector<16xi32> to vector<16x1xi32>
          %gather3A_860 = vector.shape_cast %broadcast_in_dim3A_859 : vector<16x1xi32> to vector<16xi32>
          %gather3A_861 = tpu.dynamic_gather %get3A_85[%gather3A_860] in [0] : vector<16xf32>, vector<16xi32> -> vector<16xf32>
          %gather3A_862 = tpu.vector_load_idx %arg7[%add3A_62, %add3A_851] : memref<512x128xf32, #tpu.memory_space<vmem>>[vector<16xi32>, vector<16xi32>], vector<16xf32>,
          %mul3A_863 = arith.mulf %gather3A_862, %gather3A_861 : vector<16xf32>
          %add3A_864 = arith.addf %add3A_656, %mul3A_863 : vector<16xf32>
          %gather3A_865 = tpu.vector_load_idx %arg7[%add3A_69, %add3A_851] : memref<512x128xf32, #tpu.memory_space<vmem>>[vector<16xi32>, vector<16xi32>], vector<16xf32>,
          %mul3A_866 = arith.mulf %gather3A_865, %gather3A_861 : vector<16xf32>
          %add3A_867 = arith.addf %add3A_659, %mul3A_866 : vector<16xf32>
          %gather3A_868 = tpu.vector_load_idx %arg7[%add3A_76, %add3A_851] : memref<512x128xf32, #tpu.memory_space<vmem>>[vector<16xi32>, vector<16xi32>], vector<16xf32>,
          %mul3A_869 = arith.mulf %gather3A_868, %gather3A_861 : vector<16xf32>
          %add3A_870 = arith.addf %add3A_662, %mul3A_869 : vector<16xf32>
          %gather3A_871 = tpu.vector_load_idx %arg7[%add3A_83, %add3A_851] : memref<512x128xf32, #tpu.memory_space<vmem>>[vector<16xi32>, vector<16xi32>], vector<16xf32>,
          %mul3A_872 = arith.mulf %gather3A_871, %gather3A_861 : vector<16xf32>
          %add3A_873 = arith.addf %add3A_665, %mul3A_872 : vector<16xf32>
          %add3A_874 = arith.constant 16 : i32
          %add3A_875 = vector.broadcast %add3A_874 : i32 to vector<16xi32>
          %add3A_876 = arith.addi %and3A_846, %add3A_875 : vector<16xi32>
          %lt3A_877 = arith.constant 0 : i32
          %lt3A_878 = vector.broadcast %lt3A_877 : i32 to vector<16xi32>
          %lt3A_879 = arith.cmpi slt, %and3A_846, %lt3A_878 : vector<16xi32>
          %add3A_880 = arith.constant 16 : i32
          %add3A_881 = vector.broadcast %add3A_880 : i32 to vector<16xi32>
          %add3A_882 = arith.addi %and3A_846, %add3A_881 : vector<16xi32>
          %select_n3A_883 = arith.select %lt3A_879, %add3A_882, %and3A_846 : vector<16xi1>, vector<16xi32>
          %broadcast_in_dim3A_884 = vector.shape_cast %select_n3A_883 : vector<16xi32> to vector<16x1xi32>
          %gather3A_885 = vector.shape_cast %broadcast_in_dim3A_884 : vector<16x1xi32> to vector<16xi32>
          %gather3A_886 = tpu.dynamic_gather %get3A_88[%gather3A_885] in [0] : vector<16xf32>, vector<16xi32> -> vector<16xf32>
          %gather3A_887 = tpu.vector_load_idx %arg7[%add3A_62, %add3A_876] : memref<512x128xf32, #tpu.memory_space<vmem>>[vector<16xi32>, vector<16xi32>], vector<16xf32>,
          %mul3A_888 = arith.mulf %gather3A_887, %gather3A_886 : vector<16xf32>
          %add3A_889 = arith.addf %add3A_681, %mul3A_888 : vector<16xf32>
          %gather3A_890 = tpu.vector_load_idx %arg7[%add3A_69, %add3A_876] : memref<512x128xf32, #tpu.memory_space<vmem>>[vector<16xi32>, vector<16xi32>], vector<16xf32>,
          %mul3A_891 = arith.mulf %gather3A_890, %gather3A_886 : vector<16xf32>
          %add3A_892 = arith.addf %add3A_684, %mul3A_891 : vector<16xf32>
          %gather3A_893 = tpu.vector_load_idx %arg7[%add3A_76, %add3A_876] : memref<512x128xf32, #tpu.memory_space<vmem>>[vector<16xi32>, vector<16xi32>], vector<16xf32>,
          %mul3A_894 = arith.mulf %gather3A_893, %gather3A_886 : vector<16xf32>
          %add3A_895 = arith.addf %add3A_687, %mul3A_894 : vector<16xf32>
          %gather3A_896 = tpu.vector_load_idx %arg7[%add3A_83, %add3A_876] : memref<512x128xf32, #tpu.memory_space<vmem>>[vector<16xi32>, vector<16xi32>], vector<16xf32>,
          %mul3A_897 = arith.mulf %gather3A_896, %gather3A_886 : vector<16xf32>
          %add3A_898 = arith.addf %add3A_690, %mul3A_897 : vector<16xf32>
          %add3A_899 = arith.constant 32 : i32
          %add3A_900 = vector.broadcast %add3A_899 : i32 to vector<16xi32>
          %add3A_901 = arith.addi %and3A_846, %add3A_900 : vector<16xi32>
          %lt3A_902 = arith.constant 0 : i32
          %lt3A_903 = vector.broadcast %lt3A_902 : i32 to vector<16xi32>
          %lt3A_904 = arith.cmpi slt, %and3A_846, %lt3A_903 : vector<16xi32>
          %add3A_905 = arith.constant 16 : i32
          %add3A_906 = vector.broadcast %add3A_905 : i32 to vector<16xi32>
          %add3A_907 = arith.addi %and3A_846, %add3A_906 : vector<16xi32>
          %select_n3A_908 = arith.select %lt3A_904, %add3A_907, %and3A_846 : vector<16xi1>, vector<16xi32>
          %broadcast_in_dim3A_909 = vector.shape_cast %select_n3A_908 : vector<16xi32> to vector<16x1xi32>
          %gather3A_910 = vector.shape_cast %broadcast_in_dim3A_909 : vector<16x1xi32> to vector<16xi32>
          %gather3A_911 = tpu.dynamic_gather %get3A_91[%gather3A_910] in [0] : vector<16xf32>, vector<16xi32> -> vector<16xf32>
          %gather3A_912 = tpu.vector_load_idx %arg7[%add3A_62, %add3A_901] : memref<512x128xf32, #tpu.memory_space<vmem>>[vector<16xi32>, vector<16xi32>], vector<16xf32>,
          %mul3A_913 = arith.mulf %gather3A_912, %gather3A_911 : vector<16xf32>
          %add3A_914 = arith.addf %add3A_706, %mul3A_913 : vector<16xf32>
          %gather3A_915 = tpu.vector_load_idx %arg7[%add3A_69, %add3A_901] : memref<512x128xf32, #tpu.memory_space<vmem>>[vector<16xi32>, vector<16xi32>], vector<16xf32>,
          %mul3A_916 = arith.mulf %gather3A_915, %gather3A_911 : vector<16xf32>
          %add3A_917 = arith.addf %add3A_709, %mul3A_916 : vector<16xf32>
          %gather3A_918 = tpu.vector_load_idx %arg7[%add3A_76, %add3A_901] : memref<512x128xf32, #tpu.memory_space<vmem>>[vector<16xi32>, vector<16xi32>], vector<16xf32>,
          %mul3A_919 = arith.mulf %gather3A_918, %gather3A_911 : vector<16xf32>
          %add3A_920 = arith.addf %add3A_712, %mul3A_919 : vector<16xf32>
          %gather3A_921 = tpu.vector_load_idx %arg7[%add3A_83, %add3A_901] : memref<512x128xf32, #tpu.memory_space<vmem>>[vector<16xi32>, vector<16xi32>], vector<16xf32>,
          %mul3A_922 = arith.mulf %gather3A_921, %gather3A_911 : vector<16xf32>
          %add3A_923 = arith.addf %add3A_715, %mul3A_922 : vector<16xf32>
          %add3A_924 = arith.constant 48 : i32
          %add3A_925 = vector.broadcast %add3A_924 : i32 to vector<16xi32>
          %add3A_926 = arith.addi %and3A_846, %add3A_925 : vector<16xi32>
          %lt3A_927 = arith.constant 0 : i32
          %lt3A_928 = vector.broadcast %lt3A_927 : i32 to vector<16xi32>
          %lt3A_929 = arith.cmpi slt, %and3A_846, %lt3A_928 : vector<16xi32>
          %add3A_930 = arith.constant 16 : i32
          %add3A_931 = vector.broadcast %add3A_930 : i32 to vector<16xi32>
          %add3A_932 = arith.addi %and3A_846, %add3A_931 : vector<16xi32>
          %select_n3A_933 = arith.select %lt3A_929, %add3A_932, %and3A_846 : vector<16xi1>, vector<16xi32>
          %broadcast_in_dim3A_934 = vector.shape_cast %select_n3A_933 : vector<16xi32> to vector<16x1xi32>
          %gather3A_935 = vector.shape_cast %broadcast_in_dim3A_934 : vector<16x1xi32> to vector<16xi32>
          %gather3A_936 = tpu.dynamic_gather %get3A_94[%gather3A_935] in [0] : vector<16xf32>, vector<16xi32> -> vector<16xf32>
          %gather3A_937 = tpu.vector_load_idx %arg7[%add3A_62, %add3A_926] : memref<512x128xf32, #tpu.memory_space<vmem>>[vector<16xi32>, vector<16xi32>], vector<16xf32>,
          %mul3A_938 = arith.mulf %gather3A_937, %gather3A_936 : vector<16xf32>
          %add3A_939 = arith.addf %add3A_731, %mul3A_938 : vector<16xf32>
          %gather3A_940 = tpu.vector_load_idx %arg7[%add3A_69, %add3A_926] : memref<512x128xf32, #tpu.memory_space<vmem>>[vector<16xi32>, vector<16xi32>], vector<16xf32>,
          %mul3A_941 = arith.mulf %gather3A_940, %gather3A_936 : vector<16xf32>
          %add3A_942 = arith.addf %add3A_734, %mul3A_941 : vector<16xf32>
          %gather3A_943 = tpu.vector_load_idx %arg7[%add3A_76, %add3A_926] : memref<512x128xf32, #tpu.memory_space<vmem>>[vector<16xi32>, vector<16xi32>], vector<16xf32>,
          %mul3A_944 = arith.mulf %gather3A_943, %gather3A_936 : vector<16xf32>
          %add3A_945 = arith.addf %add3A_737, %mul3A_944 : vector<16xf32>
          %gather3A_946 = tpu.vector_load_idx %arg7[%add3A_83, %add3A_926] : memref<512x128xf32, #tpu.memory_space<vmem>>[vector<16xi32>, vector<16xi32>], vector<16xf32>,
          %mul3A_947 = arith.mulf %gather3A_946, %gather3A_936 : vector<16xf32>
          %add3A_948 = arith.addf %add3A_740, %mul3A_947 : vector<16xf32>
          %add3A_949 = arith.constant 64 : i32
          %add3A_950 = vector.broadcast %add3A_949 : i32 to vector<16xi32>
          %add3A_951 = arith.addi %and3A_846, %add3A_950 : vector<16xi32>
          %lt3A_952 = arith.constant 0 : i32
          %lt3A_953 = vector.broadcast %lt3A_952 : i32 to vector<16xi32>
          %lt3A_954 = arith.cmpi slt, %and3A_846, %lt3A_953 : vector<16xi32>
          %add3A_955 = arith.constant 16 : i32
          %add3A_956 = vector.broadcast %add3A_955 : i32 to vector<16xi32>
          %add3A_957 = arith.addi %and3A_846, %add3A_956 : vector<16xi32>
          %select_n3A_958 = arith.select %lt3A_954, %add3A_957, %and3A_846 : vector<16xi1>, vector<16xi32>
          %broadcast_in_dim3A_959 = vector.shape_cast %select_n3A_958 : vector<16xi32> to vector<16x1xi32>
          %gather3A_960 = vector.shape_cast %broadcast_in_dim3A_959 : vector<16x1xi32> to vector<16xi32>
          %gather3A_961 = tpu.dynamic_gather %get3A_97[%gather3A_960] in [0] : vector<16xf32>, vector<16xi32> -> vector<16xf32>
          %gather3A_962 = tpu.vector_load_idx %arg7[%add3A_62, %add3A_951] : memref<512x128xf32, #tpu.memory_space<vmem>>[vector<16xi32>, vector<16xi32>], vector<16xf32>,
          %mul3A_963 = arith.mulf %gather3A_962, %gather3A_961 : vector<16xf32>
          %add3A_964 = arith.addf %add3A_756, %mul3A_963 : vector<16xf32>
          %gather3A_965 = tpu.vector_load_idx %arg7[%add3A_69, %add3A_951] : memref<512x128xf32, #tpu.memory_space<vmem>>[vector<16xi32>, vector<16xi32>], vector<16xf32>,
          %mul3A_966 = arith.mulf %gather3A_965, %gather3A_961 : vector<16xf32>
          %add3A_967 = arith.addf %add3A_759, %mul3A_966 : vector<16xf32>
          %gather3A_968 = tpu.vector_load_idx %arg7[%add3A_76, %add3A_951] : memref<512x128xf32, #tpu.memory_space<vmem>>[vector<16xi32>, vector<16xi32>], vector<16xf32>,
          %mul3A_969 = arith.mulf %gather3A_968, %gather3A_961 : vector<16xf32>
          %add3A_970 = arith.addf %add3A_762, %mul3A_969 : vector<16xf32>
          %gather3A_971 = tpu.vector_load_idx %arg7[%add3A_83, %add3A_951] : memref<512x128xf32, #tpu.memory_space<vmem>>[vector<16xi32>, vector<16xi32>], vector<16xf32>,
          %mul3A_972 = arith.mulf %gather3A_971, %gather3A_961 : vector<16xf32>
          %add3A_973 = arith.addf %add3A_765, %mul3A_972 : vector<16xf32>
          %add3A_974 = arith.constant 80 : i32
          %add3A_975 = vector.broadcast %add3A_974 : i32 to vector<16xi32>
          %add3A_976 = arith.addi %and3A_846, %add3A_975 : vector<16xi32>
          %lt3A_977 = arith.constant 0 : i32
          %lt3A_978 = vector.broadcast %lt3A_977 : i32 to vector<16xi32>
          %lt3A_979 = arith.cmpi slt, %and3A_846, %lt3A_978 : vector<16xi32>
          %add3A_980 = arith.constant 16 : i32
          %add3A_981 = vector.broadcast %add3A_980 : i32 to vector<16xi32>
          %add3A_982 = arith.addi %and3A_846, %add3A_981 : vector<16xi32>
          %select_n3A_983 = arith.select %lt3A_979, %add3A_982, %and3A_846 : vector<16xi1>, vector<16xi32>
          %broadcast_in_dim3A_984 = vector.shape_cast %select_n3A_983 : vector<16xi32> to vector<16x1xi32>
          %gather3A_985 = vector.shape_cast %broadcast_in_dim3A_984 : vector<16x1xi32> to vector<16xi32>
          %gather3A_986 = tpu.dynamic_gather %get3A_100[%gather3A_985] in [0] : vector<16xf32>, vector<16xi32> -> vector<16xf32>
          %gather3A_987 = tpu.vector_load_idx %arg7[%add3A_62, %add3A_976] : memref<512x128xf32, #tpu.memory_space<vmem>>[vector<16xi32>, vector<16xi32>], vector<16xf32>,
          %mul3A_988 = arith.mulf %gather3A_987, %gather3A_986 : vector<16xf32>
          %add3A_989 = arith.addf %add3A_781, %mul3A_988 : vector<16xf32>
          %gather3A_990 = tpu.vector_load_idx %arg7[%add3A_69, %add3A_976] : memref<512x128xf32, #tpu.memory_space<vmem>>[vector<16xi32>, vector<16xi32>], vector<16xf32>,
          %mul3A_991 = arith.mulf %gather3A_990, %gather3A_986 : vector<16xf32>
          %add3A_992 = arith.addf %add3A_784, %mul3A_991 : vector<16xf32>
          %gather3A_993 = tpu.vector_load_idx %arg7[%add3A_76, %add3A_976] : memref<512x128xf32, #tpu.memory_space<vmem>>[vector<16xi32>, vector<16xi32>], vector<16xf32>,
          %mul3A_994 = arith.mulf %gather3A_993, %gather3A_986 : vector<16xf32>
          %add3A_995 = arith.addf %add3A_787, %mul3A_994 : vector<16xf32>
          %gather3A_996 = tpu.vector_load_idx %arg7[%add3A_83, %add3A_976] : memref<512x128xf32, #tpu.memory_space<vmem>>[vector<16xi32>, vector<16xi32>], vector<16xf32>,
          %mul3A_997 = arith.mulf %gather3A_996, %gather3A_986 : vector<16xf32>
          %add3A_998 = arith.addf %add3A_790, %mul3A_997 : vector<16xf32>
          %add3A_999 = arith.constant 96 : i32
          %add3A_1000 = vector.broadcast %add3A_999 : i32 to vector<16xi32>
          %add3A_1001 = arith.addi %and3A_846, %add3A_1000 : vector<16xi32>
          %lt3A_1002 = arith.constant 0 : i32
          %lt3A_1003 = vector.broadcast %lt3A_1002 : i32 to vector<16xi32>
          %lt3A_1004 = arith.cmpi slt, %and3A_846, %lt3A_1003 : vector<16xi32>
          %add3A_1005 = arith.constant 16 : i32
          %add3A_1006 = vector.broadcast %add3A_1005 : i32 to vector<16xi32>
          %add3A_1007 = arith.addi %and3A_846, %add3A_1006 : vector<16xi32>
          %select_n3A_1008 = arith.select %lt3A_1004, %add3A_1007, %and3A_846 : vector<16xi1>, vector<16xi32>
          %broadcast_in_dim3A_1009 = vector.shape_cast %select_n3A_1008 : vector<16xi32> to vector<16x1xi32>
          %gather3A_1010 = vector.shape_cast %broadcast_in_dim3A_1009 : vector<16x1xi32> to vector<16xi32>
          %gather3A_1011 = tpu.dynamic_gather %get3A_103[%gather3A_1010] in [0] : vector<16xf32>, vector<16xi32> -> vector<16xf32>
          %gather3A_1012 = tpu.vector_load_idx %arg7[%add3A_62, %add3A_1001] : memref<512x128xf32, #tpu.memory_space<vmem>>[vector<16xi32>, vector<16xi32>], vector<16xf32>,
          %mul3A_1013 = arith.mulf %gather3A_1012, %gather3A_1011 : vector<16xf32>
          %add3A_1014 = arith.addf %add3A_806, %mul3A_1013 : vector<16xf32>
          %gather3A_1015 = tpu.vector_load_idx %arg7[%add3A_69, %add3A_1001] : memref<512x128xf32, #tpu.memory_space<vmem>>[vector<16xi32>, vector<16xi32>], vector<16xf32>,
          %mul3A_1016 = arith.mulf %gather3A_1015, %gather3A_1011 : vector<16xf32>
          %add3A_1017 = arith.addf %add3A_809, %mul3A_1016 : vector<16xf32>
          %gather3A_1018 = tpu.vector_load_idx %arg7[%add3A_76, %add3A_1001] : memref<512x128xf32, #tpu.memory_space<vmem>>[vector<16xi32>, vector<16xi32>], vector<16xf32>,
          %mul3A_1019 = arith.mulf %gather3A_1018, %gather3A_1011 : vector<16xf32>
          %add3A_1020 = arith.addf %add3A_812, %mul3A_1019 : vector<16xf32>
          %gather3A_1021 = tpu.vector_load_idx %arg7[%add3A_83, %add3A_1001] : memref<512x128xf32, #tpu.memory_space<vmem>>[vector<16xi32>, vector<16xi32>], vector<16xf32>,
          %mul3A_1022 = arith.mulf %gather3A_1021, %gather3A_1011 : vector<16xf32>
          %add3A_1023 = arith.addf %add3A_815, %mul3A_1022 : vector<16xf32>
          %add3A_1024 = arith.constant 112 : i32
          %add3A_1025 = vector.broadcast %add3A_1024 : i32 to vector<16xi32>
          %add3A_1026 = arith.addi %and3A_846, %add3A_1025 : vector<16xi32>
          %lt3A_1027 = arith.constant 0 : i32
          %lt3A_1028 = vector.broadcast %lt3A_1027 : i32 to vector<16xi32>
          %lt3A_1029 = arith.cmpi slt, %and3A_846, %lt3A_1028 : vector<16xi32>
          %add3A_1030 = arith.constant 16 : i32
          %add3A_1031 = vector.broadcast %add3A_1030 : i32 to vector<16xi32>
          %add3A_1032 = arith.addi %and3A_846, %add3A_1031 : vector<16xi32>
          %select_n3A_1033 = arith.select %lt3A_1029, %add3A_1032, %and3A_846 : vector<16xi1>, vector<16xi32>
          %broadcast_in_dim3A_1034 = vector.shape_cast %select_n3A_1033 : vector<16xi32> to vector<16x1xi32>
          %gather3A_1035 = vector.shape_cast %broadcast_in_dim3A_1034 : vector<16x1xi32> to vector<16xi32>
          %gather3A_1036 = tpu.dynamic_gather %get3A_106[%gather3A_1035] in [0] : vector<16xf32>, vector<16xi32> -> vector<16xf32>
          %gather3A_1037 = tpu.vector_load_idx %arg7[%add3A_62, %add3A_1026] : memref<512x128xf32, #tpu.memory_space<vmem>>[vector<16xi32>, vector<16xi32>], vector<16xf32>,
          %mul3A_1038 = arith.mulf %gather3A_1037, %gather3A_1036 : vector<16xf32>
          %add3A_1039 = arith.addf %add3A_831, %mul3A_1038 : vector<16xf32>
          %gather3A_1040 = tpu.vector_load_idx %arg7[%add3A_69, %add3A_1026] : memref<512x128xf32, #tpu.memory_space<vmem>>[vector<16xi32>, vector<16xi32>], vector<16xf32>,
          %mul3A_1041 = arith.mulf %gather3A_1040, %gather3A_1036 : vector<16xf32>
          %add3A_1042 = arith.addf %add3A_834, %mul3A_1041 : vector<16xf32>
          %gather3A_1043 = tpu.vector_load_idx %arg7[%add3A_76, %add3A_1026] : memref<512x128xf32, #tpu.memory_space<vmem>>[vector<16xi32>, vector<16xi32>], vector<16xf32>,
          %mul3A_1044 = arith.mulf %gather3A_1043, %gather3A_1036 : vector<16xf32>
          %add3A_1045 = arith.addf %add3A_837, %mul3A_1044 : vector<16xf32>
          %gather3A_1046 = tpu.vector_load_idx %arg7[%add3A_83, %add3A_1026] : memref<512x128xf32, #tpu.memory_space<vmem>>[vector<16xi32>, vector<16xi32>], vector<16xf32>,
          %mul3A_1047 = arith.mulf %gather3A_1046, %gather3A_1036 : vector<16xf32>
          %add3A_1048 = arith.addf %add3A_840, %mul3A_1047 : vector<16xf32>
          %add3A_1049 = arith.constant 1 : i32
          %add3A_1050 = vector.broadcast %add3A_1049 : i32 to vector<16xi32>
          %add3A_1051 = arith.addi %and3A_846, %add3A_1050 : vector<16xi32>
          %and3A_1052 = arith.constant 15 : i32
          %and3A_1053 = vector.broadcast %and3A_1052 : i32 to vector<16xi32>
          %and3A_1054 = arith.andi %add3A_1051, %and3A_1053 : vector<16xi32>
          %scan3A_1055 = arith.constant 4 : i32
          %scan3A_1056 = arith.addi %scan3A_194, %scan3A_1055 : i32
          %add3A_1057 = arith.constant 0 : i32
          %add3A_1058 = vector.broadcast %add3A_1057 : i32 to vector<16xi32>
          %add3A_1059 = arith.addi %and3A_1054, %add3A_1058 : vector<16xi32>
          %lt3A_1060 = arith.constant 0 : i32
          %lt3A_1061 = vector.broadcast %lt3A_1060 : i32 to vector<16xi32>
          %lt3A_1062 = arith.cmpi slt, %and3A_1054, %lt3A_1061 : vector<16xi32>
          %add3A_1063 = arith.constant 16 : i32
          %add3A_1064 = vector.broadcast %add3A_1063 : i32 to vector<16xi32>
          %add3A_1065 = arith.addi %and3A_1054, %add3A_1064 : vector<16xi32>
          %select_n3A_1066 = arith.select %lt3A_1062, %add3A_1065, %and3A_1054 : vector<16xi1>, vector<16xi32>
          %broadcast_in_dim3A_1067 = vector.shape_cast %select_n3A_1066 : vector<16xi32> to vector<16x1xi32>
          %gather3A_1068 = vector.shape_cast %broadcast_in_dim3A_1067 : vector<16x1xi32> to vector<16xi32>
          %gather3A_1069 = tpu.dynamic_gather %get3A_85[%gather3A_1068] in [0] : vector<16xf32>, vector<16xi32> -> vector<16xf32>
          %gather3A_1070 = tpu.vector_load_idx %arg7[%add3A_62, %add3A_1059] : memref<512x128xf32, #tpu.memory_space<vmem>>[vector<16xi32>, vector<16xi32>], vector<16xf32>,
          %mul3A_1071 = arith.mulf %gather3A_1070, %gather3A_1069 : vector<16xf32>
          %add3A_1072 = arith.addf %add3A_864, %mul3A_1071 : vector<16xf32>
          %gather3A_1073 = tpu.vector_load_idx %arg7[%add3A_69, %add3A_1059] : memref<512x128xf32, #tpu.memory_space<vmem>>[vector<16xi32>, vector<16xi32>], vector<16xf32>,
          %mul3A_1074 = arith.mulf %gather3A_1073, %gather3A_1069 : vector<16xf32>
          %add3A_1075 = arith.addf %add3A_867, %mul3A_1074 : vector<16xf32>
          %gather3A_1076 = tpu.vector_load_idx %arg7[%add3A_76, %add3A_1059] : memref<512x128xf32, #tpu.memory_space<vmem>>[vector<16xi32>, vector<16xi32>], vector<16xf32>,
          %mul3A_1077 = arith.mulf %gather3A_1076, %gather3A_1069 : vector<16xf32>
          %add3A_1078 = arith.addf %add3A_870, %mul3A_1077 : vector<16xf32>
          %gather3A_1079 = tpu.vector_load_idx %arg7[%add3A_83, %add3A_1059] : memref<512x128xf32, #tpu.memory_space<vmem>>[vector<16xi32>, vector<16xi32>], vector<16xf32>,
          %mul3A_1080 = arith.mulf %gather3A_1079, %gather3A_1069 : vector<16xf32>
          %add3A_1081 = arith.addf %add3A_873, %mul3A_1080 : vector<16xf32>
          %add3A_1082 = arith.constant 16 : i32
          %add3A_1083 = vector.broadcast %add3A_1082 : i32 to vector<16xi32>
          %add3A_1084 = arith.addi %and3A_1054, %add3A_1083 : vector<16xi32>
          %lt3A_1085 = arith.constant 0 : i32
          %lt3A_1086 = vector.broadcast %lt3A_1085 : i32 to vector<16xi32>
          %lt3A_1087 = arith.cmpi slt, %and3A_1054, %lt3A_1086 : vector<16xi32>
          %add3A_1088 = arith.constant 16 : i32
          %add3A_1089 = vector.broadcast %add3A_1088 : i32 to vector<16xi32>
          %add3A_1090 = arith.addi %and3A_1054, %add3A_1089 : vector<16xi32>
          %select_n3A_1091 = arith.select %lt3A_1087, %add3A_1090, %and3A_1054 : vector<16xi1>, vector<16xi32>
          %broadcast_in_dim3A_1092 = vector.shape_cast %select_n3A_1091 : vector<16xi32> to vector<16x1xi32>
          %gather3A_1093 = vector.shape_cast %broadcast_in_dim3A_1092 : vector<16x1xi32> to vector<16xi32>
          %gather3A_1094 = tpu.dynamic_gather %get3A_88[%gather3A_1093] in [0] : vector<16xf32>, vector<16xi32> -> vector<16xf32>
          %gather3A_1095 = tpu.vector_load_idx %arg7[%add3A_62, %add3A_1084] : memref<512x128xf32, #tpu.memory_space<vmem>>[vector<16xi32>, vector<16xi32>], vector<16xf32>,
          %mul3A_1096 = arith.mulf %gather3A_1095, %gather3A_1094 : vector<16xf32>
          %add3A_1097 = arith.addf %add3A_889, %mul3A_1096 : vector<16xf32>
          %gather3A_1098 = tpu.vector_load_idx %arg7[%add3A_69, %add3A_1084] : memref<512x128xf32, #tpu.memory_space<vmem>>[vector<16xi32>, vector<16xi32>], vector<16xf32>,
          %mul3A_1099 = arith.mulf %gather3A_1098, %gather3A_1094 : vector<16xf32>
          %add3A_1100 = arith.addf %add3A_892, %mul3A_1099 : vector<16xf32>
          %gather3A_1101 = tpu.vector_load_idx %arg7[%add3A_76, %add3A_1084] : memref<512x128xf32, #tpu.memory_space<vmem>>[vector<16xi32>, vector<16xi32>], vector<16xf32>,
          %mul3A_1102 = arith.mulf %gather3A_1101, %gather3A_1094 : vector<16xf32>
          %add3A_1103 = arith.addf %add3A_895, %mul3A_1102 : vector<16xf32>
          %gather3A_1104 = tpu.vector_load_idx %arg7[%add3A_83, %add3A_1084] : memref<512x128xf32, #tpu.memory_space<vmem>>[vector<16xi32>, vector<16xi32>], vector<16xf32>,
          %mul3A_1105 = arith.mulf %gather3A_1104, %gather3A_1094 : vector<16xf32>
          %add3A_1106 = arith.addf %add3A_898, %mul3A_1105 : vector<16xf32>
          %add3A_1107 = arith.constant 32 : i32
          %add3A_1108 = vector.broadcast %add3A_1107 : i32 to vector<16xi32>
          %add3A_1109 = arith.addi %and3A_1054, %add3A_1108 : vector<16xi32>
          %lt3A_1110 = arith.constant 0 : i32
          %lt3A_1111 = vector.broadcast %lt3A_1110 : i32 to vector<16xi32>
          %lt3A_1112 = arith.cmpi slt, %and3A_1054, %lt3A_1111 : vector<16xi32>
          %add3A_1113 = arith.constant 16 : i32
          %add3A_1114 = vector.broadcast %add3A_1113 : i32 to vector<16xi32>
          %add3A_1115 = arith.addi %and3A_1054, %add3A_1114 : vector<16xi32>
          %select_n3A_1116 = arith.select %lt3A_1112, %add3A_1115, %and3A_1054 : vector<16xi1>, vector<16xi32>
          %broadcast_in_dim3A_1117 = vector.shape_cast %select_n3A_1116 : vector<16xi32> to vector<16x1xi32>
          %gather3A_1118 = vector.shape_cast %broadcast_in_dim3A_1117 : vector<16x1xi32> to vector<16xi32>
          %gather3A_1119 = tpu.dynamic_gather %get3A_91[%gather3A_1118] in [0] : vector<16xf32>, vector<16xi32> -> vector<16xf32>
          %gather3A_1120 = tpu.vector_load_idx %arg7[%add3A_62, %add3A_1109] : memref<512x128xf32, #tpu.memory_space<vmem>>[vector<16xi32>, vector<16xi32>], vector<16xf32>,
          %mul3A_1121 = arith.mulf %gather3A_1120, %gather3A_1119 : vector<16xf32>
          %add3A_1122 = arith.addf %add3A_914, %mul3A_1121 : vector<16xf32>
          %gather3A_1123 = tpu.vector_load_idx %arg7[%add3A_69, %add3A_1109] : memref<512x128xf32, #tpu.memory_space<vmem>>[vector<16xi32>, vector<16xi32>], vector<16xf32>,
          %mul3A_1124 = arith.mulf %gather3A_1123, %gather3A_1119 : vector<16xf32>
          %add3A_1125 = arith.addf %add3A_917, %mul3A_1124 : vector<16xf32>
          %gather3A_1126 = tpu.vector_load_idx %arg7[%add3A_76, %add3A_1109] : memref<512x128xf32, #tpu.memory_space<vmem>>[vector<16xi32>, vector<16xi32>], vector<16xf32>,
          %mul3A_1127 = arith.mulf %gather3A_1126, %gather3A_1119 : vector<16xf32>
          %add3A_1128 = arith.addf %add3A_920, %mul3A_1127 : vector<16xf32>
          %gather3A_1129 = tpu.vector_load_idx %arg7[%add3A_83, %add3A_1109] : memref<512x128xf32, #tpu.memory_space<vmem>>[vector<16xi32>, vector<16xi32>], vector<16xf32>,
          %mul3A_1130 = arith.mulf %gather3A_1129, %gather3A_1119 : vector<16xf32>
          %add3A_1131 = arith.addf %add3A_923, %mul3A_1130 : vector<16xf32>
          %add3A_1132 = arith.constant 48 : i32
          %add3A_1133 = vector.broadcast %add3A_1132 : i32 to vector<16xi32>
          %add3A_1134 = arith.addi %and3A_1054, %add3A_1133 : vector<16xi32>
          %lt3A_1135 = arith.constant 0 : i32
          %lt3A_1136 = vector.broadcast %lt3A_1135 : i32 to vector<16xi32>
          %lt3A_1137 = arith.cmpi slt, %and3A_1054, %lt3A_1136 : vector<16xi32>
          %add3A_1138 = arith.constant 16 : i32
          %add3A_1139 = vector.broadcast %add3A_1138 : i32 to vector<16xi32>
          %add3A_1140 = arith.addi %and3A_1054, %add3A_1139 : vector<16xi32>
          %select_n3A_1141 = arith.select %lt3A_1137, %add3A_1140, %and3A_1054 : vector<16xi1>, vector<16xi32>
          %broadcast_in_dim3A_1142 = vector.shape_cast %select_n3A_1141 : vector<16xi32> to vector<16x1xi32>
          %gather3A_1143 = vector.shape_cast %broadcast_in_dim3A_1142 : vector<16x1xi32> to vector<16xi32>
          %gather3A_1144 = tpu.dynamic_gather %get3A_94[%gather3A_1143] in [0] : vector<16xf32>, vector<16xi32> -> vector<16xf32>
          %gather3A_1145 = tpu.vector_load_idx %arg7[%add3A_62, %add3A_1134] : memref<512x128xf32, #tpu.memory_space<vmem>>[vector<16xi32>, vector<16xi32>], vector<16xf32>,
          %mul3A_1146 = arith.mulf %gather3A_1145, %gather3A_1144 : vector<16xf32>
          %add3A_1147 = arith.addf %add3A_939, %mul3A_1146 : vector<16xf32>
          %gather3A_1148 = tpu.vector_load_idx %arg7[%add3A_69, %add3A_1134] : memref<512x128xf32, #tpu.memory_space<vmem>>[vector<16xi32>, vector<16xi32>], vector<16xf32>,
          %mul3A_1149 = arith.mulf %gather3A_1148, %gather3A_1144 : vector<16xf32>
          %add3A_1150 = arith.addf %add3A_942, %mul3A_1149 : vector<16xf32>
          %gather3A_1151 = tpu.vector_load_idx %arg7[%add3A_76, %add3A_1134] : memref<512x128xf32, #tpu.memory_space<vmem>>[vector<16xi32>, vector<16xi32>], vector<16xf32>,
          %mul3A_1152 = arith.mulf %gather3A_1151, %gather3A_1144 : vector<16xf32>
          %add3A_1153 = arith.addf %add3A_945, %mul3A_1152 : vector<16xf32>
          %gather3A_1154 = tpu.vector_load_idx %arg7[%add3A_83, %add3A_1134] : memref<512x128xf32, #tpu.memory_space<vmem>>[vector<16xi32>, vector<16xi32>], vector<16xf32>,
          %mul3A_1155 = arith.mulf %gather3A_1154, %gather3A_1144 : vector<16xf32>
          %add3A_1156 = arith.addf %add3A_948, %mul3A_1155 : vector<16xf32>
          %add3A_1157 = arith.constant 64 : i32
          %add3A_1158 = vector.broadcast %add3A_1157 : i32 to vector<16xi32>
          %add3A_1159 = arith.addi %and3A_1054, %add3A_1158 : vector<16xi32>
          %lt3A_1160 = arith.constant 0 : i32
          %lt3A_1161 = vector.broadcast %lt3A_1160 : i32 to vector<16xi32>
          %lt3A_1162 = arith.cmpi slt, %and3A_1054, %lt3A_1161 : vector<16xi32>
          %add3A_1163 = arith.constant 16 : i32
          %add3A_1164 = vector.broadcast %add3A_1163 : i32 to vector<16xi32>
          %add3A_1165 = arith.addi %and3A_1054, %add3A_1164 : vector<16xi32>
          %select_n3A_1166 = arith.select %lt3A_1162, %add3A_1165, %and3A_1054 : vector<16xi1>, vector<16xi32>
          %broadcast_in_dim3A_1167 = vector.shape_cast %select_n3A_1166 : vector<16xi32> to vector<16x1xi32>
          %gather3A_1168 = vector.shape_cast %broadcast_in_dim3A_1167 : vector<16x1xi32> to vector<16xi32>
          %gather3A_1169 = tpu.dynamic_gather %get3A_97[%gather3A_1168] in [0] : vector<16xf32>, vector<16xi32> -> vector<16xf32>
          %gather3A_1170 = tpu.vector_load_idx %arg7[%add3A_62, %add3A_1159] : memref<512x128xf32, #tpu.memory_space<vmem>>[vector<16xi32>, vector<16xi32>], vector<16xf32>,
          %mul3A_1171 = arith.mulf %gather3A_1170, %gather3A_1169 : vector<16xf32>
          %add3A_1172 = arith.addf %add3A_964, %mul3A_1171 : vector<16xf32>
          %gather3A_1173 = tpu.vector_load_idx %arg7[%add3A_69, %add3A_1159] : memref<512x128xf32, #tpu.memory_space<vmem>>[vector<16xi32>, vector<16xi32>], vector<16xf32>,
          %mul3A_1174 = arith.mulf %gather3A_1173, %gather3A_1169 : vector<16xf32>
          %add3A_1175 = arith.addf %add3A_967, %mul3A_1174 : vector<16xf32>
          %gather3A_1176 = tpu.vector_load_idx %arg7[%add3A_76, %add3A_1159] : memref<512x128xf32, #tpu.memory_space<vmem>>[vector<16xi32>, vector<16xi32>], vector<16xf32>,
          %mul3A_1177 = arith.mulf %gather3A_1176, %gather3A_1169 : vector<16xf32>
          %add3A_1178 = arith.addf %add3A_970, %mul3A_1177 : vector<16xf32>
          %gather3A_1179 = tpu.vector_load_idx %arg7[%add3A_83, %add3A_1159] : memref<512x128xf32, #tpu.memory_space<vmem>>[vector<16xi32>, vector<16xi32>], vector<16xf32>,
          %mul3A_1180 = arith.mulf %gather3A_1179, %gather3A_1169 : vector<16xf32>
          %add3A_1181 = arith.addf %add3A_973, %mul3A_1180 : vector<16xf32>
          %add3A_1182 = arith.constant 80 : i32
          %add3A_1183 = vector.broadcast %add3A_1182 : i32 to vector<16xi32>
          %add3A_1184 = arith.addi %and3A_1054, %add3A_1183 : vector<16xi32>
          %lt3A_1185 = arith.constant 0 : i32
          %lt3A_1186 = vector.broadcast %lt3A_1185 : i32 to vector<16xi32>
          %lt3A_1187 = arith.cmpi slt, %and3A_1054, %lt3A_1186 : vector<16xi32>
          %add3A_1188 = arith.constant 16 : i32
          %add3A_1189 = vector.broadcast %add3A_1188 : i32 to vector<16xi32>
          %add3A_1190 = arith.addi %and3A_1054, %add3A_1189 : vector<16xi32>
          %select_n3A_1191 = arith.select %lt3A_1187, %add3A_1190, %and3A_1054 : vector<16xi1>, vector<16xi32>
          %broadcast_in_dim3A_1192 = vector.shape_cast %select_n3A_1191 : vector<16xi32> to vector<16x1xi32>
          %gather3A_1193 = vector.shape_cast %broadcast_in_dim3A_1192 : vector<16x1xi32> to vector<16xi32>
          %gather3A_1194 = tpu.dynamic_gather %get3A_100[%gather3A_1193] in [0] : vector<16xf32>, vector<16xi32> -> vector<16xf32>
          %gather3A_1195 = tpu.vector_load_idx %arg7[%add3A_62, %add3A_1184] : memref<512x128xf32, #tpu.memory_space<vmem>>[vector<16xi32>, vector<16xi32>], vector<16xf32>,
          %mul3A_1196 = arith.mulf %gather3A_1195, %gather3A_1194 : vector<16xf32>
          %add3A_1197 = arith.addf %add3A_989, %mul3A_1196 : vector<16xf32>
          %gather3A_1198 = tpu.vector_load_idx %arg7[%add3A_69, %add3A_1184] : memref<512x128xf32, #tpu.memory_space<vmem>>[vector<16xi32>, vector<16xi32>], vector<16xf32>,
          %mul3A_1199 = arith.mulf %gather3A_1198, %gather3A_1194 : vector<16xf32>
          %add3A_1200 = arith.addf %add3A_992, %mul3A_1199 : vector<16xf32>
          %gather3A_1201 = tpu.vector_load_idx %arg7[%add3A_76, %add3A_1184] : memref<512x128xf32, #tpu.memory_space<vmem>>[vector<16xi32>, vector<16xi32>], vector<16xf32>,
          %mul3A_1202 = arith.mulf %gather3A_1201, %gather3A_1194 : vector<16xf32>
          %add3A_1203 = arith.addf %add3A_995, %mul3A_1202 : vector<16xf32>
          %gather3A_1204 = tpu.vector_load_idx %arg7[%add3A_83, %add3A_1184] : memref<512x128xf32, #tpu.memory_space<vmem>>[vector<16xi32>, vector<16xi32>], vector<16xf32>,
          %mul3A_1205 = arith.mulf %gather3A_1204, %gather3A_1194 : vector<16xf32>
          %add3A_1206 = arith.addf %add3A_998, %mul3A_1205 : vector<16xf32>
          %add3A_1207 = arith.constant 96 : i32
          %add3A_1208 = vector.broadcast %add3A_1207 : i32 to vector<16xi32>
          %add3A_1209 = arith.addi %and3A_1054, %add3A_1208 : vector<16xi32>
          %lt3A_1210 = arith.constant 0 : i32
          %lt3A_1211 = vector.broadcast %lt3A_1210 : i32 to vector<16xi32>
          %lt3A_1212 = arith.cmpi slt, %and3A_1054, %lt3A_1211 : vector<16xi32>
          %add3A_1213 = arith.constant 16 : i32
          %add3A_1214 = vector.broadcast %add3A_1213 : i32 to vector<16xi32>
          %add3A_1215 = arith.addi %and3A_1054, %add3A_1214 : vector<16xi32>
          %select_n3A_1216 = arith.select %lt3A_1212, %add3A_1215, %and3A_1054 : vector<16xi1>, vector<16xi32>
          %broadcast_in_dim3A_1217 = vector.shape_cast %select_n3A_1216 : vector<16xi32> to vector<16x1xi32>
          %gather3A_1218 = vector.shape_cast %broadcast_in_dim3A_1217 : vector<16x1xi32> to vector<16xi32>
          %gather3A_1219 = tpu.dynamic_gather %get3A_103[%gather3A_1218] in [0] : vector<16xf32>, vector<16xi32> -> vector<16xf32>
          %gather3A_1220 = tpu.vector_load_idx %arg7[%add3A_62, %add3A_1209] : memref<512x128xf32, #tpu.memory_space<vmem>>[vector<16xi32>, vector<16xi32>], vector<16xf32>,
          %mul3A_1221 = arith.mulf %gather3A_1220, %gather3A_1219 : vector<16xf32>
          %add3A_1222 = arith.addf %add3A_1014, %mul3A_1221 : vector<16xf32>
          %gather3A_1223 = tpu.vector_load_idx %arg7[%add3A_69, %add3A_1209] : memref<512x128xf32, #tpu.memory_space<vmem>>[vector<16xi32>, vector<16xi32>], vector<16xf32>,
          %mul3A_1224 = arith.mulf %gather3A_1223, %gather3A_1219 : vector<16xf32>
          %add3A_1225 = arith.addf %add3A_1017, %mul3A_1224 : vector<16xf32>
          %gather3A_1226 = tpu.vector_load_idx %arg7[%add3A_76, %add3A_1209] : memref<512x128xf32, #tpu.memory_space<vmem>>[vector<16xi32>, vector<16xi32>], vector<16xf32>,
          %mul3A_1227 = arith.mulf %gather3A_1226, %gather3A_1219 : vector<16xf32>
          %add3A_1228 = arith.addf %add3A_1020, %mul3A_1227 : vector<16xf32>
          %gather3A_1229 = tpu.vector_load_idx %arg7[%add3A_83, %add3A_1209] : memref<512x128xf32, #tpu.memory_space<vmem>>[vector<16xi32>, vector<16xi32>], vector<16xf32>,
          %mul3A_1230 = arith.mulf %gather3A_1229, %gather3A_1219 : vector<16xf32>
          %add3A_1231 = arith.addf %add3A_1023, %mul3A_1230 : vector<16xf32>
          %add3A_1232 = arith.constant 112 : i32
          %add3A_1233 = vector.broadcast %add3A_1232 : i32 to vector<16xi32>
          %add3A_1234 = arith.addi %and3A_1054, %add3A_1233 : vector<16xi32>
          %lt3A_1235 = arith.constant 0 : i32
          %lt3A_1236 = vector.broadcast %lt3A_1235 : i32 to vector<16xi32>
          %lt3A_1237 = arith.cmpi slt, %and3A_1054, %lt3A_1236 : vector<16xi32>
          %add3A_1238 = arith.constant 16 : i32
          %add3A_1239 = vector.broadcast %add3A_1238 : i32 to vector<16xi32>
          %add3A_1240 = arith.addi %and3A_1054, %add3A_1239 : vector<16xi32>
          %select_n3A_1241 = arith.select %lt3A_1237, %add3A_1240, %and3A_1054 : vector<16xi1>, vector<16xi32>
          %broadcast_in_dim3A_1242 = vector.shape_cast %select_n3A_1241 : vector<16xi32> to vector<16x1xi32>
          %gather3A_1243 = vector.shape_cast %broadcast_in_dim3A_1242 : vector<16x1xi32> to vector<16xi32>
          %gather3A_1244 = tpu.dynamic_gather %get3A_106[%gather3A_1243] in [0] : vector<16xf32>, vector<16xi32> -> vector<16xf32>
          %gather3A_1245 = tpu.vector_load_idx %arg7[%add3A_62, %add3A_1234] : memref<512x128xf32, #tpu.memory_space<vmem>>[vector<16xi32>, vector<16xi32>], vector<16xf32>,
          %mul3A_1246 = arith.mulf %gather3A_1245, %gather3A_1244 : vector<16xf32>
          %add3A_1247 = arith.addf %add3A_1039, %mul3A_1246 : vector<16xf32>
          %gather3A_1248 = tpu.vector_load_idx %arg7[%add3A_69, %add3A_1234] : memref<512x128xf32, #tpu.memory_space<vmem>>[vector<16xi32>, vector<16xi32>], vector<16xf32>,
          %mul3A_1249 = arith.mulf %gather3A_1248, %gather3A_1244 : vector<16xf32>
          %add3A_1250 = arith.addf %add3A_1042, %mul3A_1249 : vector<16xf32>
          %gather3A_1251 = tpu.vector_load_idx %arg7[%add3A_76, %add3A_1234] : memref<512x128xf32, #tpu.memory_space<vmem>>[vector<16xi32>, vector<16xi32>], vector<16xf32>,
          %mul3A_1252 = arith.mulf %gather3A_1251, %gather3A_1244 : vector<16xf32>
          %add3A_1253 = arith.addf %add3A_1045, %mul3A_1252 : vector<16xf32>
          %gather3A_1254 = tpu.vector_load_idx %arg7[%add3A_83, %add3A_1234] : memref<512x128xf32, #tpu.memory_space<vmem>>[vector<16xi32>, vector<16xi32>], vector<16xf32>,
          %mul3A_1255 = arith.mulf %gather3A_1254, %gather3A_1244 : vector<16xf32>
          %add3A_1256 = arith.addf %add3A_1048, %mul3A_1255 : vector<16xf32>
          %add3A_1257 = arith.constant 1 : i32
          %add3A_1258 = vector.broadcast %add3A_1257 : i32 to vector<16xi32>
          %add3A_1259 = arith.addi %and3A_1054, %add3A_1258 : vector<16xi32>
          %and3A_1260 = arith.constant 15 : i32
          %and3A_1261 = vector.broadcast %and3A_1260 : i32 to vector<16xi32>
          %and3A_1262 = arith.andi %add3A_1259, %and3A_1261 : vector<16xi32>
          %scan3A_1263 = arith.constant 5 : i32
          %scan3A_1264 = arith.addi %scan3A_194, %scan3A_1263 : i32
          %add3A_1265 = arith.constant 0 : i32
          %add3A_1266 = vector.broadcast %add3A_1265 : i32 to vector<16xi32>
          %add3A_1267 = arith.addi %and3A_1262, %add3A_1266 : vector<16xi32>
          %lt3A_1268 = arith.constant 0 : i32
          %lt3A_1269 = vector.broadcast %lt3A_1268 : i32 to vector<16xi32>
          %lt3A_1270 = arith.cmpi slt, %and3A_1262, %lt3A_1269 : vector<16xi32>
          %add3A_1271 = arith.constant 16 : i32
          %add3A_1272 = vector.broadcast %add3A_1271 : i32 to vector<16xi32>
          %add3A_1273 = arith.addi %and3A_1262, %add3A_1272 : vector<16xi32>
          %select_n3A_1274 = arith.select %lt3A_1270, %add3A_1273, %and3A_1262 : vector<16xi1>, vector<16xi32>
          %broadcast_in_dim3A_1275 = vector.shape_cast %select_n3A_1274 : vector<16xi32> to vector<16x1xi32>
          %gather3A_1276 = vector.shape_cast %broadcast_in_dim3A_1275 : vector<16x1xi32> to vector<16xi32>
          %gather3A_1277 = tpu.dynamic_gather %get3A_85[%gather3A_1276] in [0] : vector<16xf32>, vector<16xi32> -> vector<16xf32>
          %gather3A_1278 = tpu.vector_load_idx %arg7[%add3A_62, %add3A_1267] : memref<512x128xf32, #tpu.memory_space<vmem>>[vector<16xi32>, vector<16xi32>], vector<16xf32>,
          %mul3A_1279 = arith.mulf %gather3A_1278, %gather3A_1277 : vector<16xf32>
          %add3A_1280 = arith.addf %add3A_1072, %mul3A_1279 : vector<16xf32>
          %gather3A_1281 = tpu.vector_load_idx %arg7[%add3A_69, %add3A_1267] : memref<512x128xf32, #tpu.memory_space<vmem>>[vector<16xi32>, vector<16xi32>], vector<16xf32>,
          %mul3A_1282 = arith.mulf %gather3A_1281, %gather3A_1277 : vector<16xf32>
          %add3A_1283 = arith.addf %add3A_1075, %mul3A_1282 : vector<16xf32>
          %gather3A_1284 = tpu.vector_load_idx %arg7[%add3A_76, %add3A_1267] : memref<512x128xf32, #tpu.memory_space<vmem>>[vector<16xi32>, vector<16xi32>], vector<16xf32>,
          %mul3A_1285 = arith.mulf %gather3A_1284, %gather3A_1277 : vector<16xf32>
          %add3A_1286 = arith.addf %add3A_1078, %mul3A_1285 : vector<16xf32>
          %gather3A_1287 = tpu.vector_load_idx %arg7[%add3A_83, %add3A_1267] : memref<512x128xf32, #tpu.memory_space<vmem>>[vector<16xi32>, vector<16xi32>], vector<16xf32>,
          %mul3A_1288 = arith.mulf %gather3A_1287, %gather3A_1277 : vector<16xf32>
          %add3A_1289 = arith.addf %add3A_1081, %mul3A_1288 : vector<16xf32>
          %add3A_1290 = arith.constant 16 : i32
          %add3A_1291 = vector.broadcast %add3A_1290 : i32 to vector<16xi32>
          %add3A_1292 = arith.addi %and3A_1262, %add3A_1291 : vector<16xi32>
          %lt3A_1293 = arith.constant 0 : i32
          %lt3A_1294 = vector.broadcast %lt3A_1293 : i32 to vector<16xi32>
          %lt3A_1295 = arith.cmpi slt, %and3A_1262, %lt3A_1294 : vector<16xi32>
          %add3A_1296 = arith.constant 16 : i32
          %add3A_1297 = vector.broadcast %add3A_1296 : i32 to vector<16xi32>
          %add3A_1298 = arith.addi %and3A_1262, %add3A_1297 : vector<16xi32>
          %select_n3A_1299 = arith.select %lt3A_1295, %add3A_1298, %and3A_1262 : vector<16xi1>, vector<16xi32>
          %broadcast_in_dim3A_1300 = vector.shape_cast %select_n3A_1299 : vector<16xi32> to vector<16x1xi32>
          %gather3A_1301 = vector.shape_cast %broadcast_in_dim3A_1300 : vector<16x1xi32> to vector<16xi32>
          %gather3A_1302 = tpu.dynamic_gather %get3A_88[%gather3A_1301] in [0] : vector<16xf32>, vector<16xi32> -> vector<16xf32>
          %gather3A_1303 = tpu.vector_load_idx %arg7[%add3A_62, %add3A_1292] : memref<512x128xf32, #tpu.memory_space<vmem>>[vector<16xi32>, vector<16xi32>], vector<16xf32>,
          %mul3A_1304 = arith.mulf %gather3A_1303, %gather3A_1302 : vector<16xf32>
          %add3A_1305 = arith.addf %add3A_1097, %mul3A_1304 : vector<16xf32>
          %gather3A_1306 = tpu.vector_load_idx %arg7[%add3A_69, %add3A_1292] : memref<512x128xf32, #tpu.memory_space<vmem>>[vector<16xi32>, vector<16xi32>], vector<16xf32>,
          %mul3A_1307 = arith.mulf %gather3A_1306, %gather3A_1302 : vector<16xf32>
          %add3A_1308 = arith.addf %add3A_1100, %mul3A_1307 : vector<16xf32>
          %gather3A_1309 = tpu.vector_load_idx %arg7[%add3A_76, %add3A_1292] : memref<512x128xf32, #tpu.memory_space<vmem>>[vector<16xi32>, vector<16xi32>], vector<16xf32>,
          %mul3A_1310 = arith.mulf %gather3A_1309, %gather3A_1302 : vector<16xf32>
          %add3A_1311 = arith.addf %add3A_1103, %mul3A_1310 : vector<16xf32>
          %gather3A_1312 = tpu.vector_load_idx %arg7[%add3A_83, %add3A_1292] : memref<512x128xf32, #tpu.memory_space<vmem>>[vector<16xi32>, vector<16xi32>], vector<16xf32>,
          %mul3A_1313 = arith.mulf %gather3A_1312, %gather3A_1302 : vector<16xf32>
          %add3A_1314 = arith.addf %add3A_1106, %mul3A_1313 : vector<16xf32>
          %add3A_1315 = arith.constant 32 : i32
          %add3A_1316 = vector.broadcast %add3A_1315 : i32 to vector<16xi32>
          %add3A_1317 = arith.addi %and3A_1262, %add3A_1316 : vector<16xi32>
          %lt3A_1318 = arith.constant 0 : i32
          %lt3A_1319 = vector.broadcast %lt3A_1318 : i32 to vector<16xi32>
          %lt3A_1320 = arith.cmpi slt, %and3A_1262, %lt3A_1319 : vector<16xi32>
          %add3A_1321 = arith.constant 16 : i32
          %add3A_1322 = vector.broadcast %add3A_1321 : i32 to vector<16xi32>
          %add3A_1323 = arith.addi %and3A_1262, %add3A_1322 : vector<16xi32>
          %select_n3A_1324 = arith.select %lt3A_1320, %add3A_1323, %and3A_1262 : vector<16xi1>, vector<16xi32>
          %broadcast_in_dim3A_1325 = vector.shape_cast %select_n3A_1324 : vector<16xi32> to vector<16x1xi32>
          %gather3A_1326 = vector.shape_cast %broadcast_in_dim3A_1325 : vector<16x1xi32> to vector<16xi32>
          %gather3A_1327 = tpu.dynamic_gather %get3A_91[%gather3A_1326] in [0] : vector<16xf32>, vector<16xi32> -> vector<16xf32>
          %gather3A_1328 = tpu.vector_load_idx %arg7[%add3A_62, %add3A_1317] : memref<512x128xf32, #tpu.memory_space<vmem>>[vector<16xi32>, vector<16xi32>], vector<16xf32>,
          %mul3A_1329 = arith.mulf %gather3A_1328, %gather3A_1327 : vector<16xf32>
          %add3A_1330 = arith.addf %add3A_1122, %mul3A_1329 : vector<16xf32>
          %gather3A_1331 = tpu.vector_load_idx %arg7[%add3A_69, %add3A_1317] : memref<512x128xf32, #tpu.memory_space<vmem>>[vector<16xi32>, vector<16xi32>], vector<16xf32>,
          %mul3A_1332 = arith.mulf %gather3A_1331, %gather3A_1327 : vector<16xf32>
          %add3A_1333 = arith.addf %add3A_1125, %mul3A_1332 : vector<16xf32>
          %gather3A_1334 = tpu.vector_load_idx %arg7[%add3A_76, %add3A_1317] : memref<512x128xf32, #tpu.memory_space<vmem>>[vector<16xi32>, vector<16xi32>], vector<16xf32>,
          %mul3A_1335 = arith.mulf %gather3A_1334, %gather3A_1327 : vector<16xf32>
          %add3A_1336 = arith.addf %add3A_1128, %mul3A_1335 : vector<16xf32>
          %gather3A_1337 = tpu.vector_load_idx %arg7[%add3A_83, %add3A_1317] : memref<512x128xf32, #tpu.memory_space<vmem>>[vector<16xi32>, vector<16xi32>], vector<16xf32>,
          %mul3A_1338 = arith.mulf %gather3A_1337, %gather3A_1327 : vector<16xf32>
          %add3A_1339 = arith.addf %add3A_1131, %mul3A_1338 : vector<16xf32>
          %add3A_1340 = arith.constant 48 : i32
          %add3A_1341 = vector.broadcast %add3A_1340 : i32 to vector<16xi32>
          %add3A_1342 = arith.addi %and3A_1262, %add3A_1341 : vector<16xi32>
          %lt3A_1343 = arith.constant 0 : i32
          %lt3A_1344 = vector.broadcast %lt3A_1343 : i32 to vector<16xi32>
          %lt3A_1345 = arith.cmpi slt, %and3A_1262, %lt3A_1344 : vector<16xi32>
          %add3A_1346 = arith.constant 16 : i32
          %add3A_1347 = vector.broadcast %add3A_1346 : i32 to vector<16xi32>
          %add3A_1348 = arith.addi %and3A_1262, %add3A_1347 : vector<16xi32>
          %select_n3A_1349 = arith.select %lt3A_1345, %add3A_1348, %and3A_1262 : vector<16xi1>, vector<16xi32>
          %broadcast_in_dim3A_1350 = vector.shape_cast %select_n3A_1349 : vector<16xi32> to vector<16x1xi32>
          %gather3A_1351 = vector.shape_cast %broadcast_in_dim3A_1350 : vector<16x1xi32> to vector<16xi32>
          %gather3A_1352 = tpu.dynamic_gather %get3A_94[%gather3A_1351] in [0] : vector<16xf32>, vector<16xi32> -> vector<16xf32>
          %gather3A_1353 = tpu.vector_load_idx %arg7[%add3A_62, %add3A_1342] : memref<512x128xf32, #tpu.memory_space<vmem>>[vector<16xi32>, vector<16xi32>], vector<16xf32>,
          %mul3A_1354 = arith.mulf %gather3A_1353, %gather3A_1352 : vector<16xf32>
          %add3A_1355 = arith.addf %add3A_1147, %mul3A_1354 : vector<16xf32>
          %gather3A_1356 = tpu.vector_load_idx %arg7[%add3A_69, %add3A_1342] : memref<512x128xf32, #tpu.memory_space<vmem>>[vector<16xi32>, vector<16xi32>], vector<16xf32>,
          %mul3A_1357 = arith.mulf %gather3A_1356, %gather3A_1352 : vector<16xf32>
          %add3A_1358 = arith.addf %add3A_1150, %mul3A_1357 : vector<16xf32>
          %gather3A_1359 = tpu.vector_load_idx %arg7[%add3A_76, %add3A_1342] : memref<512x128xf32, #tpu.memory_space<vmem>>[vector<16xi32>, vector<16xi32>], vector<16xf32>,
          %mul3A_1360 = arith.mulf %gather3A_1359, %gather3A_1352 : vector<16xf32>
          %add3A_1361 = arith.addf %add3A_1153, %mul3A_1360 : vector<16xf32>
          %gather3A_1362 = tpu.vector_load_idx %arg7[%add3A_83, %add3A_1342] : memref<512x128xf32, #tpu.memory_space<vmem>>[vector<16xi32>, vector<16xi32>], vector<16xf32>,
          %mul3A_1363 = arith.mulf %gather3A_1362, %gather3A_1352 : vector<16xf32>
          %add3A_1364 = arith.addf %add3A_1156, %mul3A_1363 : vector<16xf32>
          %add3A_1365 = arith.constant 64 : i32
          %add3A_1366 = vector.broadcast %add3A_1365 : i32 to vector<16xi32>
          %add3A_1367 = arith.addi %and3A_1262, %add3A_1366 : vector<16xi32>
          %lt3A_1368 = arith.constant 0 : i32
          %lt3A_1369 = vector.broadcast %lt3A_1368 : i32 to vector<16xi32>
          %lt3A_1370 = arith.cmpi slt, %and3A_1262, %lt3A_1369 : vector<16xi32>
          %add3A_1371 = arith.constant 16 : i32
          %add3A_1372 = vector.broadcast %add3A_1371 : i32 to vector<16xi32>
          %add3A_1373 = arith.addi %and3A_1262, %add3A_1372 : vector<16xi32>
          %select_n3A_1374 = arith.select %lt3A_1370, %add3A_1373, %and3A_1262 : vector<16xi1>, vector<16xi32>
          %broadcast_in_dim3A_1375 = vector.shape_cast %select_n3A_1374 : vector<16xi32> to vector<16x1xi32>
          %gather3A_1376 = vector.shape_cast %broadcast_in_dim3A_1375 : vector<16x1xi32> to vector<16xi32>
          %gather3A_1377 = tpu.dynamic_gather %get3A_97[%gather3A_1376] in [0] : vector<16xf32>, vector<16xi32> -> vector<16xf32>
          %gather3A_1378 = tpu.vector_load_idx %arg7[%add3A_62, %add3A_1367] : memref<512x128xf32, #tpu.memory_space<vmem>>[vector<16xi32>, vector<16xi32>], vector<16xf32>,
          %mul3A_1379 = arith.mulf %gather3A_1378, %gather3A_1377 : vector<16xf32>
          %add3A_1380 = arith.addf %add3A_1172, %mul3A_1379 : vector<16xf32>
          %gather3A_1381 = tpu.vector_load_idx %arg7[%add3A_69, %add3A_1367] : memref<512x128xf32, #tpu.memory_space<vmem>>[vector<16xi32>, vector<16xi32>], vector<16xf32>,
          %mul3A_1382 = arith.mulf %gather3A_1381, %gather3A_1377 : vector<16xf32>
          %add3A_1383 = arith.addf %add3A_1175, %mul3A_1382 : vector<16xf32>
          %gather3A_1384 = tpu.vector_load_idx %arg7[%add3A_76, %add3A_1367] : memref<512x128xf32, #tpu.memory_space<vmem>>[vector<16xi32>, vector<16xi32>], vector<16xf32>,
          %mul3A_1385 = arith.mulf %gather3A_1384, %gather3A_1377 : vector<16xf32>
          %add3A_1386 = arith.addf %add3A_1178, %mul3A_1385 : vector<16xf32>
          %gather3A_1387 = tpu.vector_load_idx %arg7[%add3A_83, %add3A_1367] : memref<512x128xf32, #tpu.memory_space<vmem>>[vector<16xi32>, vector<16xi32>], vector<16xf32>,
          %mul3A_1388 = arith.mulf %gather3A_1387, %gather3A_1377 : vector<16xf32>
          %add3A_1389 = arith.addf %add3A_1181, %mul3A_1388 : vector<16xf32>
          %add3A_1390 = arith.constant 80 : i32
          %add3A_1391 = vector.broadcast %add3A_1390 : i32 to vector<16xi32>
          %add3A_1392 = arith.addi %and3A_1262, %add3A_1391 : vector<16xi32>
          %lt3A_1393 = arith.constant 0 : i32
          %lt3A_1394 = vector.broadcast %lt3A_1393 : i32 to vector<16xi32>
          %lt3A_1395 = arith.cmpi slt, %and3A_1262, %lt3A_1394 : vector<16xi32>
          %add3A_1396 = arith.constant 16 : i32
          %add3A_1397 = vector.broadcast %add3A_1396 : i32 to vector<16xi32>
          %add3A_1398 = arith.addi %and3A_1262, %add3A_1397 : vector<16xi32>
          %select_n3A_1399 = arith.select %lt3A_1395, %add3A_1398, %and3A_1262 : vector<16xi1>, vector<16xi32>
          %broadcast_in_dim3A_1400 = vector.shape_cast %select_n3A_1399 : vector<16xi32> to vector<16x1xi32>
          %gather3A_1401 = vector.shape_cast %broadcast_in_dim3A_1400 : vector<16x1xi32> to vector<16xi32>
          %gather3A_1402 = tpu.dynamic_gather %get3A_100[%gather3A_1401] in [0] : vector<16xf32>, vector<16xi32> -> vector<16xf32>
          %gather3A_1403 = tpu.vector_load_idx %arg7[%add3A_62, %add3A_1392] : memref<512x128xf32, #tpu.memory_space<vmem>>[vector<16xi32>, vector<16xi32>], vector<16xf32>,
          %mul3A_1404 = arith.mulf %gather3A_1403, %gather3A_1402 : vector<16xf32>
          %add3A_1405 = arith.addf %add3A_1197, %mul3A_1404 : vector<16xf32>
          %gather3A_1406 = tpu.vector_load_idx %arg7[%add3A_69, %add3A_1392] : memref<512x128xf32, #tpu.memory_space<vmem>>[vector<16xi32>, vector<16xi32>], vector<16xf32>,
          %mul3A_1407 = arith.mulf %gather3A_1406, %gather3A_1402 : vector<16xf32>
          %add3A_1408 = arith.addf %add3A_1200, %mul3A_1407 : vector<16xf32>
          %gather3A_1409 = tpu.vector_load_idx %arg7[%add3A_76, %add3A_1392] : memref<512x128xf32, #tpu.memory_space<vmem>>[vector<16xi32>, vector<16xi32>], vector<16xf32>,
          %mul3A_1410 = arith.mulf %gather3A_1409, %gather3A_1402 : vector<16xf32>
          %add3A_1411 = arith.addf %add3A_1203, %mul3A_1410 : vector<16xf32>
          %gather3A_1412 = tpu.vector_load_idx %arg7[%add3A_83, %add3A_1392] : memref<512x128xf32, #tpu.memory_space<vmem>>[vector<16xi32>, vector<16xi32>], vector<16xf32>,
          %mul3A_1413 = arith.mulf %gather3A_1412, %gather3A_1402 : vector<16xf32>
          %add3A_1414 = arith.addf %add3A_1206, %mul3A_1413 : vector<16xf32>
          %add3A_1415 = arith.constant 96 : i32
          %add3A_1416 = vector.broadcast %add3A_1415 : i32 to vector<16xi32>
          %add3A_1417 = arith.addi %and3A_1262, %add3A_1416 : vector<16xi32>
          %lt3A_1418 = arith.constant 0 : i32
          %lt3A_1419 = vector.broadcast %lt3A_1418 : i32 to vector<16xi32>
          %lt3A_1420 = arith.cmpi slt, %and3A_1262, %lt3A_1419 : vector<16xi32>
          %add3A_1421 = arith.constant 16 : i32
          %add3A_1422 = vector.broadcast %add3A_1421 : i32 to vector<16xi32>
          %add3A_1423 = arith.addi %and3A_1262, %add3A_1422 : vector<16xi32>
          %select_n3A_1424 = arith.select %lt3A_1420, %add3A_1423, %and3A_1262 : vector<16xi1>, vector<16xi32>
          %broadcast_in_dim3A_1425 = vector.shape_cast %select_n3A_1424 : vector<16xi32> to vector<16x1xi32>
          %gather3A_1426 = vector.shape_cast %broadcast_in_dim3A_1425 : vector<16x1xi32> to vector<16xi32>
          %gather3A_1427 = tpu.dynamic_gather %get3A_103[%gather3A_1426] in [0] : vector<16xf32>, vector<16xi32> -> vector<16xf32>
          %gather3A_1428 = tpu.vector_load_idx %arg7[%add3A_62, %add3A_1417] : memref<512x128xf32, #tpu.memory_space<vmem>>[vector<16xi32>, vector<16xi32>], vector<16xf32>,
          %mul3A_1429 = arith.mulf %gather3A_1428, %gather3A_1427 : vector<16xf32>
          %add3A_1430 = arith.addf %add3A_1222, %mul3A_1429 : vector<16xf32>
          %gather3A_1431 = tpu.vector_load_idx %arg7[%add3A_69, %add3A_1417] : memref<512x128xf32, #tpu.memory_space<vmem>>[vector<16xi32>, vector<16xi32>], vector<16xf32>,
          %mul3A_1432 = arith.mulf %gather3A_1431, %gather3A_1427 : vector<16xf32>
          %add3A_1433 = arith.addf %add3A_1225, %mul3A_1432 : vector<16xf32>
          %gather3A_1434 = tpu.vector_load_idx %arg7[%add3A_76, %add3A_1417] : memref<512x128xf32, #tpu.memory_space<vmem>>[vector<16xi32>, vector<16xi32>], vector<16xf32>,
          %mul3A_1435 = arith.mulf %gather3A_1434, %gather3A_1427 : vector<16xf32>
          %add3A_1436 = arith.addf %add3A_1228, %mul3A_1435 : vector<16xf32>
          %gather3A_1437 = tpu.vector_load_idx %arg7[%add3A_83, %add3A_1417] : memref<512x128xf32, #tpu.memory_space<vmem>>[vector<16xi32>, vector<16xi32>], vector<16xf32>,
          %mul3A_1438 = arith.mulf %gather3A_1437, %gather3A_1427 : vector<16xf32>
          %add3A_1439 = arith.addf %add3A_1231, %mul3A_1438 : vector<16xf32>
          %add3A_1440 = arith.constant 112 : i32
          %add3A_1441 = vector.broadcast %add3A_1440 : i32 to vector<16xi32>
          %add3A_1442 = arith.addi %and3A_1262, %add3A_1441 : vector<16xi32>
          %lt3A_1443 = arith.constant 0 : i32
          %lt3A_1444 = vector.broadcast %lt3A_1443 : i32 to vector<16xi32>
          %lt3A_1445 = arith.cmpi slt, %and3A_1262, %lt3A_1444 : vector<16xi32>
          %add3A_1446 = arith.constant 16 : i32
          %add3A_1447 = vector.broadcast %add3A_1446 : i32 to vector<16xi32>
          %add3A_1448 = arith.addi %and3A_1262, %add3A_1447 : vector<16xi32>
          %select_n3A_1449 = arith.select %lt3A_1445, %add3A_1448, %and3A_1262 : vector<16xi1>, vector<16xi32>
          %broadcast_in_dim3A_1450 = vector.shape_cast %select_n3A_1449 : vector<16xi32> to vector<16x1xi32>
          %gather3A_1451 = vector.shape_cast %broadcast_in_dim3A_1450 : vector<16x1xi32> to vector<16xi32>
          %gather3A_1452 = tpu.dynamic_gather %get3A_106[%gather3A_1451] in [0] : vector<16xf32>, vector<16xi32> -> vector<16xf32>
          %gather3A_1453 = tpu.vector_load_idx %arg7[%add3A_62, %add3A_1442] : memref<512x128xf32, #tpu.memory_space<vmem>>[vector<16xi32>, vector<16xi32>], vector<16xf32>,
          %mul3A_1454 = arith.mulf %gather3A_1453, %gather3A_1452 : vector<16xf32>
          %add3A_1455 = arith.addf %add3A_1247, %mul3A_1454 : vector<16xf32>
          %gather3A_1456 = tpu.vector_load_idx %arg7[%add3A_69, %add3A_1442] : memref<512x128xf32, #tpu.memory_space<vmem>>[vector<16xi32>, vector<16xi32>], vector<16xf32>,
          %mul3A_1457 = arith.mulf %gather3A_1456, %gather3A_1452 : vector<16xf32>
          %add3A_1458 = arith.addf %add3A_1250, %mul3A_1457 : vector<16xf32>
          %gather3A_1459 = tpu.vector_load_idx %arg7[%add3A_76, %add3A_1442] : memref<512x128xf32, #tpu.memory_space<vmem>>[vector<16xi32>, vector<16xi32>], vector<16xf32>,
          %mul3A_1460 = arith.mulf %gather3A_1459, %gather3A_1452 : vector<16xf32>
          %add3A_1461 = arith.addf %add3A_1253, %mul3A_1460 : vector<16xf32>
          %gather3A_1462 = tpu.vector_load_idx %arg7[%add3A_83, %add3A_1442] : memref<512x128xf32, #tpu.memory_space<vmem>>[vector<16xi32>, vector<16xi32>], vector<16xf32>,
          %mul3A_1463 = arith.mulf %gather3A_1462, %gather3A_1452 : vector<16xf32>
          %add3A_1464 = arith.addf %add3A_1256, %mul3A_1463 : vector<16xf32>
          %add3A_1465 = arith.constant 1 : i32
          %add3A_1466 = vector.broadcast %add3A_1465 : i32 to vector<16xi32>
          %add3A_1467 = arith.addi %and3A_1262, %add3A_1466 : vector<16xi32>
          %and3A_1468 = arith.constant 15 : i32
          %and3A_1469 = vector.broadcast %and3A_1468 : i32 to vector<16xi32>
          %and3A_1470 = arith.andi %add3A_1467, %and3A_1469 : vector<16xi32>
          %scan3A_1471 = arith.constant 6 : i32
          %scan3A_1472 = arith.addi %scan3A_194, %scan3A_1471 : i32
          %add3A_1473 = arith.constant 0 : i32
          %add3A_1474 = vector.broadcast %add3A_1473 : i32 to vector<16xi32>
          %add3A_1475 = arith.addi %and3A_1470, %add3A_1474 : vector<16xi32>
          %lt3A_1476 = arith.constant 0 : i32
          %lt3A_1477 = vector.broadcast %lt3A_1476 : i32 to vector<16xi32>
          %lt3A_1478 = arith.cmpi slt, %and3A_1470, %lt3A_1477 : vector<16xi32>
          %add3A_1479 = arith.constant 16 : i32
          %add3A_1480 = vector.broadcast %add3A_1479 : i32 to vector<16xi32>
          %add3A_1481 = arith.addi %and3A_1470, %add3A_1480 : vector<16xi32>
          %select_n3A_1482 = arith.select %lt3A_1478, %add3A_1481, %and3A_1470 : vector<16xi1>, vector<16xi32>
          %broadcast_in_dim3A_1483 = vector.shape_cast %select_n3A_1482 : vector<16xi32> to vector<16x1xi32>
          %gather3A_1484 = vector.shape_cast %broadcast_in_dim3A_1483 : vector<16x1xi32> to vector<16xi32>
          %gather3A_1485 = tpu.dynamic_gather %get3A_85[%gather3A_1484] in [0] : vector<16xf32>, vector<16xi32> -> vector<16xf32>
          %gather3A_1486 = tpu.vector_load_idx %arg7[%add3A_62, %add3A_1475] : memref<512x128xf32, #tpu.memory_space<vmem>>[vector<16xi32>, vector<16xi32>], vector<16xf32>,
          %mul3A_1487 = arith.mulf %gather3A_1486, %gather3A_1485 : vector<16xf32>
          %add3A_1488 = arith.addf %add3A_1280, %mul3A_1487 : vector<16xf32>
          %gather3A_1489 = tpu.vector_load_idx %arg7[%add3A_69, %add3A_1475] : memref<512x128xf32, #tpu.memory_space<vmem>>[vector<16xi32>, vector<16xi32>], vector<16xf32>,
          %mul3A_1490 = arith.mulf %gather3A_1489, %gather3A_1485 : vector<16xf32>
          %add3A_1491 = arith.addf %add3A_1283, %mul3A_1490 : vector<16xf32>
          %gather3A_1492 = tpu.vector_load_idx %arg7[%add3A_76, %add3A_1475] : memref<512x128xf32, #tpu.memory_space<vmem>>[vector<16xi32>, vector<16xi32>], vector<16xf32>,
          %mul3A_1493 = arith.mulf %gather3A_1492, %gather3A_1485 : vector<16xf32>
          %add3A_1494 = arith.addf %add3A_1286, %mul3A_1493 : vector<16xf32>
          %gather3A_1495 = tpu.vector_load_idx %arg7[%add3A_83, %add3A_1475] : memref<512x128xf32, #tpu.memory_space<vmem>>[vector<16xi32>, vector<16xi32>], vector<16xf32>,
          %mul3A_1496 = arith.mulf %gather3A_1495, %gather3A_1485 : vector<16xf32>
          %add3A_1497 = arith.addf %add3A_1289, %mul3A_1496 : vector<16xf32>
          %add3A_1498 = arith.constant 16 : i32
          %add3A_1499 = vector.broadcast %add3A_1498 : i32 to vector<16xi32>
          %add3A_1500 = arith.addi %and3A_1470, %add3A_1499 : vector<16xi32>
          %lt3A_1501 = arith.constant 0 : i32
          %lt3A_1502 = vector.broadcast %lt3A_1501 : i32 to vector<16xi32>
          %lt3A_1503 = arith.cmpi slt, %and3A_1470, %lt3A_1502 : vector<16xi32>
          %add3A_1504 = arith.constant 16 : i32
          %add3A_1505 = vector.broadcast %add3A_1504 : i32 to vector<16xi32>
          %add3A_1506 = arith.addi %and3A_1470, %add3A_1505 : vector<16xi32>
          %select_n3A_1507 = arith.select %lt3A_1503, %add3A_1506, %and3A_1470 : vector<16xi1>, vector<16xi32>
          %broadcast_in_dim3A_1508 = vector.shape_cast %select_n3A_1507 : vector<16xi32> to vector<16x1xi32>
          %gather3A_1509 = vector.shape_cast %broadcast_in_dim3A_1508 : vector<16x1xi32> to vector<16xi32>
          %gather3A_1510 = tpu.dynamic_gather %get3A_88[%gather3A_1509] in [0] : vector<16xf32>, vector<16xi32> -> vector<16xf32>
          %gather3A_1511 = tpu.vector_load_idx %arg7[%add3A_62, %add3A_1500] : memref<512x128xf32, #tpu.memory_space<vmem>>[vector<16xi32>, vector<16xi32>], vector<16xf32>,
          %mul3A_1512 = arith.mulf %gather3A_1511, %gather3A_1510 : vector<16xf32>
          %add3A_1513 = arith.addf %add3A_1305, %mul3A_1512 : vector<16xf32>
          %gather3A_1514 = tpu.vector_load_idx %arg7[%add3A_69, %add3A_1500] : memref<512x128xf32, #tpu.memory_space<vmem>>[vector<16xi32>, vector<16xi32>], vector<16xf32>,
          %mul3A_1515 = arith.mulf %gather3A_1514, %gather3A_1510 : vector<16xf32>
          %add3A_1516 = arith.addf %add3A_1308, %mul3A_1515 : vector<16xf32>
          %gather3A_1517 = tpu.vector_load_idx %arg7[%add3A_76, %add3A_1500] : memref<512x128xf32, #tpu.memory_space<vmem>>[vector<16xi32>, vector<16xi32>], vector<16xf32>,
          %mul3A_1518 = arith.mulf %gather3A_1517, %gather3A_1510 : vector<16xf32>
          %add3A_1519 = arith.addf %add3A_1311, %mul3A_1518 : vector<16xf32>
          %gather3A_1520 = tpu.vector_load_idx %arg7[%add3A_83, %add3A_1500] : memref<512x128xf32, #tpu.memory_space<vmem>>[vector<16xi32>, vector<16xi32>], vector<16xf32>,
          %mul3A_1521 = arith.mulf %gather3A_1520, %gather3A_1510 : vector<16xf32>
          %add3A_1522 = arith.addf %add3A_1314, %mul3A_1521 : vector<16xf32>
          %add3A_1523 = arith.constant 32 : i32
          %add3A_1524 = vector.broadcast %add3A_1523 : i32 to vector<16xi32>
          %add3A_1525 = arith.addi %and3A_1470, %add3A_1524 : vector<16xi32>
          %lt3A_1526 = arith.constant 0 : i32
          %lt3A_1527 = vector.broadcast %lt3A_1526 : i32 to vector<16xi32>
          %lt3A_1528 = arith.cmpi slt, %and3A_1470, %lt3A_1527 : vector<16xi32>
          %add3A_1529 = arith.constant 16 : i32
          %add3A_1530 = vector.broadcast %add3A_1529 : i32 to vector<16xi32>
          %add3A_1531 = arith.addi %and3A_1470, %add3A_1530 : vector<16xi32>
          %select_n3A_1532 = arith.select %lt3A_1528, %add3A_1531, %and3A_1470 : vector<16xi1>, vector<16xi32>
          %broadcast_in_dim3A_1533 = vector.shape_cast %select_n3A_1532 : vector<16xi32> to vector<16x1xi32>
          %gather3A_1534 = vector.shape_cast %broadcast_in_dim3A_1533 : vector<16x1xi32> to vector<16xi32>
          %gather3A_1535 = tpu.dynamic_gather %get3A_91[%gather3A_1534] in [0] : vector<16xf32>, vector<16xi32> -> vector<16xf32>
          %gather3A_1536 = tpu.vector_load_idx %arg7[%add3A_62, %add3A_1525] : memref<512x128xf32, #tpu.memory_space<vmem>>[vector<16xi32>, vector<16xi32>], vector<16xf32>,
          %mul3A_1537 = arith.mulf %gather3A_1536, %gather3A_1535 : vector<16xf32>
          %add3A_1538 = arith.addf %add3A_1330, %mul3A_1537 : vector<16xf32>
          %gather3A_1539 = tpu.vector_load_idx %arg7[%add3A_69, %add3A_1525] : memref<512x128xf32, #tpu.memory_space<vmem>>[vector<16xi32>, vector<16xi32>], vector<16xf32>,
          %mul3A_1540 = arith.mulf %gather3A_1539, %gather3A_1535 : vector<16xf32>
          %add3A_1541 = arith.addf %add3A_1333, %mul3A_1540 : vector<16xf32>
          %gather3A_1542 = tpu.vector_load_idx %arg7[%add3A_76, %add3A_1525] : memref<512x128xf32, #tpu.memory_space<vmem>>[vector<16xi32>, vector<16xi32>], vector<16xf32>,
          %mul3A_1543 = arith.mulf %gather3A_1542, %gather3A_1535 : vector<16xf32>
          %add3A_1544 = arith.addf %add3A_1336, %mul3A_1543 : vector<16xf32>
          %gather3A_1545 = tpu.vector_load_idx %arg7[%add3A_83, %add3A_1525] : memref<512x128xf32, #tpu.memory_space<vmem>>[vector<16xi32>, vector<16xi32>], vector<16xf32>,
          %mul3A_1546 = arith.mulf %gather3A_1545, %gather3A_1535 : vector<16xf32>
          %add3A_1547 = arith.addf %add3A_1339, %mul3A_1546 : vector<16xf32>
          %add3A_1548 = arith.constant 48 : i32
          %add3A_1549 = vector.broadcast %add3A_1548 : i32 to vector<16xi32>
          %add3A_1550 = arith.addi %and3A_1470, %add3A_1549 : vector<16xi32>
          %lt3A_1551 = arith.constant 0 : i32
          %lt3A_1552 = vector.broadcast %lt3A_1551 : i32 to vector<16xi32>
          %lt3A_1553 = arith.cmpi slt, %and3A_1470, %lt3A_1552 : vector<16xi32>
          %add3A_1554 = arith.constant 16 : i32
          %add3A_1555 = vector.broadcast %add3A_1554 : i32 to vector<16xi32>
          %add3A_1556 = arith.addi %and3A_1470, %add3A_1555 : vector<16xi32>
          %select_n3A_1557 = arith.select %lt3A_1553, %add3A_1556, %and3A_1470 : vector<16xi1>, vector<16xi32>
          %broadcast_in_dim3A_1558 = vector.shape_cast %select_n3A_1557 : vector<16xi32> to vector<16x1xi32>
          %gather3A_1559 = vector.shape_cast %broadcast_in_dim3A_1558 : vector<16x1xi32> to vector<16xi32>
          %gather3A_1560 = tpu.dynamic_gather %get3A_94[%gather3A_1559] in [0] : vector<16xf32>, vector<16xi32> -> vector<16xf32>
          %gather3A_1561 = tpu.vector_load_idx %arg7[%add3A_62, %add3A_1550] : memref<512x128xf32, #tpu.memory_space<vmem>>[vector<16xi32>, vector<16xi32>], vector<16xf32>,
          %mul3A_1562 = arith.mulf %gather3A_1561, %gather3A_1560 : vector<16xf32>
          %add3A_1563 = arith.addf %add3A_1355, %mul3A_1562 : vector<16xf32>
          %gather3A_1564 = tpu.vector_load_idx %arg7[%add3A_69, %add3A_1550] : memref<512x128xf32, #tpu.memory_space<vmem>>[vector<16xi32>, vector<16xi32>], vector<16xf32>,
          %mul3A_1565 = arith.mulf %gather3A_1564, %gather3A_1560 : vector<16xf32>
          %add3A_1566 = arith.addf %add3A_1358, %mul3A_1565 : vector<16xf32>
          %gather3A_1567 = tpu.vector_load_idx %arg7[%add3A_76, %add3A_1550] : memref<512x128xf32, #tpu.memory_space<vmem>>[vector<16xi32>, vector<16xi32>], vector<16xf32>,
          %mul3A_1568 = arith.mulf %gather3A_1567, %gather3A_1560 : vector<16xf32>
          %add3A_1569 = arith.addf %add3A_1361, %mul3A_1568 : vector<16xf32>
          %gather3A_1570 = tpu.vector_load_idx %arg7[%add3A_83, %add3A_1550] : memref<512x128xf32, #tpu.memory_space<vmem>>[vector<16xi32>, vector<16xi32>], vector<16xf32>,
          %mul3A_1571 = arith.mulf %gather3A_1570, %gather3A_1560 : vector<16xf32>
          %add3A_1572 = arith.addf %add3A_1364, %mul3A_1571 : vector<16xf32>
          %add3A_1573 = arith.constant 64 : i32
          %add3A_1574 = vector.broadcast %add3A_1573 : i32 to vector<16xi32>
          %add3A_1575 = arith.addi %and3A_1470, %add3A_1574 : vector<16xi32>
          %lt3A_1576 = arith.constant 0 : i32
          %lt3A_1577 = vector.broadcast %lt3A_1576 : i32 to vector<16xi32>
          %lt3A_1578 = arith.cmpi slt, %and3A_1470, %lt3A_1577 : vector<16xi32>
          %add3A_1579 = arith.constant 16 : i32
          %add3A_1580 = vector.broadcast %add3A_1579 : i32 to vector<16xi32>
          %add3A_1581 = arith.addi %and3A_1470, %add3A_1580 : vector<16xi32>
          %select_n3A_1582 = arith.select %lt3A_1578, %add3A_1581, %and3A_1470 : vector<16xi1>, vector<16xi32>
          %broadcast_in_dim3A_1583 = vector.shape_cast %select_n3A_1582 : vector<16xi32> to vector<16x1xi32>
          %gather3A_1584 = vector.shape_cast %broadcast_in_dim3A_1583 : vector<16x1xi32> to vector<16xi32>
          %gather3A_1585 = tpu.dynamic_gather %get3A_97[%gather3A_1584] in [0] : vector<16xf32>, vector<16xi32> -> vector<16xf32>
          %gather3A_1586 = tpu.vector_load_idx %arg7[%add3A_62, %add3A_1575] : memref<512x128xf32, #tpu.memory_space<vmem>>[vector<16xi32>, vector<16xi32>], vector<16xf32>,
          %mul3A_1587 = arith.mulf %gather3A_1586, %gather3A_1585 : vector<16xf32>
          %add3A_1588 = arith.addf %add3A_1380, %mul3A_1587 : vector<16xf32>
          %gather3A_1589 = tpu.vector_load_idx %arg7[%add3A_69, %add3A_1575] : memref<512x128xf32, #tpu.memory_space<vmem>>[vector<16xi32>, vector<16xi32>], vector<16xf32>,
          %mul3A_1590 = arith.mulf %gather3A_1589, %gather3A_1585 : vector<16xf32>
          %add3A_1591 = arith.addf %add3A_1383, %mul3A_1590 : vector<16xf32>
          %gather3A_1592 = tpu.vector_load_idx %arg7[%add3A_76, %add3A_1575] : memref<512x128xf32, #tpu.memory_space<vmem>>[vector<16xi32>, vector<16xi32>], vector<16xf32>,
          %mul3A_1593 = arith.mulf %gather3A_1592, %gather3A_1585 : vector<16xf32>
          %add3A_1594 = arith.addf %add3A_1386, %mul3A_1593 : vector<16xf32>
          %gather3A_1595 = tpu.vector_load_idx %arg7[%add3A_83, %add3A_1575] : memref<512x128xf32, #tpu.memory_space<vmem>>[vector<16xi32>, vector<16xi32>], vector<16xf32>,
          %mul3A_1596 = arith.mulf %gather3A_1595, %gather3A_1585 : vector<16xf32>
          %add3A_1597 = arith.addf %add3A_1389, %mul3A_1596 : vector<16xf32>
          %add3A_1598 = arith.constant 80 : i32
          %add3A_1599 = vector.broadcast %add3A_1598 : i32 to vector<16xi32>
          %add3A_1600 = arith.addi %and3A_1470, %add3A_1599 : vector<16xi32>
          %lt3A_1601 = arith.constant 0 : i32
          %lt3A_1602 = vector.broadcast %lt3A_1601 : i32 to vector<16xi32>
          %lt3A_1603 = arith.cmpi slt, %and3A_1470, %lt3A_1602 : vector<16xi32>
          %add3A_1604 = arith.constant 16 : i32
          %add3A_1605 = vector.broadcast %add3A_1604 : i32 to vector<16xi32>
          %add3A_1606 = arith.addi %and3A_1470, %add3A_1605 : vector<16xi32>
          %select_n3A_1607 = arith.select %lt3A_1603, %add3A_1606, %and3A_1470 : vector<16xi1>, vector<16xi32>
          %broadcast_in_dim3A_1608 = vector.shape_cast %select_n3A_1607 : vector<16xi32> to vector<16x1xi32>
          %gather3A_1609 = vector.shape_cast %broadcast_in_dim3A_1608 : vector<16x1xi32> to vector<16xi32>
          %gather3A_1610 = tpu.dynamic_gather %get3A_100[%gather3A_1609] in [0] : vector<16xf32>, vector<16xi32> -> vector<16xf32>
          %gather3A_1611 = tpu.vector_load_idx %arg7[%add3A_62, %add3A_1600] : memref<512x128xf32, #tpu.memory_space<vmem>>[vector<16xi32>, vector<16xi32>], vector<16xf32>,
          %mul3A_1612 = arith.mulf %gather3A_1611, %gather3A_1610 : vector<16xf32>
          %add3A_1613 = arith.addf %add3A_1405, %mul3A_1612 : vector<16xf32>
          %gather3A_1614 = tpu.vector_load_idx %arg7[%add3A_69, %add3A_1600] : memref<512x128xf32, #tpu.memory_space<vmem>>[vector<16xi32>, vector<16xi32>], vector<16xf32>,
          %mul3A_1615 = arith.mulf %gather3A_1614, %gather3A_1610 : vector<16xf32>
          %add3A_1616 = arith.addf %add3A_1408, %mul3A_1615 : vector<16xf32>
          %gather3A_1617 = tpu.vector_load_idx %arg7[%add3A_76, %add3A_1600] : memref<512x128xf32, #tpu.memory_space<vmem>>[vector<16xi32>, vector<16xi32>], vector<16xf32>,
          %mul3A_1618 = arith.mulf %gather3A_1617, %gather3A_1610 : vector<16xf32>
          %add3A_1619 = arith.addf %add3A_1411, %mul3A_1618 : vector<16xf32>
          %gather3A_1620 = tpu.vector_load_idx %arg7[%add3A_83, %add3A_1600] : memref<512x128xf32, #tpu.memory_space<vmem>>[vector<16xi32>, vector<16xi32>], vector<16xf32>,
          %mul3A_1621 = arith.mulf %gather3A_1620, %gather3A_1610 : vector<16xf32>
          %add3A_1622 = arith.addf %add3A_1414, %mul3A_1621 : vector<16xf32>
          %add3A_1623 = arith.constant 96 : i32
          %add3A_1624 = vector.broadcast %add3A_1623 : i32 to vector<16xi32>
          %add3A_1625 = arith.addi %and3A_1470, %add3A_1624 : vector<16xi32>
          %lt3A_1626 = arith.constant 0 : i32
          %lt3A_1627 = vector.broadcast %lt3A_1626 : i32 to vector<16xi32>
          %lt3A_1628 = arith.cmpi slt, %and3A_1470, %lt3A_1627 : vector<16xi32>
          %add3A_1629 = arith.constant 16 : i32
          %add3A_1630 = vector.broadcast %add3A_1629 : i32 to vector<16xi32>
          %add3A_1631 = arith.addi %and3A_1470, %add3A_1630 : vector<16xi32>
          %select_n3A_1632 = arith.select %lt3A_1628, %add3A_1631, %and3A_1470 : vector<16xi1>, vector<16xi32>
          %broadcast_in_dim3A_1633 = vector.shape_cast %select_n3A_1632 : vector<16xi32> to vector<16x1xi32>
          %gather3A_1634 = vector.shape_cast %broadcast_in_dim3A_1633 : vector<16x1xi32> to vector<16xi32>
          %gather3A_1635 = tpu.dynamic_gather %get3A_103[%gather3A_1634] in [0] : vector<16xf32>, vector<16xi32> -> vector<16xf32>
          %gather3A_1636 = tpu.vector_load_idx %arg7[%add3A_62, %add3A_1625] : memref<512x128xf32, #tpu.memory_space<vmem>>[vector<16xi32>, vector<16xi32>], vector<16xf32>,
          %mul3A_1637 = arith.mulf %gather3A_1636, %gather3A_1635 : vector<16xf32>
          %add3A_1638 = arith.addf %add3A_1430, %mul3A_1637 : vector<16xf32>
          %gather3A_1639 = tpu.vector_load_idx %arg7[%add3A_69, %add3A_1625] : memref<512x128xf32, #tpu.memory_space<vmem>>[vector<16xi32>, vector<16xi32>], vector<16xf32>,
          %mul3A_1640 = arith.mulf %gather3A_1639, %gather3A_1635 : vector<16xf32>
          %add3A_1641 = arith.addf %add3A_1433, %mul3A_1640 : vector<16xf32>
          %gather3A_1642 = tpu.vector_load_idx %arg7[%add3A_76, %add3A_1625] : memref<512x128xf32, #tpu.memory_space<vmem>>[vector<16xi32>, vector<16xi32>], vector<16xf32>,
          %mul3A_1643 = arith.mulf %gather3A_1642, %gather3A_1635 : vector<16xf32>
          %add3A_1644 = arith.addf %add3A_1436, %mul3A_1643 : vector<16xf32>
          %gather3A_1645 = tpu.vector_load_idx %arg7[%add3A_83, %add3A_1625] : memref<512x128xf32, #tpu.memory_space<vmem>>[vector<16xi32>, vector<16xi32>], vector<16xf32>,
          %mul3A_1646 = arith.mulf %gather3A_1645, %gather3A_1635 : vector<16xf32>
          %add3A_1647 = arith.addf %add3A_1439, %mul3A_1646 : vector<16xf32>
          %add3A_1648 = arith.constant 112 : i32
          %add3A_1649 = vector.broadcast %add3A_1648 : i32 to vector<16xi32>
          %add3A_1650 = arith.addi %and3A_1470, %add3A_1649 : vector<16xi32>
          %lt3A_1651 = arith.constant 0 : i32
          %lt3A_1652 = vector.broadcast %lt3A_1651 : i32 to vector<16xi32>
          %lt3A_1653 = arith.cmpi slt, %and3A_1470, %lt3A_1652 : vector<16xi32>
          %add3A_1654 = arith.constant 16 : i32
          %add3A_1655 = vector.broadcast %add3A_1654 : i32 to vector<16xi32>
          %add3A_1656 = arith.addi %and3A_1470, %add3A_1655 : vector<16xi32>
          %select_n3A_1657 = arith.select %lt3A_1653, %add3A_1656, %and3A_1470 : vector<16xi1>, vector<16xi32>
          %broadcast_in_dim3A_1658 = vector.shape_cast %select_n3A_1657 : vector<16xi32> to vector<16x1xi32>
          %gather3A_1659 = vector.shape_cast %broadcast_in_dim3A_1658 : vector<16x1xi32> to vector<16xi32>
          %gather3A_1660 = tpu.dynamic_gather %get3A_106[%gather3A_1659] in [0] : vector<16xf32>, vector<16xi32> -> vector<16xf32>
          %gather3A_1661 = tpu.vector_load_idx %arg7[%add3A_62, %add3A_1650] : memref<512x128xf32, #tpu.memory_space<vmem>>[vector<16xi32>, vector<16xi32>], vector<16xf32>,
          %mul3A_1662 = arith.mulf %gather3A_1661, %gather3A_1660 : vector<16xf32>
          %add3A_1663 = arith.addf %add3A_1455, %mul3A_1662 : vector<16xf32>
          %gather3A_1664 = tpu.vector_load_idx %arg7[%add3A_69, %add3A_1650] : memref<512x128xf32, #tpu.memory_space<vmem>>[vector<16xi32>, vector<16xi32>], vector<16xf32>,
          %mul3A_1665 = arith.mulf %gather3A_1664, %gather3A_1660 : vector<16xf32>
          %add3A_1666 = arith.addf %add3A_1458, %mul3A_1665 : vector<16xf32>
          %gather3A_1667 = tpu.vector_load_idx %arg7[%add3A_76, %add3A_1650] : memref<512x128xf32, #tpu.memory_space<vmem>>[vector<16xi32>, vector<16xi32>], vector<16xf32>,
          %mul3A_1668 = arith.mulf %gather3A_1667, %gather3A_1660 : vector<16xf32>
          %add3A_1669 = arith.addf %add3A_1461, %mul3A_1668 : vector<16xf32>
          %gather3A_1670 = tpu.vector_load_idx %arg7[%add3A_83, %add3A_1650] : memref<512x128xf32, #tpu.memory_space<vmem>>[vector<16xi32>, vector<16xi32>], vector<16xf32>,
          %mul3A_1671 = arith.mulf %gather3A_1670, %gather3A_1660 : vector<16xf32>
          %add3A_1672 = arith.addf %add3A_1464, %mul3A_1671 : vector<16xf32>
          %add3A_1673 = arith.constant 1 : i32
          %add3A_1674 = vector.broadcast %add3A_1673 : i32 to vector<16xi32>
          %add3A_1675 = arith.addi %and3A_1470, %add3A_1674 : vector<16xi32>
          %and3A_1676 = arith.constant 15 : i32
          %and3A_1677 = vector.broadcast %and3A_1676 : i32 to vector<16xi32>
          %and3A_1678 = arith.andi %add3A_1675, %and3A_1677 : vector<16xi32>
          %scan3A_1679 = arith.constant 7 : i32
          %scan3A_1680 = arith.addi %scan3A_194, %scan3A_1679 : i32
          %add3A_1681 = arith.constant 0 : i32
          %add3A_1682 = vector.broadcast %add3A_1681 : i32 to vector<16xi32>
          %add3A_1683 = arith.addi %and3A_1678, %add3A_1682 : vector<16xi32>
          %lt3A_1684 = arith.constant 0 : i32
          %lt3A_1685 = vector.broadcast %lt3A_1684 : i32 to vector<16xi32>
          %lt3A_1686 = arith.cmpi slt, %and3A_1678, %lt3A_1685 : vector<16xi32>
          %add3A_1687 = arith.constant 16 : i32
          %add3A_1688 = vector.broadcast %add3A_1687 : i32 to vector<16xi32>
          %add3A_1689 = arith.addi %and3A_1678, %add3A_1688 : vector<16xi32>
          %select_n3A_1690 = arith.select %lt3A_1686, %add3A_1689, %and3A_1678 : vector<16xi1>, vector<16xi32>
          %broadcast_in_dim3A_1691 = vector.shape_cast %select_n3A_1690 : vector<16xi32> to vector<16x1xi32>
          %gather3A_1692 = vector.shape_cast %broadcast_in_dim3A_1691 : vector<16x1xi32> to vector<16xi32>
          %gather3A_1693 = tpu.dynamic_gather %get3A_85[%gather3A_1692] in [0] : vector<16xf32>, vector<16xi32> -> vector<16xf32>
          %gather3A_1694 = tpu.vector_load_idx %arg7[%add3A_62, %add3A_1683] : memref<512x128xf32, #tpu.memory_space<vmem>>[vector<16xi32>, vector<16xi32>], vector<16xf32>,
          %mul3A_1695 = arith.mulf %gather3A_1694, %gather3A_1693 : vector<16xf32>
          %add3A_1696 = arith.addf %add3A_1488, %mul3A_1695 : vector<16xf32>
          %gather3A_1697 = tpu.vector_load_idx %arg7[%add3A_69, %add3A_1683] : memref<512x128xf32, #tpu.memory_space<vmem>>[vector<16xi32>, vector<16xi32>], vector<16xf32>,
          %mul3A_1698 = arith.mulf %gather3A_1697, %gather3A_1693 : vector<16xf32>
          %add3A_1699 = arith.addf %add3A_1491, %mul3A_1698 : vector<16xf32>
          %gather3A_1700 = tpu.vector_load_idx %arg7[%add3A_76, %add3A_1683] : memref<512x128xf32, #tpu.memory_space<vmem>>[vector<16xi32>, vector<16xi32>], vector<16xf32>,
          %mul3A_1701 = arith.mulf %gather3A_1700, %gather3A_1693 : vector<16xf32>
          %add3A_1702 = arith.addf %add3A_1494, %mul3A_1701 : vector<16xf32>
          %gather3A_1703 = tpu.vector_load_idx %arg7[%add3A_83, %add3A_1683] : memref<512x128xf32, #tpu.memory_space<vmem>>[vector<16xi32>, vector<16xi32>], vector<16xf32>,
          %mul3A_1704 = arith.mulf %gather3A_1703, %gather3A_1693 : vector<16xf32>
          %add3A_1705 = arith.addf %add3A_1497, %mul3A_1704 : vector<16xf32>
          %add3A_1706 = arith.constant 16 : i32
          %add3A_1707 = vector.broadcast %add3A_1706 : i32 to vector<16xi32>
          %add3A_1708 = arith.addi %and3A_1678, %add3A_1707 : vector<16xi32>
          %lt3A_1709 = arith.constant 0 : i32
          %lt3A_1710 = vector.broadcast %lt3A_1709 : i32 to vector<16xi32>
          %lt3A_1711 = arith.cmpi slt, %and3A_1678, %lt3A_1710 : vector<16xi32>
          %add3A_1712 = arith.constant 16 : i32
          %add3A_1713 = vector.broadcast %add3A_1712 : i32 to vector<16xi32>
          %add3A_1714 = arith.addi %and3A_1678, %add3A_1713 : vector<16xi32>
          %select_n3A_1715 = arith.select %lt3A_1711, %add3A_1714, %and3A_1678 : vector<16xi1>, vector<16xi32>
          %broadcast_in_dim3A_1716 = vector.shape_cast %select_n3A_1715 : vector<16xi32> to vector<16x1xi32>
          %gather3A_1717 = vector.shape_cast %broadcast_in_dim3A_1716 : vector<16x1xi32> to vector<16xi32>
          %gather3A_1718 = tpu.dynamic_gather %get3A_88[%gather3A_1717] in [0] : vector<16xf32>, vector<16xi32> -> vector<16xf32>
          %gather3A_1719 = tpu.vector_load_idx %arg7[%add3A_62, %add3A_1708] : memref<512x128xf32, #tpu.memory_space<vmem>>[vector<16xi32>, vector<16xi32>], vector<16xf32>,
          %mul3A_1720 = arith.mulf %gather3A_1719, %gather3A_1718 : vector<16xf32>
          %add3A_1721 = arith.addf %add3A_1513, %mul3A_1720 : vector<16xf32>
          %gather3A_1722 = tpu.vector_load_idx %arg7[%add3A_69, %add3A_1708] : memref<512x128xf32, #tpu.memory_space<vmem>>[vector<16xi32>, vector<16xi32>], vector<16xf32>,
          %mul3A_1723 = arith.mulf %gather3A_1722, %gather3A_1718 : vector<16xf32>
          %add3A_1724 = arith.addf %add3A_1516, %mul3A_1723 : vector<16xf32>
          %gather3A_1725 = tpu.vector_load_idx %arg7[%add3A_76, %add3A_1708] : memref<512x128xf32, #tpu.memory_space<vmem>>[vector<16xi32>, vector<16xi32>], vector<16xf32>,
          %mul3A_1726 = arith.mulf %gather3A_1725, %gather3A_1718 : vector<16xf32>
          %add3A_1727 = arith.addf %add3A_1519, %mul3A_1726 : vector<16xf32>
          %gather3A_1728 = tpu.vector_load_idx %arg7[%add3A_83, %add3A_1708] : memref<512x128xf32, #tpu.memory_space<vmem>>[vector<16xi32>, vector<16xi32>], vector<16xf32>,
          %mul3A_1729 = arith.mulf %gather3A_1728, %gather3A_1718 : vector<16xf32>
          %add3A_1730 = arith.addf %add3A_1522, %mul3A_1729 : vector<16xf32>
          %add3A_1731 = arith.constant 32 : i32
          %add3A_1732 = vector.broadcast %add3A_1731 : i32 to vector<16xi32>
          %add3A_1733 = arith.addi %and3A_1678, %add3A_1732 : vector<16xi32>
          %lt3A_1734 = arith.constant 0 : i32
          %lt3A_1735 = vector.broadcast %lt3A_1734 : i32 to vector<16xi32>
          %lt3A_1736 = arith.cmpi slt, %and3A_1678, %lt3A_1735 : vector<16xi32>
          %add3A_1737 = arith.constant 16 : i32
          %add3A_1738 = vector.broadcast %add3A_1737 : i32 to vector<16xi32>
          %add3A_1739 = arith.addi %and3A_1678, %add3A_1738 : vector<16xi32>
          %select_n3A_1740 = arith.select %lt3A_1736, %add3A_1739, %and3A_1678 : vector<16xi1>, vector<16xi32>
          %broadcast_in_dim3A_1741 = vector.shape_cast %select_n3A_1740 : vector<16xi32> to vector<16x1xi32>
          %gather3A_1742 = vector.shape_cast %broadcast_in_dim3A_1741 : vector<16x1xi32> to vector<16xi32>
          %gather3A_1743 = tpu.dynamic_gather %get3A_91[%gather3A_1742] in [0] : vector<16xf32>, vector<16xi32> -> vector<16xf32>
          %gather3A_1744 = tpu.vector_load_idx %arg7[%add3A_62, %add3A_1733] : memref<512x128xf32, #tpu.memory_space<vmem>>[vector<16xi32>, vector<16xi32>], vector<16xf32>,
          %mul3A_1745 = arith.mulf %gather3A_1744, %gather3A_1743 : vector<16xf32>
          %add3A_1746 = arith.addf %add3A_1538, %mul3A_1745 : vector<16xf32>
          %gather3A_1747 = tpu.vector_load_idx %arg7[%add3A_69, %add3A_1733] : memref<512x128xf32, #tpu.memory_space<vmem>>[vector<16xi32>, vector<16xi32>], vector<16xf32>,
          %mul3A_1748 = arith.mulf %gather3A_1747, %gather3A_1743 : vector<16xf32>
          %add3A_1749 = arith.addf %add3A_1541, %mul3A_1748 : vector<16xf32>
          %gather3A_1750 = tpu.vector_load_idx %arg7[%add3A_76, %add3A_1733] : memref<512x128xf32, #tpu.memory_space<vmem>>[vector<16xi32>, vector<16xi32>], vector<16xf32>,
          %mul3A_1751 = arith.mulf %gather3A_1750, %gather3A_1743 : vector<16xf32>
          %add3A_1752 = arith.addf %add3A_1544, %mul3A_1751 : vector<16xf32>
          %gather3A_1753 = tpu.vector_load_idx %arg7[%add3A_83, %add3A_1733] : memref<512x128xf32, #tpu.memory_space<vmem>>[vector<16xi32>, vector<16xi32>], vector<16xf32>,
          %mul3A_1754 = arith.mulf %gather3A_1753, %gather3A_1743 : vector<16xf32>
          %add3A_1755 = arith.addf %add3A_1547, %mul3A_1754 : vector<16xf32>
          %add3A_1756 = arith.constant 48 : i32
          %add3A_1757 = vector.broadcast %add3A_1756 : i32 to vector<16xi32>
          %add3A_1758 = arith.addi %and3A_1678, %add3A_1757 : vector<16xi32>
          %lt3A_1759 = arith.constant 0 : i32
          %lt3A_1760 = vector.broadcast %lt3A_1759 : i32 to vector<16xi32>
          %lt3A_1761 = arith.cmpi slt, %and3A_1678, %lt3A_1760 : vector<16xi32>
          %add3A_1762 = arith.constant 16 : i32
          %add3A_1763 = vector.broadcast %add3A_1762 : i32 to vector<16xi32>
          %add3A_1764 = arith.addi %and3A_1678, %add3A_1763 : vector<16xi32>
          %select_n3A_1765 = arith.select %lt3A_1761, %add3A_1764, %and3A_1678 : vector<16xi1>, vector<16xi32>
          %broadcast_in_dim3A_1766 = vector.shape_cast %select_n3A_1765 : vector<16xi32> to vector<16x1xi32>
          %gather3A_1767 = vector.shape_cast %broadcast_in_dim3A_1766 : vector<16x1xi32> to vector<16xi32>
          %gather3A_1768 = tpu.dynamic_gather %get3A_94[%gather3A_1767] in [0] : vector<16xf32>, vector<16xi32> -> vector<16xf32>
          %gather3A_1769 = tpu.vector_load_idx %arg7[%add3A_62, %add3A_1758] : memref<512x128xf32, #tpu.memory_space<vmem>>[vector<16xi32>, vector<16xi32>], vector<16xf32>,
          %mul3A_1770 = arith.mulf %gather3A_1769, %gather3A_1768 : vector<16xf32>
          %add3A_1771 = arith.addf %add3A_1563, %mul3A_1770 : vector<16xf32>
          %gather3A_1772 = tpu.vector_load_idx %arg7[%add3A_69, %add3A_1758] : memref<512x128xf32, #tpu.memory_space<vmem>>[vector<16xi32>, vector<16xi32>], vector<16xf32>,
          %mul3A_1773 = arith.mulf %gather3A_1772, %gather3A_1768 : vector<16xf32>
          %add3A_1774 = arith.addf %add3A_1566, %mul3A_1773 : vector<16xf32>
          %gather3A_1775 = tpu.vector_load_idx %arg7[%add3A_76, %add3A_1758] : memref<512x128xf32, #tpu.memory_space<vmem>>[vector<16xi32>, vector<16xi32>], vector<16xf32>,
          %mul3A_1776 = arith.mulf %gather3A_1775, %gather3A_1768 : vector<16xf32>
          %add3A_1777 = arith.addf %add3A_1569, %mul3A_1776 : vector<16xf32>
          %gather3A_1778 = tpu.vector_load_idx %arg7[%add3A_83, %add3A_1758] : memref<512x128xf32, #tpu.memory_space<vmem>>[vector<16xi32>, vector<16xi32>], vector<16xf32>,
          %mul3A_1779 = arith.mulf %gather3A_1778, %gather3A_1768 : vector<16xf32>
          %add3A_1780 = arith.addf %add3A_1572, %mul3A_1779 : vector<16xf32>
          %add3A_1781 = arith.constant 64 : i32
          %add3A_1782 = vector.broadcast %add3A_1781 : i32 to vector<16xi32>
          %add3A_1783 = arith.addi %and3A_1678, %add3A_1782 : vector<16xi32>
          %lt3A_1784 = arith.constant 0 : i32
          %lt3A_1785 = vector.broadcast %lt3A_1784 : i32 to vector<16xi32>
          %lt3A_1786 = arith.cmpi slt, %and3A_1678, %lt3A_1785 : vector<16xi32>
          %add3A_1787 = arith.constant 16 : i32
          %add3A_1788 = vector.broadcast %add3A_1787 : i32 to vector<16xi32>
          %add3A_1789 = arith.addi %and3A_1678, %add3A_1788 : vector<16xi32>
          %select_n3A_1790 = arith.select %lt3A_1786, %add3A_1789, %and3A_1678 : vector<16xi1>, vector<16xi32>
          %broadcast_in_dim3A_1791 = vector.shape_cast %select_n3A_1790 : vector<16xi32> to vector<16x1xi32>
          %gather3A_1792 = vector.shape_cast %broadcast_in_dim3A_1791 : vector<16x1xi32> to vector<16xi32>
          %gather3A_1793 = tpu.dynamic_gather %get3A_97[%gather3A_1792] in [0] : vector<16xf32>, vector<16xi32> -> vector<16xf32>
          %gather3A_1794 = tpu.vector_load_idx %arg7[%add3A_62, %add3A_1783] : memref<512x128xf32, #tpu.memory_space<vmem>>[vector<16xi32>, vector<16xi32>], vector<16xf32>,
          %mul3A_1795 = arith.mulf %gather3A_1794, %gather3A_1793 : vector<16xf32>
          %add3A_1796 = arith.addf %add3A_1588, %mul3A_1795 : vector<16xf32>
          %gather3A_1797 = tpu.vector_load_idx %arg7[%add3A_69, %add3A_1783] : memref<512x128xf32, #tpu.memory_space<vmem>>[vector<16xi32>, vector<16xi32>], vector<16xf32>,
          %mul3A_1798 = arith.mulf %gather3A_1797, %gather3A_1793 : vector<16xf32>
          %add3A_1799 = arith.addf %add3A_1591, %mul3A_1798 : vector<16xf32>
          %gather3A_1800 = tpu.vector_load_idx %arg7[%add3A_76, %add3A_1783] : memref<512x128xf32, #tpu.memory_space<vmem>>[vector<16xi32>, vector<16xi32>], vector<16xf32>,
          %mul3A_1801 = arith.mulf %gather3A_1800, %gather3A_1793 : vector<16xf32>
          %add3A_1802 = arith.addf %add3A_1594, %mul3A_1801 : vector<16xf32>
          %gather3A_1803 = tpu.vector_load_idx %arg7[%add3A_83, %add3A_1783] : memref<512x128xf32, #tpu.memory_space<vmem>>[vector<16xi32>, vector<16xi32>], vector<16xf32>,
          %mul3A_1804 = arith.mulf %gather3A_1803, %gather3A_1793 : vector<16xf32>
          %add3A_1805 = arith.addf %add3A_1597, %mul3A_1804 : vector<16xf32>
          %add3A_1806 = arith.constant 80 : i32
          %add3A_1807 = vector.broadcast %add3A_1806 : i32 to vector<16xi32>
          %add3A_1808 = arith.addi %and3A_1678, %add3A_1807 : vector<16xi32>
          %lt3A_1809 = arith.constant 0 : i32
          %lt3A_1810 = vector.broadcast %lt3A_1809 : i32 to vector<16xi32>
          %lt3A_1811 = arith.cmpi slt, %and3A_1678, %lt3A_1810 : vector<16xi32>
          %add3A_1812 = arith.constant 16 : i32
          %add3A_1813 = vector.broadcast %add3A_1812 : i32 to vector<16xi32>
          %add3A_1814 = arith.addi %and3A_1678, %add3A_1813 : vector<16xi32>
          %select_n3A_1815 = arith.select %lt3A_1811, %add3A_1814, %and3A_1678 : vector<16xi1>, vector<16xi32>
          %broadcast_in_dim3A_1816 = vector.shape_cast %select_n3A_1815 : vector<16xi32> to vector<16x1xi32>
          %gather3A_1817 = vector.shape_cast %broadcast_in_dim3A_1816 : vector<16x1xi32> to vector<16xi32>
          %gather3A_1818 = tpu.dynamic_gather %get3A_100[%gather3A_1817] in [0] : vector<16xf32>, vector<16xi32> -> vector<16xf32>
          %gather3A_1819 = tpu.vector_load_idx %arg7[%add3A_62, %add3A_1808] : memref<512x128xf32, #tpu.memory_space<vmem>>[vector<16xi32>, vector<16xi32>], vector<16xf32>,
          %mul3A_1820 = arith.mulf %gather3A_1819, %gather3A_1818 : vector<16xf32>
          %add3A_1821 = arith.addf %add3A_1613, %mul3A_1820 : vector<16xf32>
          %gather3A_1822 = tpu.vector_load_idx %arg7[%add3A_69, %add3A_1808] : memref<512x128xf32, #tpu.memory_space<vmem>>[vector<16xi32>, vector<16xi32>], vector<16xf32>,
          %mul3A_1823 = arith.mulf %gather3A_1822, %gather3A_1818 : vector<16xf32>
          %add3A_1824 = arith.addf %add3A_1616, %mul3A_1823 : vector<16xf32>
          %gather3A_1825 = tpu.vector_load_idx %arg7[%add3A_76, %add3A_1808] : memref<512x128xf32, #tpu.memory_space<vmem>>[vector<16xi32>, vector<16xi32>], vector<16xf32>,
          %mul3A_1826 = arith.mulf %gather3A_1825, %gather3A_1818 : vector<16xf32>
          %add3A_1827 = arith.addf %add3A_1619, %mul3A_1826 : vector<16xf32>
          %gather3A_1828 = tpu.vector_load_idx %arg7[%add3A_83, %add3A_1808] : memref<512x128xf32, #tpu.memory_space<vmem>>[vector<16xi32>, vector<16xi32>], vector<16xf32>,
          %mul3A_1829 = arith.mulf %gather3A_1828, %gather3A_1818 : vector<16xf32>
          %add3A_1830 = arith.addf %add3A_1622, %mul3A_1829 : vector<16xf32>
          %add3A_1831 = arith.constant 96 : i32
          %add3A_1832 = vector.broadcast %add3A_1831 : i32 to vector<16xi32>
          %add3A_1833 = arith.addi %and3A_1678, %add3A_1832 : vector<16xi32>
          %lt3A_1834 = arith.constant 0 : i32
          %lt3A_1835 = vector.broadcast %lt3A_1834 : i32 to vector<16xi32>
          %lt3A_1836 = arith.cmpi slt, %and3A_1678, %lt3A_1835 : vector<16xi32>
          %add3A_1837 = arith.constant 16 : i32
          %add3A_1838 = vector.broadcast %add3A_1837 : i32 to vector<16xi32>
          %add3A_1839 = arith.addi %and3A_1678, %add3A_1838 : vector<16xi32>
          %select_n3A_1840 = arith.select %lt3A_1836, %add3A_1839, %and3A_1678 : vector<16xi1>, vector<16xi32>
          %broadcast_in_dim3A_1841 = vector.shape_cast %select_n3A_1840 : vector<16xi32> to vector<16x1xi32>
          %gather3A_1842 = vector.shape_cast %broadcast_in_dim3A_1841 : vector<16x1xi32> to vector<16xi32>
          %gather3A_1843 = tpu.dynamic_gather %get3A_103[%gather3A_1842] in [0] : vector<16xf32>, vector<16xi32> -> vector<16xf32>
          %gather3A_1844 = tpu.vector_load_idx %arg7[%add3A_62, %add3A_1833] : memref<512x128xf32, #tpu.memory_space<vmem>>[vector<16xi32>, vector<16xi32>], vector<16xf32>,
          %mul3A_1845 = arith.mulf %gather3A_1844, %gather3A_1843 : vector<16xf32>
          %add3A_1846 = arith.addf %add3A_1638, %mul3A_1845 : vector<16xf32>
          %gather3A_1847 = tpu.vector_load_idx %arg7[%add3A_69, %add3A_1833] : memref<512x128xf32, #tpu.memory_space<vmem>>[vector<16xi32>, vector<16xi32>], vector<16xf32>,
          %mul3A_1848 = arith.mulf %gather3A_1847, %gather3A_1843 : vector<16xf32>
          %add3A_1849 = arith.addf %add3A_1641, %mul3A_1848 : vector<16xf32>
          %gather3A_1850 = tpu.vector_load_idx %arg7[%add3A_76, %add3A_1833] : memref<512x128xf32, #tpu.memory_space<vmem>>[vector<16xi32>, vector<16xi32>], vector<16xf32>,
          %mul3A_1851 = arith.mulf %gather3A_1850, %gather3A_1843 : vector<16xf32>
          %add3A_1852 = arith.addf %add3A_1644, %mul3A_1851 : vector<16xf32>
          %gather3A_1853 = tpu.vector_load_idx %arg7[%add3A_83, %add3A_1833] : memref<512x128xf32, #tpu.memory_space<vmem>>[vector<16xi32>, vector<16xi32>], vector<16xf32>,
          %mul3A_1854 = arith.mulf %gather3A_1853, %gather3A_1843 : vector<16xf32>
          %add3A_1855 = arith.addf %add3A_1647, %mul3A_1854 : vector<16xf32>
          %add3A_1856 = arith.constant 112 : i32
          %add3A_1857 = vector.broadcast %add3A_1856 : i32 to vector<16xi32>
          %add3A_1858 = arith.addi %and3A_1678, %add3A_1857 : vector<16xi32>
          %lt3A_1859 = arith.constant 0 : i32
          %lt3A_1860 = vector.broadcast %lt3A_1859 : i32 to vector<16xi32>
          %lt3A_1861 = arith.cmpi slt, %and3A_1678, %lt3A_1860 : vector<16xi32>
          %add3A_1862 = arith.constant 16 : i32
          %add3A_1863 = vector.broadcast %add3A_1862 : i32 to vector<16xi32>
          %add3A_1864 = arith.addi %and3A_1678, %add3A_1863 : vector<16xi32>
          %select_n3A_1865 = arith.select %lt3A_1861, %add3A_1864, %and3A_1678 : vector<16xi1>, vector<16xi32>
          %broadcast_in_dim3A_1866 = vector.shape_cast %select_n3A_1865 : vector<16xi32> to vector<16x1xi32>
          %gather3A_1867 = vector.shape_cast %broadcast_in_dim3A_1866 : vector<16x1xi32> to vector<16xi32>
          %gather3A_1868 = tpu.dynamic_gather %get3A_106[%gather3A_1867] in [0] : vector<16xf32>, vector<16xi32> -> vector<16xf32>
          %gather3A_1869 = tpu.vector_load_idx %arg7[%add3A_62, %add3A_1858] : memref<512x128xf32, #tpu.memory_space<vmem>>[vector<16xi32>, vector<16xi32>], vector<16xf32>,
          %mul3A_1870 = arith.mulf %gather3A_1869, %gather3A_1868 : vector<16xf32>
          %add3A_1871 = arith.addf %add3A_1663, %mul3A_1870 : vector<16xf32>
          %gather3A_1872 = tpu.vector_load_idx %arg7[%add3A_69, %add3A_1858] : memref<512x128xf32, #tpu.memory_space<vmem>>[vector<16xi32>, vector<16xi32>], vector<16xf32>,
          %mul3A_1873 = arith.mulf %gather3A_1872, %gather3A_1868 : vector<16xf32>
          %add3A_1874 = arith.addf %add3A_1666, %mul3A_1873 : vector<16xf32>
          %gather3A_1875 = tpu.vector_load_idx %arg7[%add3A_76, %add3A_1858] : memref<512x128xf32, #tpu.memory_space<vmem>>[vector<16xi32>, vector<16xi32>], vector<16xf32>,
          %mul3A_1876 = arith.mulf %gather3A_1875, %gather3A_1868 : vector<16xf32>
          %add3A_1877 = arith.addf %add3A_1669, %mul3A_1876 : vector<16xf32>
          %gather3A_1878 = tpu.vector_load_idx %arg7[%add3A_83, %add3A_1858] : memref<512x128xf32, #tpu.memory_space<vmem>>[vector<16xi32>, vector<16xi32>], vector<16xf32>,
          %mul3A_1879 = arith.mulf %gather3A_1878, %gather3A_1868 : vector<16xf32>
          %add3A_1880 = arith.addf %add3A_1672, %mul3A_1879 : vector<16xf32>
          %add3A_1881 = arith.constant 1 : i32
          %add3A_1882 = vector.broadcast %add3A_1881 : i32 to vector<16xi32>
          %add3A_1883 = arith.addi %and3A_1678, %add3A_1882 : vector<16xi32>
          %and3A_1884 = arith.constant 15 : i32
          %and3A_1885 = vector.broadcast %and3A_1884 : i32 to vector<16xi32>
          %and3A_1886 = arith.andi %add3A_1883, %and3A_1885 : vector<16xi32>
          scf.yield %and3A_1886, %add3A_1696, %add3A_1721, %add3A_1746, %add3A_1771, %add3A_1796, %add3A_1821, %add3A_1846, %add3A_1871, %add3A_1699, %add3A_1724, %add3A_1749, %add3A_1774, %add3A_1799, %add3A_1824, %add3A_1849, %add3A_1874, %add3A_1702, %add3A_1727, %add3A_1752, %add3A_1777, %add3A_1802, %add3A_1827, %add3A_1852, %add3A_1877, %add3A_1705, %add3A_1730, %add3A_1755, %add3A_1780, %add3A_1805, %add3A_1830, %add3A_1855, %add3A_1880 : vector<16xi32>, vector<16xf32>, vector<16xf32>, vector<16xf32>, vector<16xf32>, vector<16xf32>, vector<16xf32>, vector<16xf32>, vector<16xf32>, vector<16xf32>, vector<16xf32>, vector<16xf32>, vector<16xf32>, vector<16xf32>, vector<16xf32>, vector<16xf32>, vector<16xf32>, vector<16xf32>, vector<16xf32>, vector<16xf32>, vector<16xf32>, vector<16xf32>, vector<16xf32>, vector<16xf32>, vector<16xf32>, vector<16xf32>, vector<16xf32>, vector<16xf32>, vector<16xf32>, vector<16xf32>, vector<16xf32>, vector<16xf32>, vector<16xf32>
        }
        %scan3A_113 = arith.constant 16 : i32
        %add3A_114 = arith.addf %scan3A_112#1, %scan3A_112#2 : vector<16xf32>
        %add3A_115 = arith.addf %scan3A_112#3, %scan3A_112#4 : vector<16xf32>
        %add3A_116 = arith.addf %scan3A_112#5, %scan3A_112#6 : vector<16xf32>
        %add3A_117 = arith.addf %scan3A_112#7, %scan3A_112#8 : vector<16xf32>
        %add3A_118 = arith.addf %add3A_114, %add3A_115 : vector<16xf32>
        %add3A_119 = arith.addf %add3A_116, %add3A_117 : vector<16xf32>
        %add3A_120 = arith.addf %add3A_118, %add3A_119 : vector<16xf32>
        %mul3A_121 = vector.broadcast %scan3A : f32 to vector<16xf32>
        %mul3A_122 = arith.mulf %add3A_120, %mul3A_121 : vector<16xf32>
        %mul3A_123 = arith.constant 256 : i32
        %mul3A_124 = arith.muli %scan3A_33, %mul3A_123 : i32
        %mul3A_125 = arith.constant 4 : i32
        %mul3A_126 = arith.muli %scan3A_54, %mul3A_125 : i32
        %mul3A_127 = arith.constant 16 : i32
        %mul3A_128 = arith.muli %mul3A_126, %mul3A_127 : i32
        %add3A_129 = arith.addi %mul3A_124, %mul3A_128 : i32
        %add3A_130 = arith.constant 0 : i32
        %add3A_131 = arith.addi %add3A_129, %add3A_130 : i32
        %swap3A = arith.index_cast %add3A_131 : i32 to index
        %swap3A_132 = tpu.vector_load %arg8[%swap3A] {strides = array<i32>} : memref<16384xf32, #tpu.memory_space<vmem>>, vector<16xf32>,
        tpu.vector_store %arg8[%swap3A], %mul3A_122 {strides = array<i32>} : memref<16384xf32, #tpu.memory_space<vmem>>, vector<16xf32>,
        %add3A_133 = arith.addf %scan3A_112#9, %scan3A_112#10 : vector<16xf32>
        %add3A_134 = arith.addf %scan3A_112#11, %scan3A_112#12 : vector<16xf32>
        %add3A_135 = arith.addf %scan3A_112#13, %scan3A_112#14 : vector<16xf32>
        %add3A_136 = arith.addf %scan3A_112#15, %scan3A_112#16 : vector<16xf32>
        %add3A_137 = arith.addf %add3A_133, %add3A_134 : vector<16xf32>
        %add3A_138 = arith.addf %add3A_135, %add3A_136 : vector<16xf32>
        %add3A_139 = arith.addf %add3A_137, %add3A_138 : vector<16xf32>
        %mul3A_140 = vector.broadcast %scan3A : f32 to vector<16xf32>
        %mul3A_141 = arith.mulf %add3A_139, %mul3A_140 : vector<16xf32>
        %mul3A_142 = arith.constant 256 : i32
        %mul3A_143 = arith.muli %scan3A_33, %mul3A_142 : i32
        %mul3A_144 = arith.constant 4 : i32
        %mul3A_145 = arith.muli %scan3A_54, %mul3A_144 : i32
        %mul3A_146 = arith.constant 16 : i32
        %mul3A_147 = arith.muli %mul3A_145, %mul3A_146 : i32
        %add3A_148 = arith.addi %mul3A_143, %mul3A_147 : i32
        %add3A_149 = arith.constant 16 : i32
        %add3A_150 = arith.addi %add3A_148, %add3A_149 : i32
        %swap3A_151 = arith.index_cast %add3A_150 : i32 to index
        %swap3A_152 = tpu.vector_load %arg8[%swap3A_151] {strides = array<i32>} : memref<16384xf32, #tpu.memory_space<vmem>>, vector<16xf32>,
        tpu.vector_store %arg8[%swap3A_151], %mul3A_141 {strides = array<i32>} : memref<16384xf32, #tpu.memory_space<vmem>>, vector<16xf32>,
        %add3A_153 = arith.addf %scan3A_112#17, %scan3A_112#18 : vector<16xf32>
        %add3A_154 = arith.addf %scan3A_112#19, %scan3A_112#20 : vector<16xf32>
        %add3A_155 = arith.addf %scan3A_112#21, %scan3A_112#22 : vector<16xf32>
        %add3A_156 = arith.addf %scan3A_112#23, %scan3A_112#24 : vector<16xf32>
        %add3A_157 = arith.addf %add3A_153, %add3A_154 : vector<16xf32>
        %add3A_158 = arith.addf %add3A_155, %add3A_156 : vector<16xf32>
        %add3A_159 = arith.addf %add3A_157, %add3A_158 : vector<16xf32>
        %mul3A_160 = vector.broadcast %scan3A : f32 to vector<16xf32>
        %mul3A_161 = arith.mulf %add3A_159, %mul3A_160 : vector<16xf32>
        %mul3A_162 = arith.constant 256 : i32
        %mul3A_163 = arith.muli %scan3A_33, %mul3A_162 : i32
        %mul3A_164 = arith.constant 4 : i32
        %mul3A_165 = arith.muli %scan3A_54, %mul3A_164 : i32
        %mul3A_166 = arith.constant 16 : i32
        %mul3A_167 = arith.muli %mul3A_165, %mul3A_166 : i32
        %add3A_168 = arith.addi %mul3A_163, %mul3A_167 : i32
        %add3A_169 = arith.constant 32 : i32
        %add3A_170 = arith.addi %add3A_168, %add3A_169 : i32
        %swap3A_171 = arith.index_cast %add3A_170 : i32 to index
        %swap3A_172 = tpu.vector_load %arg8[%swap3A_171] {strides = array<i32>} : memref<16384xf32, #tpu.memory_space<vmem>>, vector<16xf32>,
        tpu.vector_store %arg8[%swap3A_171], %mul3A_161 {strides = array<i32>} : memref<16384xf32, #tpu.memory_space<vmem>>, vector<16xf32>,
        %add3A_173 = arith.addf %scan3A_112#25, %scan3A_112#26 : vector<16xf32>
        %add3A_174 = arith.addf %scan3A_112#27, %scan3A_112#28 : vector<16xf32>
        %add3A_175 = arith.addf %scan3A_112#29, %scan3A_112#30 : vector<16xf32>
        %add3A_176 = arith.addf %scan3A_112#31, %scan3A_112#32 : vector<16xf32>
        %add3A_177 = arith.addf %add3A_173, %add3A_174 : vector<16xf32>
        %add3A_178 = arith.addf %add3A_175, %add3A_176 : vector<16xf32>
        %add3A_179 = arith.addf %add3A_177, %add3A_178 : vector<16xf32>
        %mul3A_180 = vector.broadcast %scan3A : f32 to vector<16xf32>
        %mul3A_181 = arith.mulf %add3A_179, %mul3A_180 : vector<16xf32>
        %mul3A_182 = arith.constant 256 : i32
        %mul3A_183 = arith.muli %scan3A_33, %mul3A_182 : i32
        %mul3A_184 = arith.constant 4 : i32
        %mul3A_185 = arith.muli %scan3A_54, %mul3A_184 : i32
        %mul3A_186 = arith.constant 16 : i32
        %mul3A_187 = arith.muli %mul3A_185, %mul3A_186 : i32
        %add3A_188 = arith.addi %mul3A_183, %mul3A_187 : i32
        %add3A_189 = arith.constant 48 : i32
        %add3A_190 = arith.addi %add3A_188, %add3A_189 : i32
        %swap3A_191 = arith.index_cast %add3A_190 : i32 to index
        %swap3A_192 = tpu.vector_load %arg8[%swap3A_191] {strides = array<i32>} : memref<16384xf32, #tpu.memory_space<vmem>>, vector<16xf32>,
        tpu.vector_store %arg8[%swap3A_191], %mul3A_181 {strides = array<i32>} : memref<16384xf32, #tpu.memory_space<vmem>>, vector<16xf32>,
        %scan3A_193 = arith.constant 0 : i32
        scf.yield %scan3A_193 : i32
      }
      %scan3A_52 = arith.constant 4 : i32
      %scan3A_53 = arith.constant 0 : i32
      scf.yield %scan3A_53 : i32
    }
    %scan3A_30 = arith.constant 64 : i32
    %mul3A_31 = arith.constant 512 : i32
    %mul3A_32 = arith.muli %mul3A_2, %mul3A_31 : i32
    "tpu.region"() ({
      %run_scoped3A = tpu.sem_alloc : memref<!tpu.dma_semaphore, #tpu.memory_space<semaphore_mem>>
      %dma_start3A_33 = tpu.memref_slice %arg5[%mul3A_32] : memref<524288xf32, #tpu.memory_space<hbm>> -> memref<16384xf32, #tpu.memory_space<hbm>>
      %dma_start3A_34 = tpu.memref_slice %arg5[%mul3A_32] : memref<524288xf32, #tpu.memory_space<hbm>> -> memref<16384xf32, #tpu.memory_space<hbm>>
      tpu.enqueue_dma source(%arg8 : memref<16384xf32, #tpu.memory_space<vmem>>) target(%dma_start3A_34 : memref<16384xf32, #tpu.memory_space<hbm>>) target_semaphore(%run_scoped3A : memref<!tpu.dma_semaphore, #tpu.memory_space<semaphore_mem>>)
      %dma_wait3A = tpu.memref_slice %arg5[%mul3A_32] : memref<524288xf32, #tpu.memory_space<hbm>> -> memref<16384xf32, #tpu.memory_space<hbm>>
      %dma_wait3A_35 = tpu.memref_slice %arg5[%mul3A_32] : memref<524288xf32, #tpu.memory_space<hbm>> -> memref<16384xf32, #tpu.memory_space<hbm>>
      tpu.wait_dma2 semaphore(%run_scoped3A : memref<!tpu.dma_semaphore, #tpu.memory_space<semaphore_mem>>) src(%arg8 : memref<16384xf32, #tpu.memory_space<vmem>>) dst(%dma_wait3A_35 : memref<16384xf32, #tpu.memory_space<hbm>>)
      tpu.yield
    }) : () -> ()
    return
  }
}

</mosaic_0001>

<sc_bundles>
// kernel: _run.3.cloned.1.call-start
scs
__scs_entry_jumppad:
0x0: {  	(pc) =	sbr.rel $0x88, $3  }
0x1: {  	(tag) =	ssettag $0x0;
	lr =	simm.s32 $0x1  }
0x2: {  	[smem:$0x3F9E] =	sst lr;
	_ =	strace $0xD0000000  }
0x3: {  	_ = 	snop  }
0x4: {  	_ = 	snop  }
0x5: {  	_ = 	snop  }
0x6: {  	_ = 	snop  }
0x7: {  	_ = 	snop  }
__scs_overlays_trampoline_lowered:
0x8: {  	[smem:$0x3FAD] =	sst s0  }
0x9: {  	[smem:$0x3FAE] =	sst s1  }
0xa: {  	[smem:$0x3FAF] =	sst s2  }
0xb: {  	[smem:$0x3FB0] =	sst s3  }
0xc: {  	[smem:$0x3FB1] =	sst s4  }
0xd: {  	[smem:$0x3FB2] =	sst s5  }
0xe: {  	[smem:$0x3FB3] =	sst s6  }
0xf: {  	[smem:$0x3FB4] =	sst s7  }
0x10: {  	[smem:$0x3FB5] =	sst s8  }
0x11: {  	[smem:$0x3FB6] =	sst s9;
	s0 =	simm.s32 @!p0 $0x0  }
0x12: {  	s1 =	sld [smem:$0x3F9C];
	s0 =	simm.s32 @p0 $0x1  }
0x13: {  	[smem:$0x3FB7] =	sst s0;
	s0 =	simm.s32 @!p1 $0x0  }
0x14: {  	s2 =	sld [smem:$0x3F9B];
	s0 =	simm.s32 @p1 $0x1  }
0x15: {  	[smem:$0x3FB8] =	sst s0;
	s0 =	simm.s32 @!p2 $0x0  }
0x16: {  	s3 =	sld [smem:$0x3FDB];
	s0 =	simm.s32 @p2 $0x1  }
0x17: {  	s4 =	simm.s32 $0x1BF5;
	[smem:$0x3FBA] =	sst s0  }
0x18: {  	s0 =	sld [smem:$0x3F9D];
	_ =	swait.ge [sflag:s4], $0x0  }
0x19: {  	s7 =	sld [smem:$0x3F9E]  }
0x1a: {  	s8 =	sadd.s32 $0xFFFFE003, lr  }
0x1b: {  	s9 =	sadd.s32 $0xFFFFFEF7, lr;
	s5 =	simm.s32 $0xFFFFFFFF;
	p2 =	slt.u32 s8, $0xFFFFF086  }
0x1c: {  	p1 =	slt.u32 s9, $0xF7A;
	s5 =	simm.s32 @!p2 $0x0  }
0x1d: {  	s5 =	simm.s32 @p1 $0x1;
	p0 =	seq.s32 s7, s2  }
0x1e: {  	s7 =	smul.u32 @!p0 $0xF7A, s2;
	p2 =	seq.s32 @!p0 s5, $0x0  }
0x1f: {  	s9 =	smul.u32 $0xF7A, s1;
	s8 =	simm.s32 @!p0 $0x1BF5;
	p2 =	por !p2, p0  }
0x20: {  	[sflag:s8] =	ssyncset.s32 @!p0 $0xFFFFF086;
	s6 =	sadd.s32 @!p0 s3, s7;
	s7 =	simm.s32 @!p0 $0x108  }
0x21: {  	s3 =	sadd.s32 s3, s9;
	s6 =	sadd.s32 @!p0 $0x88, s6;
	s7 =	simm.s32 @p2 $0x1082  }
0x22: {  	[simem:s7], [sflag:s8] =	dma.local @!p0 [hbm:s6], $0xF7A  }
0x23: {  	s9 =	sor.u32 $0xD0000000, s2;
	s6 =	simm.s32 $0x108;
	_ =	swait.ge @!p0 [sflag:s8], $0x0  }
0x24: {  	s3 =	sadd.s32 $0x88, s3;
	s6 =	simm.s32 @!p1 $0x1082;
	[sflag:s4] =	ssyncset.s32 $0xFFFFF086  }
0x25: {  	[simem:s6], [sflag:s4] =	dma.local [hbm:s3], $0xF7A  }
0x26: {  	[smem:$0x3F9E] =	sst s1;
	(tag) =	ssettag s2;
	_ =	strace s9  }
0x27: {  	s1 =	sld [smem:$0x3FAE]  }
0x28: {  	s2 =	sld [smem:$0x3FAF]  }
0x29: {  	s4 =	sld [smem:$0x3FB1]  }
0x2a: {  	p0 =	seq.s32 s5, $0x0;
	s5 =	sld [smem:$0x3FB2]  }
0x2b: {  	s6 =	sld [smem:$0x3FB3]  }
0x2c: {  	s7 =	sld [smem:$0x3FB4]  }
0x2d: {  	s3 =	simm.s32 $0x108;
	s8 =	sld [smem:$0x3FB5]  }
0x2e: {  	s3 =	simm.s32 @!p0 $0x1082;
	s9 =	sld [smem:$0x3FB6]  }
0x2f: {  	lr =	sadd.s32 s0, s3;
	s0 =	sld [smem:$0x3FAD]  }
0x30: {  	s3 =	sld [smem:$0x3FB0]  }
0x31: {  	[smem:$0x3FB9] =	sst s10  }
0x32: {  	s10 =	sld [smem:$0x3FB7];
	_ =	sdelay $0x3  }
0x33: {  	p0 =	seq.s32 s10, $0x1;
	s10 =	sld [smem:$0x3FB9];
	_ =	sdelay $0x3  }
0x34: {  	[smem:$0x3FB9] =	sst s10  }
0x35: {  	s10 =	sld [smem:$0x3FB8];
	_ =	sdelay $0x3  }
0x36: {  	p1 =	seq.s32 s10, $0x1;
	s10 =	sld [smem:$0x3FB9];
	_ =	sdelay $0x3  }
0x37: {  	[smem:$0x3FB9] =	sst s10  }
0x38: {  	s10 =	sld [smem:$0x3FBA]  }
0x39: {  	_ = 	snop;
	(pc) =	sbr.ind lr, $3  }
0x3a: {  	_ = 	snop  }
0x3b: {  	_ = 	snop  }
0x3c: {  	p2 =	seq.s32 s10, $0x1;
	s10 =	sld [smem:$0x3FB9]  }
0x3d: {  	_ =	shalt  }
0x3e: {  	_ =	shalt  }
0x3f: {  	_ =	shalt  }
0x40: {  	_ =	shalt  }
0x41: {  	_ =	shalt  }
0x42: {  	_ =	shalt  }
0x43: {  	_ =	shalt  }
0x44: {  	_ =	shalt  }
0x45: {  	_ =	shalt  }
0x46: {  	_ =	shalt  }
0x47: {  	_ =	shalt  }
0x48: {  	_ =	shalt  }
0x49: {  	_ =	shalt  }
0x4a: {  	_ =	shalt  }
0x4b: {  	_ =	shalt  }
0x4c: {  	_ =	shalt  }
0x4d: {  	_ =	shalt  }
0x4e: {  	_ =	shalt  }
0x4f: {  	_ =	shalt  }
0x50: {  	_ =	shalt  }
0x51: {  	_ =	shalt  }
0x52: {  	_ =	shalt  }
0x53: {  	_ =	shalt  }
0x54: {  	_ =	shalt  }
0x55: {  	_ =	shalt  }
0x56: {  	_ =	shalt  }
0x57: {  	_ =	shalt  }
0x58: {  	_ =	shalt  }
0x59: {  	_ =	shalt  }
0x5a: {  	_ =	shalt  }
0x5b: {  	_ =	shalt  }
0x5c: {  	_ =	shalt  }
0x5d: {  	_ =	shalt  }
0x5e: {  	_ =	shalt  }
0x5f: {  	_ =	shalt  }
0x60: {  	_ =	shalt  }
0x61: {  	_ =	shalt  }
0x62: {  	_ =	shalt  }
0x63: {  	_ =	shalt  }
0x64: {  	_ =	shalt  }
0x65: {  	_ =	shalt  }
0x66: {  	_ =	shalt  }
0x67: {  	_ =	shalt  }
0x68: {  	_ =	shalt  }
0x69: {  	_ =	shalt  }
0x6a: {  	_ =	shalt  }
0x6b: {  	_ =	shalt  }
0x6c: {  	_ =	shalt  }
0x6d: {  	_ =	shalt  }
0x6e: {  	_ =	shalt  }
0x6f: {  	_ =	shalt  }
0x70: {  	_ =	shalt  }
0x71: {  	_ =	shalt  }
0x72: {  	_ =	shalt  }
0x73: {  	_ =	shalt  }
0x74: {  	_ =	shalt  }
0x75: {  	_ =	shalt  }
0x76: {  	_ =	shalt  }
0x77: {  	_ =	shalt  }
0x78: {  	_ =	shalt  }
0x79: {  	_ =	shalt  }
0x7a: {  	_ =	shalt  }
0x7b: {  	_ =	shalt  }
0x7c: {  	_ =	shalt  }
0x7d: {  	_ =	shalt  }
0x7e: {  	_ =	shalt  }
0x7f: {  	_ =	shalt  }
0x80: {  	_ =	shalt  }
0x81: {  	_ =	shalt  }
0x82: {  	_ =	shalt  }
0x83: {  	_ =	shalt  }
0x84: {  	_ =	shalt  }
0x85: {  	_ =	shalt  }
0x86: {  	_ =	shalt  }
0x87: {  	_ =	shalt  }
.Lfunc_end0:
.L_simem_size_0:
called_computation_lowered:
.L_overlay_start_0:
0x88: {  	s2 =	sld [smem:$0x3FD9]  }
0x89: {  	s3 =	sld [smem:$0x3FFE];
	_ =	sdelay $0x1  }
0x8a: {  	s1 =	srdreg.scid  }
0x8b: {  	s0 =	sand.u32 $0x1, s1  }
0x8c: {  	s18 =	sshll.u32 s0, $0xA;
	s2 =	sadd.s32 s3, s2  }
0x8d: {  	s2 =	sadd.s32 s2, s18  }
0x8e: {  	[smem:$0x3FC5] =	sst s2  }
0x8f: {  	_ = 	snop  }
0x90: {  	s2 =	sld [smem:$0x3FC9]  }
0x91: {  	s19 =	sld [smem:$0x3FC8]  }
0x92: {  	s4 =	sld [smem:$0x3FC7]  }
0x93: {  	s5 =	sld [smem:$0x3FD0];
	(tm) =	ssettm $0x1  }
0x94: {  	s6 =	sld [smem:$0x3FFB];
	_ =	sdelay $0x3  }
0x95: {  	_ =	strace s6  }
0x96: {  	s6 =	sld [smem:$0x3FFC];
	_ =	sdelay $0x3  }
0x97: {  	_ =	strace s6  }
0x98: {  	s6 =	sld [smem:$0x3FFD];
	_ =	sdelay $0x3  }
0x99: {  	_ =	strace s6  }
0x9a: {  	_ =	strace $0x8FFFFFFF  }
0x9b: {  	s20 =	sld [smem:$0x3FDB];
	_ =	sdelay $0x1  }
0x9c: {  	s7 =	simm.s32 $_scs_section_size  }
0x9d: {  	s8 =	simm.s32 $_size__tile_overlayer_lowered;
	s9 =	simm.s32 $_tile_overlayer_lowered  }
0x9e: {  	s23 =	simm.s32 $0x1BFF;
	s22 =	sshll.u32 s9, $0x1;
	s6 =	sadd.s32 s7, s20  }
0x9f: {  	s10 =	simm.s32 $0x0;
	s21 =	sshll.u32 s8, $0x1;
	s8 =	sadd.s32 s22, s6  }
0xa0: {  	[timem:s10], [sflag:s23] =	dma.local [hbm:s8], s21  }
0xa1: {  	_ =	swait.ge [sflag:s23], s21  }
0xa2: {  	s7 =	ssub.s32 $0x0, s21;
	[sflag:s23] =	ssyncset.done $0x0  }
0xa3: {  	[sflag:s23] =	ssyncadd.s32 s7;
	_ =	sdelay $0x1  }
0xa4: {  	s24 =	simm.s32 $0x1B8B  }
0xa5: {  	_ =	swait.ge [sflag:s24], $0x1  }
0xa6: {  	[sflag:s24] =	ssyncset.done $0x0  }
0xa7: {  	s25 =	simm.s32 $0x1B8E;
	[sflag:s24] =	ssyncadd.s32 $0xFFFFFFFF  }
0xa8: {  	s26 =	simm.s32 $execute0_lowered;
	[smem:$0x3FD2] =	sst s25  }
0xa9: {  	s7 =	sshll.u32 s26, $0x1;
	_ =	strace $0x80000046;
	[dreg:$0x1] =	wrdreg $0xFFFFFFFF  }
0xaa: {  	s28 =	simm.s32 $_size_execute0_lowered;
	s6 =	sadd.s32 s6, s7;
	[dreg:$0x0] =	wrdreg $0x0  }
0xab: {  	s7 =	sshll.u32 s28, $0x1;
	[dreg:$0x2] =	wrdreg s6  }
0xac: {  	[dreg:$0x3] =	wrdreg s7  }
0xad: {  	[dreg:$0x4] =	wrdreg $0xC0  }
0xae: {  	_ =	task [dreg:s10], $0x5FFFF  }
0xaf: {  	[dreg:$0x1] =	wrdreg $0xFFFFFFFF  }
0xb0: {  	[dreg:$0x0] =	wrdreg $0x60  }
0xb1: {  	[dreg:$0x2] =	wrdreg s2  }
0xb2: {  	[dreg:$0x3] =	wrdreg s19  }
0xb3: {  	[dreg:$0x4] =	wrdreg s4  }
0xb4: {  	[dreg:$0x5] =	wrdreg s5  }
0xb5: {  	[dreg:$0x6] =	wrdreg $0x9  }
0xb6: {  	_ =	task.clear_ibuf [dreg:s10], $0x7FFFF;
	_ =	strace $0x90000046  }
0xb7: {  	s29 =	simm.s32 $0x9;
	_ =	strace $0x80000048  }
0xb8: {  	_ =	swait.ge [sflag:s29], $0x1  }
0xb9: {  	[sflag:s29] =	ssyncadd.s32 $0xFFFFFFFF  }
0xba: {  	_ =	strace $0x90000048  }
0xbb: {  	_ =	sfence  }
0xbc: {  	s30 =	sld [smem:$0x0];
	_ =	sdelay $0x2  }
0xbd: {  	s31 =	sshll.u32 s1, $0xD;
	s1 =	sshrl.u32 s1, $0x2  }
0xbe: {  	s3 =	sand.u32 $0x4000, s31;
	s1 =	sadd.s32 s1, s30  }
0xbf: {  	s0 =	sor.u32 s3, s0;
	s1 =	sshll.u32 s1, $0x11  }
0xc0: {  	s0 =	sor.u32 s1, s0  }
0xc1: {  	s0 =	sadd.s32 $0x8F2B, s0  }
0xc2: {  	[sflag:s0] =	ssyncadd.remote.s32 $0x1  }
0xc3: {  	_ =	sfence.sel $0xFFFF  }
0xc4: {  	[dreg:$0x0] =	wrdreg $0xFFFFFFFF;
	(pc) =	sbr.abs _section_cstart, $3  }
0xc5: {  	[dreg:$0x1] =	wrdreg $0xFFFFFFFF  }
0xc6: {  	_ =	task.clear_ibuf [dreg:s10], $0x2FFFF;
	_ =	strace $0x9FFFFFFF  }
0xc7: {  	(tm) =	ssettm $0x7FFFFFFF  }
tec
execute0_lowered:
.L_overlay_start_1:
0x0: {  	(tag) =	ssettag $0x1  }
0x1: {  	s5 =	rddreg [dreg:$0x0]  }
0x2: {  	s4 =	rddreg [dreg:$0x1]  }
0x3: {  	s1 =	rddreg [dreg:$0x2]  }
0x4: {  	s6 =	rddreg [dreg:$0x3]  }
0x5: {  	s0 =	rddreg [dreg:$0x4];
	s7 =	srdreg.scid  }
0x6: {  	s3 =	simm.s32 $0x0;
	s2 =	stileid.u32;
	s11 =	simm.s32 $0x4000  }
0x7: {  	s12 =	simm.s32 $0x8000;
	s13 =	simm.s32 $0x14000;
	s14 =	simm.s32 $0x2  }
0x8: {  	s15 =	simm.s32 $0x0;
	s7 =	sand.u32 $0x1, s7;
	s9 =	sshll.u32 s2, $0x1  }
0x9: {  	[smem:$0x7FF] =	sst s3;
	s8 =	ssub.s32 $0x2, s7;
	s7 =	sor.u32 s7, s9  }
0xa: {  	_ =	strace $0x80000047;
	s10 =	sshrl.u32 s8, $0x1;
	s9 =	sshll.u32 s7, $0xB  }
0xb: {  	s7 =	sshll.u32 s7, $0x9;
	s8 =	ssub.s32 s8, s10;
	s4 =	sadd.s32 s4, s9  }
0xc: {  	s5 =	sadd.s32 s5, s7;
	s6 =	sadd.s32 s6, s9;
	s9 =	simm.s32 $0x18000  }
0xd: {  	s10 =	simm.s32 $0x80;
	s7 =	smax.u32 s8, $0x1;
	s8 =	simm.s32 $0x3  }
.LBB2_1:
0xe: {  	[tilespmem:s3], [sflag:$0x3] =	stream.linear.gather [hbm4b:s4+s3], $0x4000, $0x38;
	[tilespmem:$0x19000] =	vst v63  }
0xf: {  	_ =	swait.ge [sflag:s8], $0x4000  }
0x10: {  	[sflag:s8] =	ssyncset.done $0x0  }
0x11: {  	[sflag:s8] =	ssyncadd.s32 $0xFFFFC000  }
0x12: {  	[tilespmem:s9], [sflag:$0x3] =	stream.linear.gather [hbm4b:s5+s3], $0x1000, $0x38;
	[tilespmem:$0x19000] =	vst v63  }
0x13: {  	_ =	swait.ge [sflag:s8], $0x1000  }
0x14: {  	[sflag:s8] =	ssyncset.done $0x0  }
0x15: {  	[sflag:s8] =	ssyncadd.s32 $0xFFFFF000  }
0x16: {  	[tilespmem:s11], [sflag:$0x1] =	stream.indirect.gather [hbm4b:s1+s10], $0x80, s3, s10, $0xb8;
	[tilespmem:$0x19000] =	vst v63  }
0x17: {  	s16 =	simm.s32 $0x0  }
0x18: {  	[tilespmem:s12], [sflag:$0x1] =	stream.indirect.gather [hbm4b:s1+s10], $0x80, s10, s10, $0xb8;
	[tilespmem:$0x19000] =	vst v63  }
.LBB2_2:
0x19: {  	s18 =	sand.u32 $0x1, s16  }
0x1a: {  	p0 =	seq.s32 s18, $0x1  }
0x1b: {  	s23 =	sshll.u32 @!p0 s16, $0xA  }
0x1c: {  	s17 =	sshrl.u32 @!p0 s23, $0x2  }
0x1d: {  	s20 =	simm.s32 @!p0 $0x80;
	s21 =	simm.s32 @!p0 $0xC000;
	s19 =	sadd.s32 @!p0 $0x100, s17  }
0x1e: {  	[tilespmem:s21], [sflag:$0x2] =	stream.indirect.gather @!p0 [hbm4b:s1+s20], $0x80, s19, s20, $0xb8;
	[tilespmem:$0x19000] =	vst v63  }
0x1f: {  	s17 =	sadd.s32 @!p0 $0x180, s17;
	s19 =	simm.s32 @!p0 $0x10000  }
0x20: {  	[tilespmem:s19], [sflag:$0x2] =	stream.indirect.gather @!p0 [hbm4b:s1+s20], $0x80, s17, s20, $0xb8;
	[tilespmem:$0x19000] =	vst v63  }
0x21: {  	p1 =	seq.s32 @!p0 s18, $0x0;
	s17 =	simm.s32 @!p0 $0x1  }
0x22: {  	p1 =	por p0, !p1;
	_ =	swait.ge @!p0 [sflag:s17], $0x4000  }
.Ltmp0:
0x23: {  	[sflag:s17] =	ssyncset.done @!p0 $0x0;
	(pc) =	sbr.rel @!p1 .LBB2_4-.Ltmp0, $4  }
0x24: {  	[sflag:s17] =	ssyncadd.s32 @!p0 $0xFFFFC000  }
0x25: {  	_ =	swait.ge @!p0 [sflag:s17], $0x4000  }
0x26: {  	[sflag:s17] =	ssyncset.done @!p0 $0x0  }
0x27: {  	[sflag:s17] =	ssyncadd.s32 @!p0 $0xFFFFC000  }
0x28: {  	p0 =	seq.s32 s16, $0x3F  }
0x29: {  	s23 =	sshll.u32 @!p0 s16, $0xA  }
0x2a: {  	s17 =	sshrl.u32 @!p0 s23, $0x2  }
0x2b: {  	s20 =	simm.s32 @!p0 $0x80;
	s21 =	simm.s32 @!p0 $0x4000;
	s19 =	sadd.s32 @!p0 $0x100, s17  }
0x2c: {  	[tilespmem:s21], [sflag:$0x1] =	stream.indirect.gather @!p0 [hbm4b:s1+s20], $0x80, s19, s20, $0xb8;
	[tilespmem:$0x19000] =	vst v63  }
0x2d: {  	s17 =	sadd.s32 @!p0 $0x180, s17;
	s19 =	simm.s32 @!p0 $0x8000  }
0x2e: {  	[tilespmem:s19], [sflag:$0x1] =	stream.indirect.gather @!p0 [hbm4b:s1+s20], $0x80, s17, s20, $0xb8;
	[tilespmem:$0x19000] =	vst v63  }
0x2f: {  	_ =	swait.ge [sflag:s14], $0x4000  }
0x30: {  	[sflag:s14] =	ssyncset.done $0x0  }
0x31: {  	[sflag:s14] =	ssyncadd.s32 $0xFFFFC000  }
0x32: {  	_ =	swait.ge [sflag:s14], $0x4000  }
0x33: {  	[sflag:s14] =	ssyncset.done $0x0  }
0x34: {  	s23 =	simm.s32 @p0 $0xFC00;
	[sflag:s14] =	ssyncadd.s32 $0xFFFFC000  }
.LBB2_4:
0x35: {  	s24 =	sshll.u32 s16, $0x6;
	s18 =	sshll.u32 s18, $0x8  }
0x36: {  	s25 =	sshrl.u32 s23, $0x2;
	s17 =	sand.u32 $0xF80, s24;
	s20 =	sor.u32 $0x40, s24  }
0x37: {  	s21 =	sor.u32 $0x50, s24;
	s22 =	sor.u32 $0x60, s24;
	s23 =	sor.u32 $0x70, s24  }
0x38: {  	s24 =	sadd.s32 $0x14000, s25;
	s25 =	simm.s32 $0x0;
	s19 =	sor.u32 $0x18000, s17  }
.LBB2_5:
0x39: {  	s26 =	sshll.u32 s25, $0x6  }
0x3a: {  	s28 =	sadd.s32 s18, s26  }
0x3b: {  	v0 =	vmov s28  }
0x3c: {  	s29 =	sor.u32 $0x10, s28;
	v1 =	vshll.u32 v0, $0x7;
	v0 =	vlaneseq.u32  }
0x3d: {  	s31 =	sor.u32 $0x20, s28;
	s28 =	sor.u32 $0x30, s28;
	v2 =	vmov s29;
	v5 =	vmul.u32 $0x80, v0  }
0x3e: {  	v3 =	vmov s31;
	v4 =	vmov s28;
	v2 =	vshll.u32 v2, $0x7  }
0x3f: {  	v3 =	vshll.u32 v3, $0x7;
	v4 =	vshll.u32 v4, $0x7;
	v1 =	vor.u32 v5, v1  }
0x40: {  	v2 =	vor.u32 v5, v2;
	v3 =	vor.u32 v5, v3;
	v4 =	vor.u32 v5, v4;
	v5 =	vld [tilespmem:s19+$0x0];
	_ =	sdelay $0x4  }
0x41: {  	v13 =	vimm.f32 $0.0e+00;
	v14 =	vimm.f32 $0.0e+00;
	[tilespmem:$0x1FFD0] =	vst v5;
	v5 =	vld [tilespmem:s17+$0x18010]  }
0x42: {  	v16 =	vimm.f32 $0.0e+00;
	v18 =	vimm.f32 $0.0e+00;
	v24 =	vimm.f32 $0.0e+00  }
0x43: {  	v22 =	vimm.f32 $0.0e+00;
	v23 =	vimm.f32 $0.0e+00;
	v21 =	vimm.f32 $0.0e+00  }
0x44: {  	v15 =	vimm.f32 $0.0e+00;
	v17 =	vimm.f32 $0.0e+00;
	v19 =	vimm.f32 $0.0e+00  }
0x45: {  	v26 =	vimm.f32 $0.0e+00;
	v27 =	vimm.f32 $0.0e+00;
	v28 =	vimm.f32 $0.0e+00  }
0x46: {  	v30 =	vimm.f32 $0.0e+00;
	v29 =	vimm.f32 $0.0e+00;
	v20 =	vimm.f32 $0.0e+00;
	[tilespmem:$0x1FFE0] =	vst v5;
	v5 =	vld [tilespmem:s17+$0x18020]  }
0x47: {  	v8 =	vld [tilespmem:s17+$0x18030];
	v25 =	vimm.f32 $0.0e+00;
	v31 =	vimm.f32 $0.0e+00;
	v34 =	vimm.f32 $0.0e+00  }
0x48: {  	v9 =	vld [tilespmem:s20+$0x18000];
	v35 =	vimm.f32 $0.0e+00;
	v39 =	vimm.f32 $0.0e+00;
	v36 =	vimm.f32 $0.0e+00  }
0x49: {  	v10 =	vld [tilespmem:s21+$0x18000];
	v32 =	vimm.f32 $0.0e+00;
	v33 =	vimm.f32 $0.0e+00;
	v37 =	vimm.f32 $0.0e+00  }
0x4a: {  	v11 =	vld [tilespmem:s22+$0x18000];
	v38 =	vimm.f32 $0.0e+00;
	v48 =	vimm.f32 $0.0e+00;
	v49 =	vimm.f32 $0.0e+00  }
0x4b: {  	v12 =	vld [tilespmem:s23+$0x18000];
	p0 =	por $0x1, $0x1;
	v45 =	vimm.f32 $0.0e+00;
	v46 =	vimm.f32 $0.0e+00;
	v47 =	vimm.f32 $0.0e+00;
	[tilespmem:$0x1FFF0] =	vst v5  }
.LBB2_6:
0x4c: {  	v40 =	vor.u32 v1, v0  }
0x4d: {  	v41 =	vor.u32 v2, v0  }
0x4e: {  	v42 =	vor.u32 v3, v0  }
0x4f: {  	v43 =	vor.u32 $0x10, v0;
	v44 =	vor.u32 v4, v0;
	v5 =	vld [tilespmem:$0x1FFD0]  }
0x50: {  	v6 =	vld [tilespmem:$0x1FFE0];
	v50 =	vor.u32 v1, v43  }
0x51: {  	v53 =	vor.u32 v3, v43;
	v40 =	vld.idx.msk [tilespmem:v40+s11+$0x0], $0xffff  }
0x52: {  	v41 =	vld.idx.msk [tilespmem:v41+s11+$0x0], $0xffff  }
0x53: {  	v51 =	vor.u32 v2, v43;
	v43 =	vor.u32 v4, v43;
	v42 =	vld.idx.msk [tilespmem:v42+s11+$0x0], $0xffff  }
0x54: {  	v54 =	vor.u32 $0x20, v0;
	v44 =	vld.idx.msk [tilespmem:v44+s11+$0x0], $0xffff  }
0x55: {  	v55 =	vor.u32 v1, v54;
	v52 =	vperm.xlane v5, v0;
	v50 =	vld.idx.msk [tilespmem:v50+s11+$0x0], $0xffff  }
0x56: {  	v56 =	vor.u32 v2, v54;
	v58 =	vor.u32 v3, v54;
	v54 =	vor.u32 v4, v54;
	v53 =	vld.idx.msk [tilespmem:v53+s11+$0x0], $0xffff  }
0x57: {  	v60 =	vor.u32 $0x30, v0;
	v7 =	vld [tilespmem:$0x1FFF0];
	v40 =	vmul.f32 v40, v52  }
0x58: {  	v61 =	vor.u32 v1, v60;
	v59 =	vld.idx.msk [tilespmem:v43+s11+$0x0], $0xffff  }
0x59: {  	v57 =	vperm.xlane v6, v0;
	v41 =	vmul.f32 v41, v52;
	v40 =	vadd.f32 v40, v47;
	v47 =	vld.idx.msk [tilespmem:v51+s11+$0x0], $0xffff  }
0x5a: {  	v62 =	vor.u32 v2, v60;
	v42 =	vmul.f32 v42, v52;
	v44 =	vmul.f32 v44, v52;
	v52 =	vld.idx.msk [tilespmem:v55+s11+$0x0], $0xffff  }
0x5b: {  	v50 =	vmul.f32 v50, v57;
	v63 =	vmul.f32 v53, v57;
	v53 =	vld.idx.msk [tilespmem:v54+s11+$0x0], $0xffff  }
0x5c: {  	v54 =	vor.u32 v4, v60;
	v51 =	vadd.f32 v41, v32;
	v43 =	vadd.f32 v42, v29;
	v41 =	vld.idx.msk [tilespmem:v56+s11+$0x0], $0xffff  }
0x5d: {  	v44 =	vadd.f32 v44, v21;
	v56 =	vor.u32 v3, v60;
	v21 =	vadd.f32 v50, v46;
	v50 =	vld.idx.msk [tilespmem:v58+s11+$0x0], $0xffff  }
0x5e: {  	v55 =	vld.idx.msk [tilespmem:v61+s11+$0x0], $0xffff;
	v60 =	vor.u32 $0x40, v0;
	v29 =	vmul.f32 v47, v57;
	v47 =	vperm.xlane v7, v0  }
0x5f: {  	v42 =	vld.idx.msk [tilespmem:v62+s11+$0x0], $0xffff;
	v61 =	vor.u32 v1, v60;
	v30 =	vadd.f32 v63, v30;
	v57 =	vmul.f32 v59, v57  }
0x60: {  	v62 =	vor.u32 v2, v60;
	v52 =	vmul.f32 v52, v47;
	v46 =	vadd.f32 v29, v36  }
0x61: {  	v32 =	vadd.f32 v57, v23;
	v23 =	vmul.f32 v41, v47;
	v41 =	vperm.xlane v8, v0  }
0x62: {  	v63 =	vmul.f32 v50, v47;
	v29 =	vadd.f32 v52, v45;
	v52 =	vld.idx.msk [tilespmem:v56+s11+$0x0], $0xffff;
	v56 =	vor.u32 v3, v60  }
0x63: {  	v47 =	vmul.f32 v53, v47;
	v50 =	vld.idx.msk [tilespmem:v54+s11+$0x0], $0xffff;
	v53 =	vor.u32 v4, v60;
	v57 =	vor.u32 $0x50, v0  }
0x64: {  	v60 =	vmul.f32 v55, v41;
	v55 =	vld.idx.msk [tilespmem:v61+s11+$0x0], $0xffff;
	v36 =	vadd.f32 v63, v28;
	v28 =	vmul.f32 v42, v41  }
0x65: {  	v23 =	vadd.f32 v23, v39;
	v39 =	vadd.f32 v47, v22;
	v47 =	vor.u32 v1, v57;
	v61 =	vld.idx.msk [tilespmem:v62+s11+$0x0], $0xffff  }
0x66: {  	v62 =	vor.u32 v2, v57;
	v22 =	vadd.f32 v60, v49;
	v28 =	vadd.f32 v28, v35  }
0x67: {  	v63 =	vmul.f32 v52, v41;
	v52 =	vperm.xlane v9, v0;
	v60 =	vld.idx.msk [tilespmem:v56+s11+$0x0], $0xffff;
	v56 =	vor.u32 v3, v57  }
0x68: {  	v41 =	vmul.f32 v50, v41;
	v50 =	vld.idx.msk [tilespmem:v53+s11+$0x0], $0xffff;
	v53 =	vor.u32 v4, v57;
	v57 =	vor.u32 $0x60, v0  }
0x69: {  	v58 =	vor.u32 v1, v57;
	v55 =	vmul.f32 v55, v52;
	v35 =	vadd.f32 v63, v27  }
0x6a: {  	v24 =	vadd.f32 v41, v24;
	v27 =	vld.idx.msk [tilespmem:v47+s11+$0x0], $0xffff;
	v47 =	vor.u32 v2, v57;
	v61 =	vmul.f32 v61, v52  }
0x6b: {  	v62 =	vld.idx.msk [tilespmem:v62+s11+$0x0], $0xffff;
	v63 =	vor.u32 v3, v57;
	v45 =	vadd.f32 v55, v48;
	v55 =	vor.u32 v4, v57  }
0x6c: {  	v34 =	vadd.f32 v61, v34;
	v60 =	vmul.f32 v60, v52;
	v54 =	vld.idx.msk [tilespmem:v56+s11+$0x0], $0xffff;
	v56 =	vor.u32 $0x70, v0  }
0x6d: {  	v50 =	vmul.f32 v50, v52;
	v52 =	vperm.xlane v10, v0;
	v57 =	vld.idx.msk [tilespmem:v53+s11+$0x0], $0xffff;
	v59 =	vor.u32 v1, v56  }
0x6e: {  	v53 =	vadd.s32 $0x1, v0;
	v49 =	vld.idx.msk [tilespmem:v58+s11+$0x0], $0xffff;
	v58 =	vor.u32 v2, v56;
	v61 =	vor.u32 v3, v56  }
0x6f: {  	v41 =	vadd.f32 v60, v26;
	v26 =	vadd.f32 v50, v18;
	v27 =	vmul.f32 v27, v52;
	v50 =	vld.idx.msk [tilespmem:v47+s11+$0x0], $0xffff  }
0x70: {  	v56 =	vor.u32 v4, v56;
	v42 =	vmul.f32 v62, v52;
	v60 =	vld.idx.msk [tilespmem:v63+s11+$0x0], $0xffff;
	v62 =	vperm.xlane v11, v0  }
0x71: {  	v18 =	vand.u32 $0xF, v53;
	v63 =	vld.idx.msk [tilespmem:v55+s11+$0x0], $0xffff;
	v55 =	vadd.f32 v27, v38;
	v48 =	vmul.f32 v54, v52  }
0x72: {  	v47 =	vadd.f32 v42, v31;
	v52 =	vmul.f32 v57, v52;
	v57 =	vor.u32 v1, v18;
	v54 =	vld.idx.msk [tilespmem:v59+s11+$0x0], $0xffff  }
0x73: {  	v42 =	vor.u32 v2, v18;
	v27 =	vmul.f32 v49, v62;
	v31 =	vadd.f32 v48, v19;
	v19 =	vld.idx.msk [tilespmem:v58+s11+$0x0], $0xffff  }
0x74: {  	v38 =	vadd.f32 v52, v16;
	v52 =	vld.idx.msk [tilespmem:v61+s11+$0x0], $0xffff;
	v58 =	vor.u32 v3, v18  }
0x75: {  	v16 =	vmul.f32 v50, v62;
	v50 =	vld.idx.msk [tilespmem:v56+s11+$0x0], $0xffff;
	v56 =	vor.u32 v4, v18;
	v48 =	vadd.f32 v27, v37  }
0x76: {  	v37 =	vmul.f32 v60, v62;
	v60 =	vor.u32 $0x10, v53;
	v59 =	vmul.f32 v63, v62  }
0x77: {  	v27 =	vperm.xlane v12, v0;
	v49 =	vadd.f32 v16, v25;
	v25 =	vor.u32 v2, v60;
	v57 =	vld.idx.msk [tilespmem:v57+s11+$0x0], $0xffff  }
0x78: {  	v16 =	vadd.f32 v37, v17;
	v17 =	vor.u32 v1, v60;
	v37 =	vadd.f32 v59, v14;
	v14 =	vld.idx.msk [tilespmem:v42+s11+$0x0], $0xffff  }
0x79: {  	v54 =	vmul.f32 v54, v27;
	v59 =	vor.u32 v3, v60;
	v19 =	vmul.f32 v19, v27;
	v58 =	vld.idx.msk [tilespmem:v58+s11+$0x0], $0xffff  }
0x7a: {  	v42 =	vmul.f32 v52, v27;
	v52 =	vld.idx.msk [tilespmem:v56+s11+$0x0], $0xffff;
	v56 =	vor.u32 v4, v60;
	v60 =	vor.u32 $0x20, v18  }
0x7b: {  	v27 =	vmul.f32 v50, v27;
	v33 =	vadd.f32 v54, v33;
	v54 =	vperm.xlane v5, v18  }
0x7c: {  	v61 =	vor.u32 v1, v60;
	v50 =	vadd.f32 v19, v20  }
0x7d: {  	v19 =	vadd.f32 v42, v15;
	v42 =	vadd.f32 v27, v13;
	v13 =	vld.idx.msk [tilespmem:v25+s11+$0x0], $0xffff;
	v57 =	vmul.f32 v57, v54  }
0x7e: {  	v62 =	vor.u32 $0x40, v18;
	v15 =	vld.idx.msk [tilespmem:v17+s11+$0x0], $0xffff;
	v17 =	vor.u32 v2, v60;
	v14 =	vmul.f32 v14, v54  }
0x7f: {  	v40 =	vadd.f32 v57, v40;
	v25 =	vmul.f32 v58, v54;
	v57 =	vld.idx.msk [tilespmem:v59+s11+$0x0], $0xffff;
	v58 =	vor.u32 v3, v60  }
0x80: {  	v27 =	vmul.f32 v52, v54;
	v52 =	vld.idx.msk [tilespmem:v56+s11+$0x0], $0xffff;
	v54 =	vor.u32 v4, v60;
	v56 =	vor.u32 $0x30, v53  }
0x81: {  	v20 =	vadd.f32 v14, v51;
	v14 =	vperm.xlane v6, v18;
	v51 =	vld.idx.msk [tilespmem:v61+s11+$0x0], $0xffff;
	v59 =	vor.u32 v1, v56  }
0x82: {  	v63 =	vor.u32 v1, v62;
	v27 =	vadd.f32 v27, v44;
	v44 =	vor.u32 v2, v56  }
0x83: {  	v60 =	vor.u32 v3, v56;
	v56 =	vor.u32 v4, v56;
	v15 =	vmul.f32 v15, v14;
	v17 =	vld.idx.msk [tilespmem:v17+s11+$0x0], $0xffff  }
0x84: {  	v61 =	vperm.xlane v7, v18;
	v25 =	vadd.f32 v25, v43;
	v13 =	vmul.f32 v13, v14;
	v58 =	vld.idx.msk [tilespmem:v58+s11+$0x0], $0xffff  }
0x85: {  	v57 =	vmul.f32 v57, v14;
	v14 =	vmul.f32 v52, v14;
	v52 =	vld.idx.msk [tilespmem:v54+s11+$0x0], $0xffff;
	v54 =	vadd.f32 v15, v21  }
0x86: {  	v43 =	vadd.f32 v13, v46;
	v13 =	vmul.f32 v51, v61;
	v15 =	vld.idx.msk [tilespmem:v59+s11+$0x0], $0xffff;
	v51 =	vor.u32 v2, v62  }
0x87: {  	v59 =	vperm.xlane v8, v18;
	v30 =	vadd.f32 v57, v30;
	v32 =	vadd.f32 v14, v32;
	v14 =	vld.idx.msk [tilespmem:v44+s11+$0x0], $0xffff  }
0x88: {  	v56 =	vld.idx.msk [tilespmem:v56+s11+$0x0], $0xffff;
	v57 =	vor.u32 v4, v62;
	v44 =	vadd.f32 v13, v29;
	v29 =	vor.u32 v3, v62  }
0x89: {  	v13 =	vmul.f32 v17, v61;
	v17 =	vld.idx.msk [tilespmem:v60+s11+$0x0], $0xffff;
	v21 =	vmul.f32 v58, v61;
	v58 =	vor.u32 $0x50, v53  }
0x8a: {  	v52 =	vmul.f32 v52, v61;
	v61 =	vor.u32 v1, v58  }
0x8b: {  	v60 =	vld.idx.msk [tilespmem:v63+s11+$0x0], $0xffff;
	v46 =	vadd.f32 v13, v23;
	v13 =	vmul.f32 v15, v59  }
0x8c: {  	v15 =	vld.idx.msk [tilespmem:v51+s11+$0x0], $0xffff;
	v62 =	vor.u32 v3, v58;
	v21 =	vadd.f32 v21, v36;
	v23 =	vadd.f32 v52, v39  }
0x8d: {  	v36 =	vor.u32 v2, v58;
	v14 =	vmul.f32 v14, v59;
	v39 =	vperm.xlane v9, v18;
	v29 =	vld.idx.msk [tilespmem:v29+s11+$0x0], $0xffff  }
0x8e: {  	v52 =	vadd.f32 v13, v22;
	v13 =	vmul.f32 v17, v59;
	v17 =	vmul.f32 v56, v59;
	v56 =	vld.idx.msk [tilespmem:v57+s11+$0x0], $0xffff  }
0x8f: {  	v58 =	vor.u32 v4, v58;
	v59 =	vld.idx.msk [tilespmem:v61+s11+$0x0], $0xffff  }
0x90: {  	v57 =	vmul.f32 v60, v39;
	v60 =	vor.u32 $0x60, v18;
	v51 =	vadd.f32 v14, v28  }
0x91: {  	v22 =	vadd.f32 v13, v35;
	v13 =	vor.u32 v1, v60;
	v24 =	vadd.f32 v17, v24;
	v35 =	vld.idx.msk [tilespmem:v62+s11+$0x0], $0xffff  }
0x92: {  	v14 =	vmul.f32 v15, v39;
	v15 =	vperm.xlane v10, v18;
	v17 =	vld.idx.msk [tilespmem:v36+s11+$0x0], $0xffff;
	v36 =	vor.u32 v2, v60  }
0x93: {  	v29 =	vmul.f32 v29, v39;
	v39 =	vmul.f32 v56, v39;
	v56 =	vor.u32 v3, v60  }
0x94: {  	v28 =	vadd.f32 v57, v45;
	v57 =	vmul.f32 v59, v15;
	v59 =	vor.u32 v4, v60  }
0x95: {  	v58 =	vld.idx.msk [tilespmem:v58+s11+$0x0], $0xffff;
	v45 =	vadd.f32 v14, v34;
	v60 =	vor.u32 $0x70, v53  }
0x96: {  	v14 =	vadd.f32 v29, v41;
	v34 =	vld.idx.msk [tilespmem:v13+s11+$0x0], $0xffff;
	v26 =	vadd.f32 v39, v26;
	v41 =	vor.u32 v1, v60  }
0x97: {  	v35 =	vmul.f32 v35, v15;
	v53 =	vadd.s32 $0x2, v0;
	v36 =	vld.idx.msk [tilespmem:v36+s11+$0x0], $0xffff;
	v39 =	vor.u32 v2, v60  }
0x98: {  	v17 =	vmul.f32 v17, v15;
	v29 =	vadd.f32 v57, v55;
	v56 =	vld.idx.msk [tilespmem:v56+s11+$0x0], $0xffff;
	v57 =	vor.u32 v3, v60  }
0x99: {  	v13 =	vand.u32 $0xF, v53;
	v55 =	vperm.xlane v11, v18;
	v60 =	vor.u32 v4, v60;
	v59 =	vld.idx.msk [tilespmem:v59+s11+$0x0], $0xffff  }
0x9a: {  	v58 =	vmul.f32 v58, v15;
	v15 =	vadd.f32 v17, v47;
	v47 =	vor.u32 v1, v13  }
0x9b: {  	v31 =	vadd.f32 v35, v31;
	v18 =	vperm.xlane v12, v18;
	v17 =	vmul.f32 v34, v55;
	v41 =	vld.idx.msk [tilespmem:v41+s11+$0x0], $0xffff  }
0x9c: {  	v63 =	vor.u32 v3, v13;
	v34 =	vadd.f32 v58, v38;
	v58 =	vor.u32 $0x10, v53;
	v38 =	vld.idx.msk [tilespmem:v39+s11+$0x0], $0xffff  }
0x9d: {  	v35 =	vadd.f32 v17, v48;
	v17 =	vmul.f32 v36, v55;
	v39 =	vor.u32 v2, v13;
	v62 =	vld.idx.msk [tilespmem:v57+s11+$0x0], $0xffff  }
0x9e: {  	v61 =	vmul.f32 v56, v55;
	v57 =	vld.idx.msk [tilespmem:v60+s11+$0x0], $0xffff;
	v55 =	vmul.f32 v59, v55;
	v59 =	vor.u32 v4, v13  }
0x9f: {  	v17 =	vadd.f32 v17, v49;
	v47 =	vld.idx.msk [tilespmem:v47+s11+$0x0], $0xffff;
	v49 =	vor.u32 v1, v58  }
0xa0: {  	v48 =	vperm.xlane v5, v13;
	v60 =	vor.u32 v3, v58;
	v41 =	vmul.f32 v41, v18  }
0xa1: {  	v56 =	vld.idx.msk [tilespmem:v63+s11+$0x0], $0xffff;
	v36 =	vadd.f32 v61, v16;
	v37 =	vadd.f32 v55, v37;
	v55 =	vor.u32 v2, v58  }
0xa2: {  	v16 =	vmul.f32 v38, v18;
	v38 =	vmul.f32 v62, v18;
	v33 =	vadd.f32 v41, v33;
	v41 =	vld.idx.msk [tilespmem:v39+s11+$0x0], $0xffff  }
0xa3: {  	v61 =	vmul.f32 v57, v18;
	v58 =	vor.u32 v4, v58;
	v57 =	vld.idx.msk [tilespmem:v59+s11+$0x0], $0xffff;
	v59 =	vor.u32 $0x20, v13  }
0xa4: {  	v18 =	vadd.f32 v16, v50;
	v16 =	vmul.f32 v47, v48;
	v47 =	vld.idx.msk [tilespmem:v49+s11+$0x0], $0xffff;
	v49 =	vor.u32 v1, v59  }
0xa5: {  	v38 =	vadd.f32 v38, v19;
	v39 =	vadd.f32 v61, v42  }
0xa6: {  	v40 =	vadd.f32 v16, v40;
	v50 =	vor.u32 v2, v59;
	v42 =	vld.idx.msk [tilespmem:v55+s11+$0x0], $0xffff;
	v55 =	vperm.xlane v6, v13  }
0xa7: {  	v16 =	vmul.f32 v41, v48;
	v41 =	vmul.f32 v56, v48;
	v56 =	vld.idx.msk [tilespmem:v60+s11+$0x0], $0xffff;
	v60 =	vor.u32 v3, v59  }
0xa8: {  	v48 =	vmul.f32 v57, v48;
	v57 =	vld.idx.msk [tilespmem:v58+s11+$0x0], $0xffff;
	v58 =	vor.u32 v4, v59;
	v59 =	vor.u32 $0x30, v53  }
0xa9: {  	v19 =	vadd.f32 v16, v20;
	v16 =	vmul.f32 v47, v55;
	v47 =	vld.idx.msk [tilespmem:v49+s11+$0x0], $0xffff;
	v49 =	vor.u32 v1, v59  }
0xaa: {  	v25 =	vadd.f32 v41, v25;
	v27 =	vadd.f32 v48, v27  }
0xab: {  	v41 =	vadd.f32 v16, v54;
	v16 =	vmul.f32 v42, v55;
	v48 =	vld.idx.msk [tilespmem:v50+s11+$0x0], $0xffff;
	v50 =	vor.u32 v2, v59  }
0xac: {  	v54 =	vperm.xlane v7, v13;
	v42 =	vmul.f32 v56, v55;
	v56 =	vld.idx.msk [tilespmem:v60+s11+$0x0], $0xffff;
	v60 =	vor.u32 v3, v59  }
0xad: {  	v62 =	vor.u32 $0x40, v13;
	v55 =	vmul.f32 v57, v55;
	v57 =	vld.idx.msk [tilespmem:v58+s11+$0x0], $0xffff;
	v58 =	vor.u32 v4, v59  }
0xae: {  	v61 =	vor.u32 v1, v62;
	v20 =	vadd.f32 v16, v43;
	v16 =	vmul.f32 v47, v54;
	v63 =	vld.idx.msk [tilespmem:v49+s11+$0x0], $0xffff  }
0xaf: {  	v30 =	vadd.f32 v42, v30;
	v59 =	vor.u32 $0x50, v53;
	v49 =	vor.u32 v2, v62  }
0xb0: {  	v32 =	vadd.f32 v55, v32;
	v42 =	vadd.f32 v16, v44;
	v16 =	vmul.f32 v48, v54;
	v44 =	vld.idx.msk [tilespmem:v50+s11+$0x0], $0xffff  }
0xb1: {  	v48 =	vmul.f32 v56, v54;
	v50 =	vperm.xlane v8, v13;
	v55 =	vld.idx.msk [tilespmem:v60+s11+$0x0], $0xffff;
	v56 =	vor.u32 v3, v62  }
0xb2: {  	v53 =	vor.u32 $0x70, v53;
	v54 =	vmul.f32 v57, v54;
	v57 =	vld.idx.msk [tilespmem:v58+s11+$0x0], $0xffff;
	v58 =	vor.u32 v4, v62  }
0xb3: {  	v60 =	vld.idx.msk [tilespmem:v61+s11+$0x0], $0xffff;
	v61 =	vor.u32 v1, v59;
	v46 =	vadd.f32 v16, v46;
	v16 =	vmul.f32 v63, v50  }
0xb4: {  	v47 =	vadd.f32 v48, v21;
	v48 =	vadd.f32 v54, v23;
	v23 =	vor.u32 v2, v59  }
0xb5: {  	v21 =	vld.idx.msk [tilespmem:v49+s11+$0x0], $0xffff;
	v54 =	vperm.xlane v10, v13;
	v43 =	vadd.f32 v16, v52;
	v16 =	vmul.f32 v44, v50  }
0xb6: {  	v63 =	vor.u32 v3, v59;
	v49 =	vmul.f32 v55, v50;
	v52 =	vperm.xlane v9, v13;
	v62 =	vld.idx.msk [tilespmem:v56+s11+$0x0], $0xffff  }
0xb7: {  	v50 =	vmul.f32 v57, v50;
	v56 =	vld.idx.msk [tilespmem:v58+s11+$0x0], $0xffff;
	v57 =	vor.u32 v4, v59;
	v58 =	vor.u32 $0x60, v13  }
0xb8: {  	v44 =	vadd.f32 v16, v51;
	v16 =	vmul.f32 v60, v52;
	v51 =	vld.idx.msk [tilespmem:v61+s11+$0x0], $0xffff;
	v59 =	vor.u32 v1, v58  }
0xb9: {  	v49 =	vadd.f32 v49, v22;
	v61 =	vperm.xlane v11, v13;
	v60 =	vor.u32 v3, v58  }
0xba: {  	v22 =	vadd.f32 v16, v28;
	v16 =	vmul.f32 v21, v52;
	v21 =	vld.idx.msk [tilespmem:v23+s11+$0x0], $0xffff;
	v28 =	vor.u32 v2, v58  }
0xbb: {  	v13 =	vperm.xlane v12, v13;
	v55 =	vld.idx.msk [tilespmem:v63+s11+$0x0], $0xffff;
	v63 =	vadd.s32 $0x3, v0;
	v58 =	vor.u32 v4, v58  }
0xbc: {  	v24 =	vadd.f32 v50, v24;
	v50 =	vmul.f32 v62, v52;
	v52 =	vmul.f32 v56, v52;
	v57 =	vld.idx.msk [tilespmem:v57+s11+$0x0], $0xffff  }
0xbd: {  	v23 =	vadd.f32 v16, v45;
	v16 =	vmul.f32 v51, v54;
	v51 =	vld.idx.msk [tilespmem:v59+s11+$0x0], $0xffff;
	v59 =	vor.u32 v1, v53  }
0xbe: {  	v62 =	vor.u32 v3, v53;
	v60 =	vld.idx.msk [tilespmem:v60+s11+$0x0], $0xffff;
	v45 =	vadd.f32 v52, v26;
	v52 =	vor.u32 v2, v53  }
0xbf: {  	v56 =	vadd.f32 v50, v14;
	v14 =	vadd.f32 v16, v29;
	v21 =	vmul.f32 v21, v54;
	v29 =	vld.idx.msk [tilespmem:v28+s11+$0x0], $0xffff  }
0xc0: {  	v26 =	vmul.f32 v55, v54;
	v55 =	vld.idx.msk [tilespmem:v58+s11+$0x0], $0xffff;
	v53 =	vor.u32 v4, v53;
	v16 =	vand.u32 $0xF, v63  }
0xc1: {  	v58 =	vor.u32 v3, v16;
	v28 =	vmul.f32 v57, v54;
	v57 =	vor.u32 v1, v16  }
0xc2: {  	v50 =	vadd.f32 v21, v15;
	v26 =	vadd.f32 v26, v31;
	v51 =	vmul.f32 v51, v61;
	v54 =	vld.idx.msk [tilespmem:v59+s11+$0x0], $0xffff  }
0xc3: {  	v31 =	vmul.f32 v60, v61;
	v59 =	vor.u32 $0x10, v63;
	v60 =	vor.u32 v4, v16;
	v15 =	vld.idx.msk [tilespmem:v52+s11+$0x0], $0xffff  }
0xc4: {  	v28 =	vadd.f32 v28, v34;
	v29 =	vmul.f32 v29, v61;
	v21 =	vadd.f32 v51, v35;
	v35 =	vld.idx.msk [tilespmem:v62+s11+$0x0], $0xffff  }
0xc5: {  	v34 =	vor.u32 v2, v16;
	v53 =	vld.idx.msk [tilespmem:v53+s11+$0x0], $0xffff;
	v55 =	vmul.f32 v55, v61;
	v61 =	vor.u32 v1, v59  }
0xc6: {  	v52 =	vadd.f32 v31, v36;
	v36 =	vor.u32 v2, v59;
	v51 =	vadd.f32 v29, v17;
	v57 =	vld.idx.msk [tilespmem:v57+s11+$0x0], $0xffff  }
0xc7: {  	v29 =	vadd.f32 v55, v37;
	v37 =	vperm.xlane v5, v16;
	v54 =	vmul.f32 v54, v13  }
0xc8: {  	v55 =	vld.idx.msk [tilespmem:v58+s11+$0x0], $0xffff;
	v58 =	vor.u32 v3, v59;
	v59 =	vor.u32 v4, v59;
	v15 =	vmul.f32 v15, v13  }
0xc9: {  	v31 =	vadd.f32 v54, v33;
	v33 =	vmul.f32 v35, v13;
	v35 =	vld.idx.msk [tilespmem:v60+s11+$0x0], $0xffff;
	v60 =	vor.u32 $0x20, v16  }
0xca: {  	v17 =	vld.idx.msk [tilespmem:v34+s11+$0x0], $0xffff;
	v13 =	vmul.f32 v53, v13;
	v53 =	vadd.f32 v15, v18;
	v18 =	vor.u32 v2, v60  }
0xcb: {  	v34 =	vmul.f32 v57, v37;
	v57 =	vld.idx.msk [tilespmem:v61+s11+$0x0], $0xffff;
	v61 =	vor.u32 v1, v60  }
0xcc: {  	v54 =	vadd.f32 v33, v38;
	v33 =	vadd.f32 v13, v39;
	v13 =	vld.idx.msk [tilespmem:v36+s11+$0x0], $0xffff;
	v38 =	vor.u32 v3, v60  }
0xcd: {  	v36 =	vld.idx.msk [tilespmem:v58+s11+$0x0], $0xffff;
	v58 =	vor.u32 v4, v60  }
0xce: {  	v55 =	vmul.f32 v55, v37;
	v34 =	vadd.f32 v34, v40;
	v40 =	vld.idx.msk [tilespmem:v59+s11+$0x0], $0xffff  }
0xcf: {  	v15 =	vmul.f32 v17, v37;
	v17 =	vperm.xlane v6, v16;
	v18 =	vld.idx.msk [tilespmem:v18+s11+$0x0], $0xffff  }
0xd0: {  	v25 =	vadd.f32 v55, v25;
	v59 =	vor.u32 $0x30, v63;
	v35 =	vmul.f32 v35, v37;
	v60 =	vld.idx.msk [tilespmem:v61+s11+$0x0], $0xffff  }
0xd1: {  	v39 =	vor.u32 v3, v59;
	v37 =	vmul.f32 v57, v17;
	v61 =	vor.u32 v1, v59;
	v38 =	vld.idx.msk [tilespmem:v38+s11+$0x0], $0xffff  }
0xd2: {  	v57 =	vadd.f32 v15, v19;
	v55 =	vadd.f32 v35, v27;
	v19 =	vmul.f32 v36, v17;
	v36 =	vld.idx.msk [tilespmem:v58+s11+$0x0], $0xffff  }
0xd3: {  	v35 =	vor.u32 v2, v59;
	v13 =	vmul.f32 v13, v17;
	v17 =	vmul.f32 v40, v17  }
0xd4: {  	v58 =	vor.u32 v4, v59;
	v15 =	vadd.f32 v37, v41;
	v37 =	vperm.xlane v7, v16  }
0xd5: {  	v59 =	vor.u32 $0x40, v16;
	v27 =	vadd.f32 v19, v30;
	v30 =	vadd.f32 v17, v32  }
0xd6: {  	v17 =	vmul.f32 v18, v37;
	v40 =	vmul.f32 v60, v37;
	v60 =	vld.idx.msk [tilespmem:v61+s11+$0x0], $0xffff;
	v61 =	vor.u32 v1, v59  }
0xd7: {  	v32 =	vmul.f32 v38, v37;
	v62 =	vmul.f32 v36, v37;
	v37 =	vor.u32 v4, v59  }
0xd8: {  	v41 =	vadd.f32 v13, v20;
	v20 =	vor.u32 v2, v59;
	v39 =	vld.idx.msk [tilespmem:v39+s11+$0x0], $0xffff  }
0xd9: {  	v13 =	vld.idx.msk [tilespmem:v35+s11+$0x0], $0xffff;
	v19 =	vadd.f32 v40, v42;
	v40 =	vperm.xlane v8, v16;
	v42 =	vor.u32 v3, v59  }
0xda: {  	v36 =	vld.idx.msk [tilespmem:v58+s11+$0x0], $0xffff;
	v18 =	vadd.f32 v17, v46;
	v46 =	vor.u32 $0x50, v63;
	v32 =	vadd.f32 v32, v47  }
0xdb: {  	v35 =	vadd.f32 v62, v48;
	v47 =	vor.u32 v1, v46;
	v17 =	vmul.f32 v60, v40;
	v38 =	vld.idx.msk [tilespmem:v61+s11+$0x0], $0xffff  }
0xdc: {  	v48 =	vor.u32 v2, v46;
	v60 =	vor.u32 v3, v46;
	v37 =	vld.idx.msk [tilespmem:v37+s11+$0x0], $0xffff;
	v46 =	vor.u32 v4, v46  }
0xdd: {  	v39 =	vmul.f32 v39, v40;
	v17 =	vadd.f32 v17, v43;
	v43 =	vld.idx.msk [tilespmem:v20+s11+$0x0], $0xffff  }
0xde: {  	v58 =	vperm.xlane v9, v16;
	v13 =	vmul.f32 v13, v40;
	v59 =	vld.idx.msk [tilespmem:v42+s11+$0x0], $0xffff  }
0xdf: {  	v40 =	vmul.f32 v36, v40;
	v61 =	vor.u32 $0x60, v16;
	v36 =	vadd.f32 v39, v49  }
0xe0: {  	v20 =	vadd.f32 v13, v44;
	v44 =	vor.u32 v1, v61;
	v39 =	vld.idx.msk [tilespmem:v47+s11+$0x0], $0xffff;
	v13 =	vmul.f32 v38, v58  }
0xe1: {  	v24 =	vadd.f32 v40, v24;
	v40 =	vor.u32 v2, v61;
	v47 =	vor.u32 v3, v61;
	v46 =	vld.idx.msk [tilespmem:v46+s11+$0x0], $0xffff  }
0xe2: {  	v49 =	vmul.f32 v37, v58;
	v42 =	vadd.f32 v13, v22;
	v13 =	vmul.f32 v43, v58;
	v43 =	vld.idx.msk [tilespmem:v48+s11+$0x0], $0xffff  }
0xe3: {  	v22 =	vmul.f32 v59, v58;
	v48 =	vld.idx.msk [tilespmem:v60+s11+$0x0], $0xffff;
	v59 =	vor.u32 v4, v61;
	v60 =	vor.u32 $0x70, v63  }
0xe4: {  	v58 =	vperm.xlane v10, v16;
	v63 =	vperm.xlane v11, v16;
	v61 =	vor.u32 v1, v60  }
0xe5: {  	v62 =	vor.u32 v3, v60;
	v37 =	vadd.f32 v13, v23;
	v23 =	vld.idx.msk [tilespmem:v44+s11+$0x0], $0xffff;
	v44 =	vor.u32 v2, v60  }
0xe6: {  	v47 =	vld.idx.msk [tilespmem:v47+s11+$0x0], $0xffff;
	v38 =	vadd.f32 v22, v56;
	v22 =	vadd.f32 v49, v45;
	v60 =	vor.u32 v4, v60  }
0xe7: {  	v39 =	vmul.f32 v39, v58;
	v45 =	vld.idx.msk [tilespmem:v40+s11+$0x0], $0xffff;
	v49 =	vadd.s32 $0x4, v0;
	v40 =	vmul.f32 v43, v58  }
0xe8: {  	v13 =	vand.u32 $0xF, v49;
	v46 =	vmul.f32 v46, v58;
	v59 =	vld.idx.msk [tilespmem:v59+s11+$0x0], $0xffff;
	v48 =	vmul.f32 v48, v58  }
0xe9: {  	v56 =	vadd.f32 v39, v14;
	v58 =	vld.idx.msk [tilespmem:v61+s11+$0x0], $0xffff;
	v61 =	vor.u32 v1, v13;
	v43 =	vadd.f32 v40, v50  }
0xea: {  	v14 =	vmul.f32 v23, v63;
	v39 =	vadd.f32 v48, v26;
	v23 =	vld.idx.msk [tilespmem:v44+s11+$0x0], $0xffff;
	v26 =	vor.u32 v2, v13  }
0xeb: {  	v40 =	vadd.f32 v46, v28;
	v28 =	vor.u32 v3, v13;
	v46 =	vmul.f32 v47, v63;
	v47 =	vld.idx.msk [tilespmem:v60+s11+$0x0], $0xffff  }
0xec: {  	v48 =	vor.u32 v4, v13;
	v44 =	vadd.f32 v14, v21;
	v14 =	vmul.f32 v45, v63  }
0xed: {  	v16 =	vperm.xlane v12, v16;
	v21 =	vld.idx.msk [tilespmem:v62+s11+$0x0], $0xffff;
	v50 =	vmul.f32 v59, v63;
	v59 =	vor.u32 $0x10, v49  }
0xee: {  	v60 =	vld.idx.msk [tilespmem:v61+s11+$0x0], $0xffff;
	v45 =	vadd.f32 v14, v51;
	v14 =	vadd.f32 v46, v52;
	v46 =	vor.u32 v1, v59  }
0xef: {  	v58 =	vmul.f32 v58, v16;
	v29 =	vadd.f32 v50, v29;
	v26 =	vld.idx.msk [tilespmem:v26+s11+$0x0], $0xffff;
	v50 =	vor.u32 v2, v59  }
0xf0: {  	v52 =	vor.u32 v3, v59;
	v23 =	vmul.f32 v23, v16;
	v28 =	vld.idx.msk [tilespmem:v28+s11+$0x0], $0xffff;
	v61 =	vmul.f32 v47, v16  }
0xf1: {  	v48 =	vld.idx.msk [tilespmem:v48+s11+$0x0], $0xffff;
	v31 =	vadd.f32 v58, v31;
	v58 =	vor.u32 v4, v59;
	v59 =	vor.u32 $0x20, v13  }
0xf2: {  	v51 =	vperm.xlane v5, v13;
	v21 =	vmul.f32 v21, v16;
	v62 =	vor.u32 v1, v59  }
0xf3: {  	v47 =	vadd.f32 v23, v53;
	v33 =	vadd.f32 v61, v33;
	v61 =	vor.u32 v2, v59;
	v46 =	vld.idx.msk [tilespmem:v46+s11+$0x0], $0xffff  }
0xf4: {  	v60 =	vmul.f32 v60, v51;
	v16 =	vadd.f32 v21, v54;
	v54 =	vor.u32 $0x30, v49;
	v50 =	vld.idx.msk [tilespmem:v50+s11+$0x0], $0xffff  }
0xf5: {  	v21 =	vmul.f32 v26, v51;
	v23 =	vmul.f32 v28, v51;
	v26 =	vld.idx.msk [tilespmem:v52+s11+$0x0], $0xffff;
	v28 =	vor.u32 v3, v59  }
0xf6: {  	v48 =	vmul.f32 v48, v51;
	v52 =	vor.u32 v4, v59;
	v59 =	vor.u32 v1, v54;
	v51 =	vld.idx.msk [tilespmem:v58+s11+$0x0], $0xffff  }
0xf7: {  	v34 =	vadd.f32 v60, v34;
	v21 =	vadd.f32 v21, v57;
	v57 =	vperm.xlane v6, v13;
	v58 =	vld.idx.msk [tilespmem:v62+s11+$0x0], $0xffff  }
0xf8: {  	v23 =	vadd.f32 v23, v25;
	v25 =	vadd.f32 v48, v55;
	v48 =	vor.u32 v2, v54  }
0xf9: {  	v60 =	vperm.xlane v7, v13;
	v53 =	vld.idx.msk [tilespmem:v61+s11+$0x0], $0xffff;
	v55 =	vor.u32 v3, v54;
	v54 =	vor.u32 v4, v54  }
0xfa: {  	v61 =	vor.u32 $0x40, v13;
	v46 =	vmul.f32 v46, v57;
	v50 =	vmul.f32 v50, v57;
	v28 =	vld.idx.msk [tilespmem:v28+s11+$0x0], $0xffff  }
0xfb: {  	v62 =	vor.u32 v1, v61;
	v26 =	vmul.f32 v26, v57;
	v52 =	vld.idx.msk [tilespmem:v52+s11+$0x0], $0xffff;
	v57 =	vmul.f32 v51, v57  }
0xfc: {  	v51 =	vadd.f32 v46, v15;
	v46 =	vadd.f32 v50, v41;
	v15 =	vmul.f32 v58, v60;
	v58 =	vld.idx.msk [tilespmem:v59+s11+$0x0], $0xffff  }
0xfd: {  	v41 =	vadd.f32 v26, v27;
	v59 =	vor.u32 v2, v61;
	v30 =	vadd.f32 v57, v30;
	v57 =	vld.idx.msk [tilespmem:v48+s11+$0x0], $0xffff  }
0xfe: {  	v48 =	vadd.f32 v15, v19;
	v15 =	vmul.f32 v53, v60;
	v19 =	vld.idx.msk [tilespmem:v55+s11+$0x0], $0xffff;
	v53 =	vor.u32 v3, v61  }
0xff: {  	v55 =	vor.u32 v4, v61;
	v61 =	vor.u32 $0x50, v49;
	v26 =	vmul.f32 v28, v60;
	v28 =	vld.idx.msk [tilespmem:v54+s11+$0x0], $0xffff  }
0x100: {  	v27 =	vmul.f32 v52, v60;
	v52 =	vperm.xlane v8, v13;
	v60 =	vld.idx.msk [tilespmem:v62+s11+$0x0], $0xffff;
	v62 =	vor.u32 v1, v61  }
0x101: {  	v50 =	vadd.f32 v15, v18;
	v26 =	vadd.f32 v26, v32  }
0x102: {  	v27 =	vadd.f32 v27, v35;
	v15 =	vmul.f32 v58, v52;
	v18 =	vld.idx.msk [tilespmem:v59+s11+$0x0], $0xffff;
	v58 =	vor.u32 v2, v61  }
0x103: {  	v59 =	vor.u32 v3, v61;
	v32 =	vmul.f32 v57, v52;
	v57 =	vperm.xlane v9, v13;
	v53 =	vld.idx.msk [tilespmem:v53+s11+$0x0], $0xffff  }
0x104: {  	v54 =	vadd.f32 v15, v17;
	v15 =	vmul.f32 v19, v52;
	v19 =	vld.idx.msk [tilespmem:v55+s11+$0x0], $0xffff;
	v17 =	vmul.f32 v28, v52  }
0x105: {  	v35 =	vmul.f32 v60, v57;
	v55 =	vld.idx.msk [tilespmem:v62+s11+$0x0], $0xffff;
	v60 =	vor.u32 v4, v61;
	v61 =	vor.u32 $0x60, v13  }
0x106: {  	v52 =	vadd.f32 v32, v20;
	v28 =	vadd.f32 v15, v36;
	v15 =	vor.u32 v1, v61  }
0x107: {  	v32 =	vadd.f32 v17, v24;
	v35 =	vadd.f32 v35, v42;
	v17 =	vld.idx.msk [tilespmem:v58+s11+$0x0], $0xffff  }
0x108: {  	v18 =	vmul.f32 v18, v57;
	v24 =	vperm.xlane v10, v13;
	v42 =	vld.idx.msk [tilespmem:v59+s11+$0x0], $0xffff;
	v58 =	vor.u32 v2, v61  }
0x109: {  	v59 =	vor.u32 v4, v61;
	v20 =	vmul.f32 v53, v57;
	v53 =	vor.u32 v3, v61  }
0x10a: {  	v19 =	vmul.f32 v19, v57;
	v55 =	vmul.f32 v55, v24;
	v57 =	vld.idx.msk [tilespmem:v60+s11+$0x0], $0xffff;
	v60 =	vor.u32 $0x70, v49  }
0x10b: {  	v49 =	vadd.f32 v18, v37;
	v20 =	vadd.f32 v20, v38;
	v18 =	vld.idx.msk [tilespmem:v15+s11+$0x0], $0xffff;
	v62 =	vor.u32 v1, v60  }
0x10c: {  	v36 =	vadd.f32 v19, v22;
	v37 =	vadd.f32 v55, v56  }
0x10d: {  	v17 =	vmul.f32 v17, v24;
	v19 =	vmul.f32 v42, v24;
	v22 =	vld.idx.msk [tilespmem:v58+s11+$0x0], $0xffff;
	v42 =	vor.u32 v2, v60  }
0x10e: {  	v56 =	vperm.xlane v11, v13;
	v58 =	vor.u32 v3, v60;
	v55 =	vadd.s32 $0x5, v0;
	v53 =	vld.idx.msk [tilespmem:v53+s11+$0x0], $0xffff  }
0x10f: {  	v15 =	vand.u32 $0xF, v55;
	v24 =	vmul.f32 v57, v24;
	v57 =	vld.idx.msk [tilespmem:v59+s11+$0x0], $0xffff;
	v59 =	vor.u32 v4, v60  }
0x110: {  	v17 =	vadd.f32 v17, v43;
	v60 =	vor.u32 v1, v15;
	v18 =	vmul.f32 v18, v56;
	v43 =	vld.idx.msk [tilespmem:v62+s11+$0x0], $0xffff  }
0x111: {  	v38 =	vadd.f32 v19, v39;
	v39 =	vadd.f32 v24, v40  }
0x112: {  	v19 =	vld.idx.msk [tilespmem:v42+s11+$0x0], $0xffff;
	v40 =	vadd.f32 v18, v44;
	v18 =	vmul.f32 v22, v56;
	v22 =	vor.u32 v2, v15  }
0x113: {  	v13 =	vperm.xlane v12, v13;
	v44 =	vld.idx.msk [tilespmem:v58+s11+$0x0], $0xffff;
	v24 =	vmul.f32 v53, v56;
	v53 =	vor.u32 v3, v15  }
0x114: {  	v58 =	vor.u32 $0x10, v55;
	v56 =	vmul.f32 v57, v56;
	v57 =	vld.idx.msk [tilespmem:v59+s11+$0x0], $0xffff;
	v59 =	vor.u32 v4, v15  }
0x115: {  	v61 =	vor.u32 v1, v58;
	v18 =	vadd.f32 v18, v45;
	v60 =	vld.idx.msk [tilespmem:v60+s11+$0x0], $0xffff;
	v45 =	vmul.f32 v43, v13  }
0x116: {  	v62 =	vor.u32 v3, v58;
	v42 =	vadd.f32 v24, v14  }
0x117: {  	v14 =	vmul.f32 v19, v13;
	v31 =	vadd.f32 v45, v31;
	v22 =	vld.idx.msk [tilespmem:v22+s11+$0x0], $0xffff;
	v45 =	vor.u32 v2, v58  }
0x118: {  	v43 =	vadd.f32 v56, v29;
	v56 =	vperm.xlane v5, v15;
	v24 =	vmul.f32 v44, v13;
	v53 =	vld.idx.msk [tilespmem:v53+s11+$0x0], $0xffff  }
0x119: {  	v58 =	vor.u32 v4, v58;
	v13 =	vmul.f32 v57, v13;
	v57 =	vld.idx.msk [tilespmem:v59+s11+$0x0], $0xffff;
	v59 =	vor.u32 $0x20, v15  }
0x11a: {  	v19 =	vadd.f32 v14, v47;
	v47 =	vld.idx.msk [tilespmem:v61+s11+$0x0], $0xffff;
	v14 =	vmul.f32 v60, v56;
	v60 =	vor.u32 v1, v59  }
0x11b: {  	v44 =	vadd.f32 v24, v16;
	v16 =	vor.u32 v2, v59  }
0x11c: {  	v24 =	vadd.f32 v13, v33;
	v29 =	vadd.f32 v14, v34;
	v13 =	vmul.f32 v22, v56;
	v14 =	vld.idx.msk [tilespmem:v45+s11+$0x0], $0xffff  }
0x11d: {  	v61 =	vld.idx.msk [tilespmem:v62+s11+$0x0], $0xffff;
	v62 =	vor.u32 v3, v59;
	v22 =	vmul.f32 v53, v56;
	v53 =	vperm.xlane v6, v15  }
0x11e: {  	v63 =	vmul.f32 v57, v56;
	v56 =	vld.idx.msk [tilespmem:v58+s11+$0x0], $0xffff;
	v57 =	vor.u32 v4, v59;
	v58 =	vor.u32 $0x30, v55  }
0x11f: {  	v33 =	vadd.f32 v13, v21;
	v13 =	vmul.f32 v47, v53;
	v21 =	vld.idx.msk [tilespmem:v60+s11+$0x0], $0xffff;
	v47 =	vor.u32 v1, v58  }
0x120: {  	v34 =	vadd.f32 v22, v23;
	v60 =	vor.u32 v3, v58  }
0x121: {  	v45 =	vadd.f32 v63, v25;
	v22 =	vadd.f32 v13, v51;
	v13 =	vmul.f32 v14, v53;
	v14 =	vld.idx.msk [tilespmem:v16+s11+$0x0], $0xffff  }
0x122: {  	v59 =	vld.idx.msk [tilespmem:v62+s11+$0x0], $0xffff;
	v25 =	vor.u32 v2, v58;
	v58 =	vor.u32 v4, v58;
	v51 =	vperm.xlane v7, v15  }
0x123: {  	v16 =	vmul.f32 v61, v53;
	v61 =	vor.u32 $0x40, v15;
	v56 =	vmul.f32 v56, v53;
	v57 =	vld.idx.msk [tilespmem:v57+s11+$0x0], $0xffff  }
0x124: {  	v23 =	vadd.f32 v13, v46;
	v13 =	vmul.f32 v21, v51;
	v21 =	vld.idx.msk [tilespmem:v47+s11+$0x0], $0xffff;
	v47 =	vor.u32 v1, v61  }
0x125: {  	v53 =	vadd.f32 v16, v41;
	v41 =	vadd.f32 v56, v30  }
0x126: {  	v30 =	vor.u32 v2, v61;
	v56 =	vld.idx.msk [tilespmem:v60+s11+$0x0], $0xffff;
	v16 =	vadd.f32 v13, v48;
	v13 =	vmul.f32 v14, v51  }
0x127: {  	v25 =	vld.idx.msk [tilespmem:v25+s11+$0x0], $0xffff;
	v14 =	vmul.f32 v59, v51;
	v48 =	vperm.xlane v8, v15;
	v59 =	vor.u32 v3, v61  }
0x128: {  	v60 =	vor.u32 $0x50, v55;
	v51 =	vmul.f32 v57, v51;
	v57 =	vld.idx.msk [tilespmem:v58+s11+$0x0], $0xffff;
	v58 =	vor.u32 v4, v61  }
0x129: {  	v46 =	vadd.f32 v13, v50;
	v13 =	vmul.f32 v21, v48;
	v21 =	vld.idx.msk [tilespmem:v47+s11+$0x0], $0xffff;
	v47 =	vor.u32 v1, v60  }
0x12a: {  	v55 =	vor.u32 $0x70, v55;
	v50 =	vadd.f32 v14, v26;
	v51 =	vadd.f32 v51, v27  }
0x12b: {  	v27 =	vld.idx.msk [tilespmem:v30+s11+$0x0], $0xffff;
	v30 =	vor.u32 v2, v60;
	v26 =	vmul.f32 v56, v48;
	v14 =	vadd.f32 v13, v54  }
0x12c: {  	v13 =	vmul.f32 v25, v48;
	v54 =	vperm.xlane v9, v15;
	v56 =	vld.idx.msk [tilespmem:v59+s11+$0x0], $0xffff;
	v59 =	vor.u32 v3, v60  }
0x12d: {  	v48 =	vmul.f32 v57, v48;
	v57 =	vld.idx.msk [tilespmem:v58+s11+$0x0], $0xffff;
	v58 =	vor.u32 v4, v60;
	v60 =	vor.u32 $0x60, v15  }
0x12e: {  	v25 =	vadd.f32 v13, v52;
	v13 =	vmul.f32 v21, v54;
	v21 =	vld.idx.msk [tilespmem:v47+s11+$0x0], $0xffff;
	v61 =	vor.u32 v1, v60  }
0x12f: {  	v52 =	vor.u32 v1, v55;
	v47 =	vadd.f32 v26, v28  }
0x130: {  	v28 =	vor.u32 v2, v60;
	v26 =	vadd.f32 v13, v35;
	v13 =	vmul.f32 v27, v54;
	v27 =	vld.idx.msk [tilespmem:v30+s11+$0x0], $0xffff  }
0x131: {  	v30 =	vmul.f32 v56, v54;
	v35 =	vperm.xlane v10, v15;
	v56 =	vld.idx.msk [tilespmem:v59+s11+$0x0], $0xffff;
	v59 =	vor.u32 v3, v60  }
0x132: {  	v48 =	vadd.f32 v48, v32;
	v54 =	vmul.f32 v57, v54;
	v57 =	vld.idx.msk [tilespmem:v58+s11+$0x0], $0xffff;
	v58 =	vor.u32 v4, v60  }
0x133: {  	v32 =	vadd.f32 v13, v49;
	v49 =	vadd.f32 v30, v20;
	v13 =	vmul.f32 v21, v35;
	v21 =	vld.idx.msk [tilespmem:v61+s11+$0x0], $0xffff  }
0x134: {  	v30 =	vor.u32 v2, v55;
	v60 =	vperm.xlane v11, v15;
	v61 =	vor.u32 v3, v55  }
0x135: {  	v28 =	vld.idx.msk [tilespmem:v28+s11+$0x0], $0xffff;
	v20 =	vadd.f32 v54, v36;
	v36 =	vadd.f32 v13, v37;
	v37 =	vadd.s32 $0x6, v0  }
0x136: {  	v55 =	vor.u32 v4, v55;
	v27 =	vmul.f32 v27, v35;
	v59 =	vld.idx.msk [tilespmem:v59+s11+$0x0], $0xffff;
	v13 =	vand.u32 $0xF, v37  }
0x137: {  	v15 =	vperm.xlane v12, v15;
	v62 =	vmul.f32 v56, v35;
	v56 =	vld.idx.msk [tilespmem:v58+s11+$0x0], $0xffff;
	v58 =	vor.u32 v1, v13  }
0x138: {  	v35 =	vmul.f32 v57, v35;
	v57 =	vld.idx.msk [tilespmem:v52+s11+$0x0], $0xffff;
	v52 =	vadd.f32 v27, v17;
	v21 =	vmul.f32 v21, v60  }
0x139: {  	v54 =	vadd.f32 v62, v38;
	v17 =	vld.idx.msk [tilespmem:v30+s11+$0x0], $0xffff;
	v27 =	vor.u32 v2, v13;
	v30 =	vor.u32 v3, v13  }
0x13a: {  	v38 =	vadd.f32 v35, v39;
	v39 =	vadd.f32 v21, v40;
	v21 =	vmul.f32 v28, v60;
	v28 =	vld.idx.msk [tilespmem:v61+s11+$0x0], $0xffff  }
0x13b: {  	v35 =	vmul.f32 v59, v60;
	v40 =	vld.idx.msk [tilespmem:v55+s11+$0x0], $0xffff;
	v59 =	vor.u32 $0x10, v37;
	v61 =	vor.u32 v4, v13  }
0x13c: {  	v62 =	vor.u32 v1, v59;
	v56 =	vmul.f32 v56, v60;
	v58 =	vld.idx.msk [tilespmem:v58+s11+$0x0], $0xffff  }
0x13d: {  	v57 =	vmul.f32 v57, v15;
	v60 =	vadd.f32 v21, v18;
	v55 =	vadd.f32 v35, v42  }
0x13e: {  	v18 =	vld.idx.msk [tilespmem:v27+s11+$0x0], $0xffff;
	v17 =	vmul.f32 v17, v15;
	v35 =	vperm.xlane v5, v13;
	v42 =	vor.u32 v3, v59  }
0x13f: {  	v30 =	vld.idx.msk [tilespmem:v30+s11+$0x0], $0xffff;
	v56 =	vadd.f32 v56, v43;
	v21 =	vadd.f32 v57, v31;
	v31 =	vor.u32 v2, v59  }
0x140: {  	v57 =	vor.u32 v4, v59;
	v27 =	vmul.f32 v28, v15;
	v43 =	vld.idx.msk [tilespmem:v61+s11+$0x0], $0xffff;
	v61 =	vor.u32 $0x20, v13  }
0x141: {  	v15 =	vmul.f32 v40, v15;
	v40 =	vld.idx.msk [tilespmem:v62+s11+$0x0], $0xffff;
	v62 =	vor.u32 v1, v61;
	v28 =	vmul.f32 v58, v35  }
0x142: {  	v58 =	vadd.f32 v17, v19;
	v59 =	vadd.f32 v27, v44;
	v17 =	vor.u32 v2, v61  }
0x143: {  	v27 =	vadd.f32 v15, v24;
	v19 =	vor.u32 v3, v61;
	v42 =	vld.idx.msk [tilespmem:v42+s11+$0x0], $0xffff;
	v44 =	vor.u32 v4, v61  }
0x144: {  	v18 =	vmul.f32 v18, v35;
	v24 =	vperm.xlane v6, v13;
	v28 =	vadd.f32 v28, v29;
	v15 =	vld.idx.msk [tilespmem:v31+s11+$0x0], $0xffff  }
0x145: {  	v29 =	vmul.f32 v30, v35;
	v30 =	vmul.f32 v43, v35;
	v35 =	vld.idx.msk [tilespmem:v57+s11+$0x0], $0xffff;
	v43 =	vor.u32 $0x30, v37  }
0x146: {  	v57 =	vadd.f32 v18, v33;
	v18 =	vmul.f32 v40, v24;
	v33 =	vld.idx.msk [tilespmem:v62+s11+$0x0], $0xffff;
	v40 =	vor.u32 v1, v43  }
0x147: {  	v61 =	vor.u32 v2, v43;
	v62 =	vor.u32 $0x40, v13;
	v63 =	vld.idx.msk [tilespmem:v17+s11+$0x0], $0xffff  }
0x148: {  	v17 =	vmul.f32 v42, v24;
	v42 =	vld.idx.msk [tilespmem:v44+s11+$0x0], $0xffff;
	v44 =	vor.u32 v4, v62  }
0x149: {  	v31 =	vadd.f32 v18, v22;
	v18 =	vld.idx.msk [tilespmem:v19+s11+$0x0], $0xffff;
	v19 =	vor.u32 v3, v43;
	v15 =	vmul.f32 v15, v24  }
0x14a: {  	v29 =	vadd.f32 v29, v34;
	v43 =	vor.u32 v4, v43;
	v22 =	vmul.f32 v35, v24  }
0x14b: {  	v24 =	vperm.xlane v7, v13;
	v35 =	vor.u32 v1, v62;
	v23 =	vadd.f32 v15, v23;
	v15 =	vld.idx.msk [tilespmem:v40+s11+$0x0], $0xffff  }
0x14c: {  	v30 =	vadd.f32 v30, v45;
	v45 =	vor.u32 v3, v62;
	v22 =	vadd.f32 v22, v41;
	v41 =	vld.idx.msk [tilespmem:v61+s11+$0x0], $0xffff  }
0x14d: {  	v17 =	vadd.f32 v17, v53;
	v40 =	vor.u32 v2, v62;
	v33 =	vmul.f32 v33, v24;
	v44 =	vld.idx.msk [tilespmem:v44+s11+$0x0], $0xffff  }
0x14e: {  	v34 =	vmul.f32 v63, v24;
	v61 =	vor.u32 $0x50, v37;
	v42 =	vmul.f32 v42, v24;
	v53 =	vld.idx.msk [tilespmem:v19+s11+$0x0], $0xffff  }
0x14f: {  	v19 =	vmul.f32 v18, v24;
	v62 =	vld.idx.msk [tilespmem:v43+s11+$0x0], $0xffff;
	v63 =	vor.u32 v1, v61;
	v43 =	vadd.f32 v33, v16  }
0x150: {  	v18 =	vadd.f32 v34, v46;
	v16 =	vperm.xlane v8, v13;
	v46 =	vperm.xlane v9, v13;
	v33 =	vld.idx.msk [tilespmem:v35+s11+$0x0], $0xffff  }
0x151: {  	v24 =	vadd.f32 v19, v50;
	v19 =	vadd.f32 v42, v51;
	v42 =	vor.u32 v2, v61  }
0x152: {  	v50 =	vor.u32 v4, v61;
	v51 =	vor.u32 $0x60, v13;
	v40 =	vld.idx.msk [tilespmem:v40+s11+$0x0], $0xffff;
	v15 =	vmul.f32 v15, v16  }
0x153: {  	v34 =	vmul.f32 v41, v16;
	v41 =	vld.idx.msk [tilespmem:v45+s11+$0x0], $0xffff;
	v45 =	vor.u32 v3, v61;
	v44 =	vmul.f32 v44, v46  }
0x154: {  	v53 =	vmul.f32 v53, v16;
	v16 =	vmul.f32 v62, v16;
	v61 =	vld.idx.msk [tilespmem:v63+s11+$0x0], $0xffff;
	v62 =	vor.u32 v1, v51  }
0x155: {  	v35 =	vadd.f32 v15, v14;
	v34 =	vadd.f32 v34, v25;
	v14 =	vmul.f32 v33, v46  }
0x156: {  	v25 =	vadd.f32 v53, v47;
	v15 =	vadd.f32 v16, v48;
	v33 =	vld.idx.msk [tilespmem:v42+s11+$0x0], $0xffff;
	v42 =	vor.u32 v2, v51  }
0x157: {  	v47 =	vperm.xlane v10, v13;
	v48 =	vor.u32 v3, v51;
	v16 =	vmul.f32 v40, v46;
	v40 =	vld.idx.msk [tilespmem:v50+s11+$0x0], $0xffff  }
0x158: {  	v63 =	vor.u32 v4, v51;
	v20 =	vadd.f32 v44, v20;
	v45 =	vld.idx.msk [tilespmem:v45+s11+$0x0], $0xffff  }
0x159: {  	v51 =	vor.u32 $0x70, v37;
	v14 =	vadd.f32 v14, v26;
	v61 =	vmul.f32 v61, v47;
	v50 =	vld.idx.msk [tilespmem:v62+s11+$0x0], $0xffff  }
0x15a: {  	v26 =	vmul.f32 v41, v46;
	v37 =	vadd.f32 v16, v32;
	v32 =	vor.u32 v1, v51  }
0x15b: {  	v53 =	vor.u32 v3, v51;
	v46 =	vor.u32 v2, v51;
	v16 =	vadd.f32 v61, v36;
	v36 =	vld.idx.msk [tilespmem:v42+s11+$0x0], $0xffff  }
0x15c: {  	v26 =	vadd.f32 v26, v49;
	v49 =	vperm.xlane v11, v13;
	v42 =	vmul.f32 v33, v47;
	v48 =	vld.idx.msk [tilespmem:v48+s11+$0x0], $0xffff  }
0x15d: {  	v61 =	vadd.s32 $0x7, v0;
	v40 =	vmul.f32 v40, v47;
	v45 =	vmul.f32 v45, v47;
	v47 =	vld.idx.msk [tilespmem:v63+s11+$0x0], $0xffff  }
0x15e: {  	v51 =	vor.u32 v4, v51;
	v33 =	vand.u32 $0xF, v61;
	v50 =	vmul.f32 v50, v49  }
0x15f: {  	v44 =	vadd.f32 v42, v52;
	v32 =	vld.idx.msk [tilespmem:v32+s11+$0x0], $0xffff;
	v41 =	vadd.f32 v45, v54;
	v45 =	vor.u32 v1, v33  }
0x160: {  	v42 =	vadd.f32 v40, v38;
	v38 =	vld.idx.msk [tilespmem:v46+s11+$0x0], $0xffff;
	v40 =	vadd.f32 v50, v39;
	v39 =	vor.u32 v2, v33  }
0x161: {  	v52 =	vor.u32 v3, v33;
	v36 =	vmul.f32 v36, v49;
	v46 =	vmul.f32 v48, v49;
	v48 =	vld.idx.msk [tilespmem:v53+s11+$0x0], $0xffff  }
0x162: {  	v53 =	vor.u32 v4, v33;
	v47 =	vmul.f32 v47, v49;
	v49 =	vor.u32 $0x10, v61  }
0x163: {  	v50 =	vadd.f32 v36, v60;
	v36 =	vperm.xlane v12, v13;
	v60 =	vld.idx.msk [tilespmem:v51+s11+$0x0], $0xffff;
	v62 =	vor.u32 v1, v49  }
0x164: {  	v51 =	vadd.f32 v46, v55;
	v46 =	vor.u32 v2, v49;
	v13 =	vadd.f32 v47, v56;
	v45 =	vld.idx.msk [tilespmem:v45+s11+$0x0], $0xffff  }
0x165: {  	v32 =	vmul.f32 v32, v36;
	v38 =	vmul.f32 v38, v36;
	v47 =	vor.u32 v3, v49;
	v39 =	vld.idx.msk [tilespmem:v39+s11+$0x0], $0xffff  }
0x166: {  	v55 =	vld.idx.msk [tilespmem:v52+s11+$0x0], $0xffff;
	v49 =	vor.u32 v4, v49;
	v56 =	vor.u32 $0x20, v33;
	v48 =	vmul.f32 v48, v36  }
0x167: {  	v63 =	vld.idx.msk [tilespmem:v53+s11+$0x0], $0xffff;
	v52 =	vadd.f32 v32, v21;
	v21 =	vperm.xlane v5, v33;
	v5 =	vor.u32 v1, v56  }
0x168: {  	v53 =	vadd.f32 v38, v58;
	v54 =	vadd.f32 v48, v59;
	v48 =	vor.u32 v2, v56;
	v38 =	vld.idx.msk [tilespmem:v62+s11+$0x0], $0xffff  }
0x169: {  	v62 =	vmul.f32 v60, v36;
	v36 =	vmul.f32 v45, v21;
	v45 =	vld.idx.msk [tilespmem:v46+s11+$0x0], $0xffff;
	v46 =	vor.u32 v3, v56  }
0x16a: {  	v59 =	vor.u32 $0x30, v61;
	v58 =	vld.idx.msk [tilespmem:v47+s11+$0x0], $0xffff;
	v56 =	vor.u32 v4, v56;
	v39 =	vmul.f32 v39, v21  }
0x16b: {  	v60 =	vadd.f32 v62, v27;
	v27 =	vld.idx.msk [tilespmem:v49+s11+$0x0], $0xffff;
	v47 =	vadd.f32 v36, v28;
	v28 =	vor.u32 v1, v59  }
0x16c: {  	v36 =	vperm.xlane v6, v33;
	v5 =	vld.idx.msk [tilespmem:v5+s11+$0x0], $0xffff;
	v32 =	vadd.f32 v39, v57;
	v39 =	vor.u32 v2, v59  }
0x16d: {  	v49 =	vmul.f32 v55, v21;
	v21 =	vmul.f32 v63, v21;
	v55 =	vor.u32 v3, v59;
	v48 =	vld.idx.msk [tilespmem:v48+s11+$0x0], $0xffff  }
0x16e: {  	v62 =	vor.u32 $0x40, v33;
	v59 =	vor.u32 v4, v59;
	v38 =	vmul.f32 v38, v36;
	v57 =	vld.idx.msk [tilespmem:v46+s11+$0x0], $0xffff  }
0x16f: {  	v29 =	vadd.f32 v49, v29;
	v21 =	vadd.f32 v21, v30;
	v49 =	vld.idx.msk [tilespmem:v56+s11+$0x0], $0xffff;
	v56 =	vor.u32 v1, v62  }
0x170: {  	v30 =	vmul.f32 v45, v36;
	v46 =	vadd.f32 v38, v31;
	v31 =	vld.idx.msk [tilespmem:v28+s11+$0x0], $0xffff;
	v28 =	vor.u32 v2, v62  }
0x171: {  	v45 =	vmul.f32 v58, v36;
	v58 =	vperm.xlane v7, v33;
	v63 =	vld.idx.msk [tilespmem:v39+s11+$0x0], $0xffff;
	v39 =	vor.u32 v3, v62  }
0x172: {  	v6 =	vor.u32 $0x50, v61;
	v27 =	vmul.f32 v27, v36;
	v55 =	vld.idx.msk [tilespmem:v55+s11+$0x0], $0xffff;
	v62 =	vor.u32 v4, v62  }
0x173: {  	v7 =	vor.u32 v1, v6;
	v36 =	vadd.f32 v30, v23;
	v5 =	vmul.f32 v5, v58;
	v59 =	vld.idx.msk [tilespmem:v59+s11+$0x0], $0xffff  }
0x174: {  	v30 =	vadd.f32 v45, v17;
	v23 =	vadd.f32 v27, v22;
	v27 =	vor.u32 v2, v6;
	v17 =	vld.idx.msk [tilespmem:v56+s11+$0x0], $0xffff  }
0x175: {  	v45 =	vadd.f32 v5, v43;
	v43 =	vor.u32 v3, v6;
	v38 =	vld.idx.msk [tilespmem:v28+s11+$0x0], $0xffff  }
0x176: {  	v5 =	vmul.f32 v48, v58;
	v6 =	vor.u32 v4, v6;
	v22 =	vmul.f32 v57, v58;
	v48 =	vld.idx.msk [tilespmem:v39+s11+$0x0], $0xffff  }
0x177: {  	v56 =	vor.u32 $0x60, v33;
	v49 =	vmul.f32 v49, v58;
	v57 =	vperm.xlane v8, v33;
	v58 =	vld.idx.msk [tilespmem:v62+s11+$0x0], $0xffff  }
0x178: {  	v28 =	vadd.f32 v22, v24;
	v24 =	vor.u32 v3, v56;
	v39 =	vadd.f32 v5, v18;
	v5 =	vld.idx.msk [tilespmem:v7+s11+$0x0], $0xffff  }
0x179: {  	v22 =	vadd.f32 v49, v19;
	v62 =	vor.u32 v1, v56;
	v18 =	vmul.f32 v31, v57;
	v19 =	vld.idx.msk [tilespmem:v27+s11+$0x0], $0xffff  }
0x17a: {  	v7 =	vor.u32 v2, v56;
	v27 =	vmul.f32 v63, v57;
	v31 =	vld.idx.msk [tilespmem:v43+s11+$0x0], $0xffff;
	v43 =	vor.u32 v4, v56  }
0x17b: {  	v56 =	vor.u32 $0x70, v61;
	v49 =	vadd.f32 v18, v35;
	v18 =	vmul.f32 v55, v57  }
0x17c: {  	v6 =	vld.idx.msk [tilespmem:v6+s11+$0x0], $0xffff;
	v61 =	vperm.xlane v9, v33;
	v55 =	vor.u32 v1, v56;
	v35 =	vadd.f32 v27, v34  }
0x17d: {  	v63 =	vor.u32 v2, v56;
	v27 =	vadd.f32 v18, v25;
	v18 =	vmul.f32 v59, v57;
	v57 =	vld.idx.msk [tilespmem:v24+s11+$0x0], $0xffff  }
0x17e: {  	v25 =	vor.u32 v3, v56;
	v62 =	vld.idx.msk [tilespmem:v62+s11+$0x0], $0xffff  }
0x17f: {  	v17 =	vmul.f32 v17, v61;
	v38 =	vmul.f32 v38, v61;
	v56 =	vor.u32 v4, v56;
	v7 =	vld.idx.msk [tilespmem:v7+s11+$0x0], $0xffff  }
0x180: {  	v59 =	vperm.xlane v10, v33;
	v24 =	vadd.f32 v18, v15;
	v15 =	vmul.f32 v48, v61;
	v43 =	vld.idx.msk [tilespmem:v43+s11+$0x0], $0xffff  }
0x181: {  	v48 =	vadd.f32 v17, v14;
	v34 =	vadd.f32 v38, v37;
	v14 =	vmul.f32 v58, v61;
	v55 =	vld.idx.msk [tilespmem:v55+s11+$0x0], $0xffff  }
0x182: {  	v5 =	vmul.f32 v5, v59;
	v61 =	vld.idx.msk [tilespmem:v63+s11+$0x0], $0xffff;
	v26 =	vadd.f32 v15, v26;
	v15 =	vmul.f32 v19, v59  }
0x183: {  	v17 =	vperm.xlane v11, v33;
	v18 =	vadd.f32 v14, v20;
	v14 =	vmul.f32 v31, v59;
	v20 =	vld.idx.msk [tilespmem:v25+s11+$0x0], $0xffff  }
0x184: {  	v38 =	vadd.f32 v5, v16;
	v5 =	vmul.f32 v6, v59;
	v6 =	vld.idx.msk [tilespmem:v56+s11+$0x0], $0xffff;
	v31 =	vadd.f32 v15, v44  }
0x185: {  	v19 =	vadd.f32 v14, v41;
	v14 =	vmul.f32 v62, v17;
	v7 =	vmul.f32 v7, v17  }
0x186: {  	p1 =	por p0, p0;
	v16 =	vadd.f32 v5, v42;
	v5 =	vmul.f32 v57, v17;
	v15 =	vperm.xlane v12, v33  }
.Ltmp1:
0x187: {  	v37 =	vadd.f32 v14, v40;
	v25 =	vadd.f32 v7, v50;
	v7 =	vmul.f32 v43, v17;
	(pc) =	sbr.rel @p1 .LBB2_6-.Ltmp1, $4  }
0x188: {  	v17 =	vadd.f32 v5, v51;
	v5 =	vmul.f32 v55, v15;
	v63 =	vmul.f32 v61, v15  }
0x189: {  	v14 =	vadd.f32 v7, v13;
	v7 =	vmul.f32 v20, v15;
	v6 =	vmul.f32 v6, v15  }
0x18a: {  	v33 =	vadd.f32 v5, v52;
	v20 =	vadd.f32 v63, v53  }
0x18b: {  	p0 =	por $0x0, $0x0;
	v0 =	vxor.u32 $0x8, v0;
	v15 =	vadd.f32 v7, v54;
	v13 =	vadd.f32 v6, v60  }
0x18c: {  	v0 =	vadd.f32 v46, v47;
	v1 =	vadd.f32 v49, v45  }
0x18d: {  	v2 =	vadd.f32 v38, v48;
	v3 =	vadd.f32 v33, v37  }
0x18e: {  	v4 =	vadd.f32 v36, v32;
	v5 =	vadd.f32 v35, v39  }
0x18f: {  	v6 =	vadd.f32 v31, v34;
	v7 =	vadd.f32 v20, v25  }
0x190: {  	v52 =	vadd.f32 v30, v29;
	v53 =	vadd.f32 v27, v28  }
0x191: {  	v54 =	vadd.f32 v19, v26;
	v56 =	vadd.f32 v23, v21  }
0x192: {  	v57 =	vadd.f32 v24, v22;
	v8 =	vadd.f32 v16, v18  }
0x193: {  	v55 =	vadd.f32 v15, v17;
	v9 =	vadd.f32 v13, v14  }
0x194: {  	v0 =	vadd.f32 v1, v0;
	v48 =	vadd.f32 v3, v2  }
0x195: {  	v49 =	vadd.f32 v5, v4;
	v50 =	vadd.f32 v7, v6  }
0x196: {  	v2 =	vadd.f32 v53, v52;
	v59 =	vadd.f32 v57, v56  }
0x197: {  	v58 =	vadd.f32 v55, v54;
	v0 =	vadd.f32 v48, v0  }
0x198: {  	s28 =	sand.u32 $0x80, s26;
	s25 =	sadd.s32 $0x1, s25;
	v60 =	vadd.f32 v9, v8;
	v51 =	vadd.f32 v50, v49  }
0x199: {  	s31 =	sand.u32 $0x40, s26;
	s28 =	sadd.s32 s28, s24;
	p0 =	sne.s32 s25, $0x4;
	v2 =	vadd.f32 v58, v2;
	v0 =	vmul.f32 $1.428571410e+01, v0  }
.Ltmp2:
0x19a: {  	s26 =	sadd.s32 s31, s28;
	v61 =	vadd.f32 v60, v59;
	v1 =	vmul.f32 $1.428571410e+01, v51;
	(pc) =	sbr.rel @p0 .LBB2_5-.Ltmp2, $4  }
0x19b: {  	v62 =	vmul.f32 $1.428571410e+01, v2;
	[tilespmem:s26+$0x0] =	vst v0  }
0x19c: {  	v63 =	vmul.f32 $1.428571410e+01, v61;
	[tilespmem:s26+$0x10] =	vst v1  }
0x19d: {  	[tilespmem:s26+$0x20] =	vst v62  }
0x19e: {  	[tilespmem:s26+$0x30] =	vst v63  }
0x19f: {  	s16 =	sadd.s32 $0x1, s16  }
0x1a0: {  	p0 =	sne.s32 s16, $0x40  }
.Ltmp3:
0x1a1: {  	_ = 	snop;
	(pc) =	sbr.rel @p0 .LBB2_2-.Ltmp3, $1  }
0x1a2: {  	_ =	sdelay $0x3  }
0x1a3: {  	s15 =	sadd.s32 $0x1, s15  }
0x1a4: {  	p0 =	sne.s32 s15, s7  }
.Ltmp4:
0x1a5: {  	_ = 	snop;
	(pc) =	sbr.rel @p0 .LBB2_1-.Ltmp4, $4  }
0x1a6: {  	[hbm4b:s6+s3] =	stream.linear.scatter [tilespmem:s13], [sflag:$0x3], $0x4000, $0x38;
	[tilespmem:$0x19000] =	vst v63  }
0x1a7: {  	_ =	swait.ge [sflag:s8], $0x4000  }
0x1a8: {  	[sflag:s8] =	ssyncset.done $0x0  }
0x1a9: {  	[sflag:s8] =	ssyncadd.s32 $0xFFFFC000  }
0x1aa: {  	_ =	sfence.sel $0x180000  }
0x1ab: {  	[bflag:$0x0] =	sbarrier.arrive $0xFFFF  }
0x1ac: {  	p0 =	sne.s32 s2, $0x0;
	_ =	strace $0x90000047  }
0x1ad: {  	s0 =	sadd.s32 @!p0 $0x100000, s0;
	[bflag:$0x2] =	sbarrier.arrive $0xFFFF  }
0x1ae: {  	[sflag:s0] =	ssyncadd.tile.s32 @!p0 $0x1;
	_ =	shalt  }
.Lfunc_end2:
_tile_overlayer_lowered:
.L_overlay_start_2:
0x1af: {  	(tag) =	ssettag $0x2  }
0x1b0: {  	s0 =	rddreg [dreg:$0x0];
	s2 =	stileid.u32  }
0x1b1: {  	s1 =	rddreg [dreg:$0x1];
	p0 =	sne.s32 s2, $0x0  }
0x1b2: {  	s3 =	rddreg [dreg:$0x2];
	[bflag:$0x3] =	sbarrier.arrive $0xFFFF;
	s2 =	simm.s32 @!p0 $0x1C03  }
0x1b3: {  	[timem:s3], [sflag:s2] =	dma.local @!p0 [hbm:s0], s1  }
0x1b4: {  	s0 =	simm.s32 @!p0 $0x3  }
0x1b5: {  	_ =	swait.ge @!p0 [sflag:s0], s1  }
0x1b6: {  	s1 =	ssub.s32 @!p0 $0x0, s1;
	[sflag:s0] =	ssyncset.done @!p0 $0x0  }
0x1b7: {  	[sflag:s0] =	ssyncadd.s32 @!p0 s1  }
0x1b8: {  	[bflag:$0x3] =	sbarrier.arrive $0xFFFF  }
0x1b9: {  	_ =	shalt  }

</sc_bundles>
